<compile_context>
chip_gen: v7x
topology: tpu7x:2x2x1
jax: 0.10.2.dev20260603
libtpu: 0.0.44.dev20260713+nightly
codegen_flags: <defaults>
</compile_context>

<pallas_src>
import functools
import math

import jax
import jax.numpy as jnp
import numpy as np
from jax import lax
from jax.experimental import pallas as pl
from jax.experimental.pallas import tpu as pltpu
from jax.experimental.pallas import tpu_sc as plsc

D_MODEL = 768
SEQ_LEN = 8192
BATCH = 4
NUM_CORES = 2
NUM_SUBCORES = 16
NUM_WORKERS = NUM_CORES * NUM_SUBCORES
POS_PER_WORKER = SEQ_LEN // NUM_WORKERS
CHUNK = 16
CHUNKS_PER_WORKER = POS_PER_WORKER // CHUNK
STEPS = CHUNKS_PER_WORKER * BATCH
LANES = 16
NBUF = 4
SCALE = math.sqrt(D_MODEL)


def _pos_encoding(seq_len, d_model):
    pos = np.arange(seq_len, dtype=np.float32).reshape(-1, 1)
    dim = np.arange(0, d_model, 2, dtype=np.float32).reshape(1, -1)
    div = pos / 10000 ** (dim / d_model)
    pe = np.zeros((seq_len, d_model), np.float32)
    pe[:, 0::2] = np.sin(div)
    pe[:, 1::2] = np.cos(div)
    return pe


_PE = _pos_encoding(SEQ_LEN, D_MODEL)


def kernel(x, emb_table):
    pe = jnp.asarray(_PE.reshape(-1))
    xf = x.reshape(-1)
    mesh = plsc.VectorSubcoreMesh(core_axis_name="c", subcore_axis_name="s")

    @functools.partial(
        pl.kernel,
        mesh=mesh,
        out_type=jax.ShapeDtypeStruct((BATCH * SEQ_LEN, D_MODEL), jnp.float32),
        scratch_types=[
            pltpu.VMEM((BATCH, POS_PER_WORKER), jnp.int32),
            pltpu.VMEM((2, CHUNK * D_MODEL), jnp.float32),
            pltpu.VMEM((NBUF, CHUNK, D_MODEL), jnp.float32),
        ] + [pltpu.SemaphoreType.DMA] * (1 + 2 * NBUF),
    )
    def emb_kernel(x_hbm, table_hbm, pe_hbm, out_hbm, idx_v, pe_v, rows_v,
                   sem_p, *sems):
        wid = lax.axis_index("s") * NUM_CORES + lax.axis_index("c")
        pos0 = wid * POS_PER_WORKER
        sem_g = sems[:NBUF]
        sem_w = sems[NBUF:]

        def gather_start(k, b, buf):
            idx_slice = idx_v.at[b, pl.ds(k * CHUNK, CHUNK)]
            pltpu.async_copy(table_hbm.at[idx_slice], rows_v.at[buf],
                             sem_g[buf])

        def gather_wait(buf):
            pltpu.make_async_copy(
                table_hbm.at[idx_v.at[0, pl.ds(0, CHUNK)]],
                rows_v.at[buf], sem_g[buf]).wait()

        def pe_start(k, buf):
            pltpu.async_copy(
                pe_hbm.at[pl.ds((pos0 + k * CHUNK) * D_MODEL,
                                CHUNK * D_MODEL)],
                pe_v.at[buf], sem_p)

        def pe_wait(buf):
            pltpu.make_async_copy(pe_hbm.at[pl.ds(0, CHUNK * D_MODEL)],
                                  pe_v.at[buf], sem_p).wait()

        def write_start(k, b, buf):
            pltpu.async_copy(
                rows_v.at[buf],
                out_hbm.at[pl.ds(b * SEQ_LEN + pos0 + k * CHUNK, CHUNK)],
                sem_w[buf])

        def write_wait(buf):
            pltpu.make_async_copy(rows_v.at[buf],
                                  out_hbm.at[pl.ds(0, CHUNK)],
                                  sem_w[buf]).wait()

        def on_par(par, fn):
            for p in range(NBUF):
                @pl.when(par == p)
                def _(p=p):
                    fn(p)

        for b in range(BATCH):
            pltpu.sync_copy(
                x_hbm.at[pl.ds(b * SEQ_LEN + pos0, POS_PER_WORKER)],
                idx_v.at[b])

        pe_start(0, 0)
        for i in range(NBUF - 1):
            gather_start(i // BATCH, i % BATCH, i % NBUF)

        def step_body(s, carry):
            k = s // BATCH
            b = s % BATCH
            par = s % NBUF
            kpar = k % 2

            on_par(par, lambda p: gather_wait(p))

            @pl.when(b == 0)
            def _():
                @pl.when(kpar == 0)
                def _():
                    pe_wait(0)

                @pl.when(kpar == 1)
                def _():
                    pe_wait(1)

                @pl.when(k < CHUNKS_PER_WORKER - 1)
                def _():
                    @pl.when(kpar == 0)
                    def _():
                        pe_start(k + 1, 1)

                    @pl.when(kpar == 1)
                    def _():
                        pe_start(k + 1, 0)

            @plsc.parallel_loop(0, CHUNK)
            def _row(r):
                pbase = r * D_MODEL
                for c in range(D_MODEL // LANES):
                    off = pl.ds(c * LANES, LANES)
                    rows_v[par, r, off] = (
                        rows_v[par, r, off] * SCALE
                        + pe_v[kpar, pl.ds(pbase + c * LANES, LANES)])

            @pl.when(s >= 1)
            def _():
                on_par((s + NBUF - 1) % NBUF, lambda p: write_wait(p))

            on_par(par, lambda p: write_start(k, b, p))

            @pl.when(s < STEPS - (NBUF - 1))
            def _():
                s2 = s + NBUF - 1
                on_par(s2 % NBUF,
                       lambda p: gather_start(s2 // BATCH, s2 % BATCH, p))

            return carry

        lax.fori_loop(0, STEPS, step_body, 0)

        write_wait((STEPS - 1) % NBUF)

    out = emb_kernel(xf, emb_table, pe)
    return out.reshape(BATCH, SEQ_LEN, D_MODEL)

# --- scband reference (transcript-rebuilt; emitter-appended) ---
"""Pipeline reference for scband-transformer-embeddings-10428180595290 (READ-ONLY COPY).

The authoritative reference and input builder live on the scoring server;
editing this copy changes nothing except your own understanding.
"""

import jax, jax.numpy as jnp
import numpy as np
import math

D_MODEL = 768
VOCAB_SIZE = 100000
BATCH = 4
SEQ_LEN = 8192


def position_encoding(d_model, seq_len):
    pos = jnp.arange(0, seq_len).reshape(-1, 1).astype(jnp.float32)
    dim = jnp.arange(0, d_model, 2).reshape(1, -1).astype(jnp.float32)
    div = pos / 10000 ** (dim / d_model)
    pe = jnp.zeros((seq_len, d_model), dtype=jnp.float32)
    pe = pe.at[:, 0::2].set(jnp.sin(div))
    pe = pe.at[:, 1::2].set(jnp.cos(div))
    return pe


def setup_inputs(seed: int = 0) -> dict:
    key = jax.random.key(seed)
    k1, k2 = jax.random.split(key)
    x = jax.random.randint(k1, (BATCH, SEQ_LEN), 0, VOCAB_SIZE, dtype=jnp.int32)
    emb_table = jax.random.normal(k2, (VOCAB_SIZE, D_MODEL), dtype=jnp.float32) * 0.02
    return {"x": x, "emb_table": emb_table}


def reference(x, emb_table):
    # TokenEmbeddings: gather + scale
    tok_emb = jnp.take(emb_table, x, axis=0) * math.sqrt(D_MODEL)
    # position encoding broadcast over batch
    pos_enc = position_encoding(D_MODEL, x.shape[1])
    # dropout is identity in eval/inference mode
    out = tok_emb + pos_enc
    return out

if __name__ == "__main__":
    import jax
    _d = setup_inputs()
    print(jax.jit(kernel)(*tuple(_d.values())))

</pallas_src>

<mosaic_0001>
#map = affine_map<(d0, d1) -> (0)>
#map1 = affine_map<(d0, d1) -> (0, 0)>
module attributes {stable_mosaic.version = 14 : i64} {
  func.func @emb_kernel(%arg0: i32, %arg1: i32, %arg2: memref<32768xi32, #tpu.memory_space<hbm>>, %arg3: memref<100000x768xf32, #tpu.memory_space<hbm>>, %arg4: memref<6291456xf32, #tpu.memory_space<hbm>>, %arg5: memref<32768x768xf32, #tpu.memory_space<hbm>>, %arg6: memref<4x256xi32, #tpu.memory_space<vmem>>, %arg7: memref<2x12288xf32, #tpu.memory_space<vmem>>, %arg8: memref<4x16x768xf32, #tpu.memory_space<vmem>>, %arg9: memref<!tpu.dma_semaphore, #tpu.memory_space<semaphore_mem>>, %arg10: memref<!tpu.dma_semaphore, #tpu.memory_space<semaphore_mem>>, %arg11: memref<!tpu.dma_semaphore, #tpu.memory_space<semaphore_mem>>, %arg12: memref<!tpu.dma_semaphore, #tpu.memory_space<semaphore_mem>>, %arg13: memref<!tpu.dma_semaphore, #tpu.memory_space<semaphore_mem>>, %arg14: memref<!tpu.dma_semaphore, #tpu.memory_space<semaphore_mem>>, %arg15: memref<!tpu.dma_semaphore, #tpu.memory_space<semaphore_mem>>, %arg16: memref<!tpu.dma_semaphore, #tpu.memory_space<semaphore_mem>>, %arg17: memref<!tpu.dma_semaphore, #tpu.memory_space<semaphore_mem>>) attributes {dimension_semantics = [#tpu.dimension_semantics<core_parallel>, #tpu.dimension_semantics<subcore_parallel>], iteration_bounds = array<i64: 2, 16>, scalar_prefetch = 0 : i64, scratch_operands = 12 : i64, tpu.core_type = #tpu.core_type<sc_vector_subcore>, window_params = [{transform_indices = #map}, {transform_indices = #map1}, {transform_indices = #map}, {transform_indices = #map1}]} {
    %mul3A = arith.constant 2 : i32
    %mul3A_0 = arith.muli %arg1, %mul3A : i32
    %add3A = arith.addi %mul3A_0, %arg0 : i32
    %mul3A_1 = arith.constant 256 : i32
    %mul3A_2 = arith.muli %add3A, %mul3A_1 : i32
    %add3A_3 = arith.constant 0 : i32
    %add3A_4 = arith.addi %add3A_3, %mul3A_2 : i32
    %run_scoped3A = arith.constant 0 : i32
    "tpu.region"() ({
      %run_scoped3A_81 = tpu.sem_alloc : memref<!tpu.dma_semaphore, #tpu.memory_space<semaphore_mem>>
      %dma_start3A_82 = arith.constant 0 : i32
      %dma_start3A_83 = tpu.memref_slice %arg6[%run_scoped3A, %dma_start3A_82] : memref<4x256xi32, #tpu.memory_space<vmem>> -> memref<1x256xi32, #tpu.memory_space<vmem>>
      %dma_start3A_84 = tpu.memref_squeeze %dma_start3A_83 : memref<1x256xi32, #tpu.memory_space<vmem>> -> memref<256xi32, #tpu.memory_space<vmem>>
      %dma_start3A_85 = tpu.memref_slice %arg2[%add3A_4] : memref<32768xi32, #tpu.memory_space<hbm>> -> memref<256xi32, #tpu.memory_space<hbm>>
      %dma_start3A_86 = arith.constant 0 : i32
      %dma_start3A_87 = tpu.memref_slice %arg6[%run_scoped3A, %dma_start3A_86] : memref<4x256xi32, #tpu.memory_space<vmem>> -> memref<1x256xi32, #tpu.memory_space<vmem>>
      %dma_start3A_88 = tpu.memref_squeeze %dma_start3A_87 : memref<1x256xi32, #tpu.memory_space<vmem>> -> memref<256xi32, #tpu.memory_space<vmem>>
      %dma_start3A_89 = tpu.memref_slice %arg2[%add3A_4] : memref<32768xi32, #tpu.memory_space<hbm>> -> memref<256xi32, #tpu.memory_space<hbm>>
      tpu.enqueue_dma source(%dma_start3A_89 : memref<256xi32, #tpu.memory_space<hbm>>) target(%dma_start3A_88 : memref<256xi32, #tpu.memory_space<vmem>>) target_semaphore(%run_scoped3A_81 : memref<!tpu.dma_semaphore, #tpu.memory_space<semaphore_mem>>)
      %dma_wait3A_90 = arith.constant 0 : i32
      %dma_wait3A_91 = tpu.memref_slice %arg6[%run_scoped3A, %dma_wait3A_90] : memref<4x256xi32, #tpu.memory_space<vmem>> -> memref<1x256xi32, #tpu.memory_space<vmem>>
      %dma_wait3A_92 = tpu.memref_squeeze %dma_wait3A_91 : memref<1x256xi32, #tpu.memory_space<vmem>> -> memref<256xi32, #tpu.memory_space<vmem>>
      %dma_wait3A_93 = tpu.memref_slice %arg2[%add3A_4] : memref<32768xi32, #tpu.memory_space<hbm>> -> memref<256xi32, #tpu.memory_space<hbm>>
      %dma_wait3A_94 = arith.constant 0 : i32
      %dma_wait3A_95 = tpu.memref_slice %arg6[%run_scoped3A, %dma_wait3A_94] : memref<4x256xi32, #tpu.memory_space<vmem>> -> memref<1x256xi32, #tpu.memory_space<vmem>>
      %dma_wait3A_96 = tpu.memref_squeeze %dma_wait3A_95 : memref<1x256xi32, #tpu.memory_space<vmem>> -> memref<256xi32, #tpu.memory_space<vmem>>
      %dma_wait3A_97 = tpu.memref_slice %arg2[%add3A_4] : memref<32768xi32, #tpu.memory_space<hbm>> -> memref<256xi32, #tpu.memory_space<hbm>>
      tpu.wait_dma2 semaphore(%run_scoped3A_81 : memref<!tpu.dma_semaphore, #tpu.memory_space<semaphore_mem>>) src(%dma_wait3A_97 : memref<256xi32, #tpu.memory_space<hbm>>) dst(%dma_wait3A_96 : memref<256xi32, #tpu.memory_space<vmem>>)
      tpu.yield
    }) : () -> ()
    %add3A_5 = arith.constant 8192 : i32
    %add3A_6 = arith.addi %add3A_5, %mul3A_2 : i32
    %run_scoped3A_7 = arith.constant 1 : i32
    "tpu.region"() ({
      %run_scoped3A_81 = tpu.sem_alloc : memref<!tpu.dma_semaphore, #tpu.memory_space<semaphore_mem>>
      %dma_start3A_82 = arith.constant 0 : i32
      %dma_start3A_83 = tpu.memref_slice %arg6[%run_scoped3A_7, %dma_start3A_82] : memref<4x256xi32, #tpu.memory_space<vmem>> -> memref<1x256xi32, #tpu.memory_space<vmem>>
      %dma_start3A_84 = tpu.memref_squeeze %dma_start3A_83 : memref<1x256xi32, #tpu.memory_space<vmem>> -> memref<256xi32, #tpu.memory_space<vmem>>
      %dma_start3A_85 = tpu.memref_slice %arg2[%add3A_6] : memref<32768xi32, #tpu.memory_space<hbm>> -> memref<256xi32, #tpu.memory_space<hbm>>
      %dma_start3A_86 = arith.constant 0 : i32
      %dma_start3A_87 = tpu.memref_slice %arg6[%run_scoped3A_7, %dma_start3A_86] : memref<4x256xi32, #tpu.memory_space<vmem>> -> memref<1x256xi32, #tpu.memory_space<vmem>>
      %dma_start3A_88 = tpu.memref_squeeze %dma_start3A_87 : memref<1x256xi32, #tpu.memory_space<vmem>> -> memref<256xi32, #tpu.memory_space<vmem>>
      %dma_start3A_89 = tpu.memref_slice %arg2[%add3A_6] : memref<32768xi32, #tpu.memory_space<hbm>> -> memref<256xi32, #tpu.memory_space<hbm>>
      tpu.enqueue_dma source(%dma_start3A_89 : memref<256xi32, #tpu.memory_space<hbm>>) target(%dma_start3A_88 : memref<256xi32, #tpu.memory_space<vmem>>) target_semaphore(%run_scoped3A_81 : memref<!tpu.dma_semaphore, #tpu.memory_space<semaphore_mem>>)
      %dma_wait3A_90 = arith.constant 0 : i32
      %dma_wait3A_91 = tpu.memref_slice %arg6[%run_scoped3A_7, %dma_wait3A_90] : memref<4x256xi32, #tpu.memory_space<vmem>> -> memref<1x256xi32, #tpu.memory_space<vmem>>
      %dma_wait3A_92 = tpu.memref_squeeze %dma_wait3A_91 : memref<1x256xi32, #tpu.memory_space<vmem>> -> memref<256xi32, #tpu.memory_space<vmem>>
      %dma_wait3A_93 = tpu.memref_slice %arg2[%add3A_6] : memref<32768xi32, #tpu.memory_space<hbm>> -> memref<256xi32, #tpu.memory_space<hbm>>
      %dma_wait3A_94 = arith.constant 0 : i32
      %dma_wait3A_95 = tpu.memref_slice %arg6[%run_scoped3A_7, %dma_wait3A_94] : memref<4x256xi32, #tpu.memory_space<vmem>> -> memref<1x256xi32, #tpu.memory_space<vmem>>
      %dma_wait3A_96 = tpu.memref_squeeze %dma_wait3A_95 : memref<1x256xi32, #tpu.memory_space<vmem>> -> memref<256xi32, #tpu.memory_space<vmem>>
      %dma_wait3A_97 = tpu.memref_slice %arg2[%add3A_6] : memref<32768xi32, #tpu.memory_space<hbm>> -> memref<256xi32, #tpu.memory_space<hbm>>
      tpu.wait_dma2 semaphore(%run_scoped3A_81 : memref<!tpu.dma_semaphore, #tpu.memory_space<semaphore_mem>>) src(%dma_wait3A_97 : memref<256xi32, #tpu.memory_space<hbm>>) dst(%dma_wait3A_96 : memref<256xi32, #tpu.memory_space<vmem>>)
      tpu.yield
    }) : () -> ()
    %add3A_8 = arith.constant 16384 : i32
    %add3A_9 = arith.addi %add3A_8, %mul3A_2 : i32
    %run_scoped3A_10 = arith.constant 2 : i32
    "tpu.region"() ({
      %run_scoped3A_81 = tpu.sem_alloc : memref<!tpu.dma_semaphore, #tpu.memory_space<semaphore_mem>>
      %dma_start3A_82 = arith.constant 0 : i32
      %dma_start3A_83 = tpu.memref_slice %arg6[%run_scoped3A_10, %dma_start3A_82] : memref<4x256xi32, #tpu.memory_space<vmem>> -> memref<1x256xi32, #tpu.memory_space<vmem>>
      %dma_start3A_84 = tpu.memref_squeeze %dma_start3A_83 : memref<1x256xi32, #tpu.memory_space<vmem>> -> memref<256xi32, #tpu.memory_space<vmem>>
      %dma_start3A_85 = tpu.memref_slice %arg2[%add3A_9] : memref<32768xi32, #tpu.memory_space<hbm>> -> memref<256xi32, #tpu.memory_space<hbm>>
      %dma_start3A_86 = arith.constant 0 : i32
      %dma_start3A_87 = tpu.memref_slice %arg6[%run_scoped3A_10, %dma_start3A_86] : memref<4x256xi32, #tpu.memory_space<vmem>> -> memref<1x256xi32, #tpu.memory_space<vmem>>
      %dma_start3A_88 = tpu.memref_squeeze %dma_start3A_87 : memref<1x256xi32, #tpu.memory_space<vmem>> -> memref<256xi32, #tpu.memory_space<vmem>>
      %dma_start3A_89 = tpu.memref_slice %arg2[%add3A_9] : memref<32768xi32, #tpu.memory_space<hbm>> -> memref<256xi32, #tpu.memory_space<hbm>>
      tpu.enqueue_dma source(%dma_start3A_89 : memref<256xi32, #tpu.memory_space<hbm>>) target(%dma_start3A_88 : memref<256xi32, #tpu.memory_space<vmem>>) target_semaphore(%run_scoped3A_81 : memref<!tpu.dma_semaphore, #tpu.memory_space<semaphore_mem>>)
      %dma_wait3A_90 = arith.constant 0 : i32
      %dma_wait3A_91 = tpu.memref_slice %arg6[%run_scoped3A_10, %dma_wait3A_90] : memref<4x256xi32, #tpu.memory_space<vmem>> -> memref<1x256xi32, #tpu.memory_space<vmem>>
      %dma_wait3A_92 = tpu.memref_squeeze %dma_wait3A_91 : memref<1x256xi32, #tpu.memory_space<vmem>> -> memref<256xi32, #tpu.memory_space<vmem>>
      %dma_wait3A_93 = tpu.memref_slice %arg2[%add3A_9] : memref<32768xi32, #tpu.memory_space<hbm>> -> memref<256xi32, #tpu.memory_space<hbm>>
      %dma_wait3A_94 = arith.constant 0 : i32
      %dma_wait3A_95 = tpu.memref_slice %arg6[%run_scoped3A_10, %dma_wait3A_94] : memref<4x256xi32, #tpu.memory_space<vmem>> -> memref<1x256xi32, #tpu.memory_space<vmem>>
      %dma_wait3A_96 = tpu.memref_squeeze %dma_wait3A_95 : memref<1x256xi32, #tpu.memory_space<vmem>> -> memref<256xi32, #tpu.memory_space<vmem>>
      %dma_wait3A_97 = tpu.memref_slice %arg2[%add3A_9] : memref<32768xi32, #tpu.memory_space<hbm>> -> memref<256xi32, #tpu.memory_space<hbm>>
      tpu.wait_dma2 semaphore(%run_scoped3A_81 : memref<!tpu.dma_semaphore, #tpu.memory_space<semaphore_mem>>) src(%dma_wait3A_97 : memref<256xi32, #tpu.memory_space<hbm>>) dst(%dma_wait3A_96 : memref<256xi32, #tpu.memory_space<vmem>>)
      tpu.yield
    }) : () -> ()
    %add3A_11 = arith.constant 24576 : i32
    %add3A_12 = arith.addi %add3A_11, %mul3A_2 : i32
    %run_scoped3A_13 = arith.constant 3 : i32
    "tpu.region"() ({
      %run_scoped3A_81 = tpu.sem_alloc : memref<!tpu.dma_semaphore, #tpu.memory_space<semaphore_mem>>
      %dma_start3A_82 = arith.constant 0 : i32
      %dma_start3A_83 = tpu.memref_slice %arg6[%run_scoped3A_13, %dma_start3A_82] : memref<4x256xi32, #tpu.memory_space<vmem>> -> memref<1x256xi32, #tpu.memory_space<vmem>>
      %dma_start3A_84 = tpu.memref_squeeze %dma_start3A_83 : memref<1x256xi32, #tpu.memory_space<vmem>> -> memref<256xi32, #tpu.memory_space<vmem>>
      %dma_start3A_85 = tpu.memref_slice %arg2[%add3A_12] : memref<32768xi32, #tpu.memory_space<hbm>> -> memref<256xi32, #tpu.memory_space<hbm>>
      %dma_start3A_86 = arith.constant 0 : i32
      %dma_start3A_87 = tpu.memref_slice %arg6[%run_scoped3A_13, %dma_start3A_86] : memref<4x256xi32, #tpu.memory_space<vmem>> -> memref<1x256xi32, #tpu.memory_space<vmem>>
      %dma_start3A_88 = tpu.memref_squeeze %dma_start3A_87 : memref<1x256xi32, #tpu.memory_space<vmem>> -> memref<256xi32, #tpu.memory_space<vmem>>
      %dma_start3A_89 = tpu.memref_slice %arg2[%add3A_12] : memref<32768xi32, #tpu.memory_space<hbm>> -> memref<256xi32, #tpu.memory_space<hbm>>
      tpu.enqueue_dma source(%dma_start3A_89 : memref<256xi32, #tpu.memory_space<hbm>>) target(%dma_start3A_88 : memref<256xi32, #tpu.memory_space<vmem>>) target_semaphore(%run_scoped3A_81 : memref<!tpu.dma_semaphore, #tpu.memory_space<semaphore_mem>>)
      %dma_wait3A_90 = arith.constant 0 : i32
      %dma_wait3A_91 = tpu.memref_slice %arg6[%run_scoped3A_13, %dma_wait3A_90] : memref<4x256xi32, #tpu.memory_space<vmem>> -> memref<1x256xi32, #tpu.memory_space<vmem>>
      %dma_wait3A_92 = tpu.memref_squeeze %dma_wait3A_91 : memref<1x256xi32, #tpu.memory_space<vmem>> -> memref<256xi32, #tpu.memory_space<vmem>>
      %dma_wait3A_93 = tpu.memref_slice %arg2[%add3A_12] : memref<32768xi32, #tpu.memory_space<hbm>> -> memref<256xi32, #tpu.memory_space<hbm>>
      %dma_wait3A_94 = arith.constant 0 : i32
      %dma_wait3A_95 = tpu.memref_slice %arg6[%run_scoped3A_13, %dma_wait3A_94] : memref<4x256xi32, #tpu.memory_space<vmem>> -> memref<1x256xi32, #tpu.memory_space<vmem>>
      %dma_wait3A_96 = tpu.memref_squeeze %dma_wait3A_95 : memref<1x256xi32, #tpu.memory_space<vmem>> -> memref<256xi32, #tpu.memory_space<vmem>>
      %dma_wait3A_97 = tpu.memref_slice %arg2[%add3A_12] : memref<32768xi32, #tpu.memory_space<hbm>> -> memref<256xi32, #tpu.memory_space<hbm>>
      tpu.wait_dma2 semaphore(%run_scoped3A_81 : memref<!tpu.dma_semaphore, #tpu.memory_space<semaphore_mem>>) src(%dma_wait3A_97 : memref<256xi32, #tpu.memory_space<hbm>>) dst(%dma_wait3A_96 : memref<256xi32, #tpu.memory_space<vmem>>)
      tpu.yield
    }) : () -> ()
    %add3A_14 = arith.constant 0 : i32
    %add3A_15 = arith.addi %mul3A_2, %add3A_14 : i32
    %mul3A_16 = arith.constant 768 : i32
    %mul3A_17 = arith.muli %add3A_15, %mul3A_16 : i32
    %dma_start3A = arith.constant 0 : i32
    %dma_start3A_18 = arith.constant 0 : i32
    %dma_start3A_19 = tpu.memref_slice %arg7[%dma_start3A, %dma_start3A_18] : memref<2x12288xf32, #tpu.memory_space<vmem>> -> memref<1x12288xf32, #tpu.memory_space<vmem>>
    %dma_start3A_20 = tpu.memref_squeeze %dma_start3A_19 : memref<1x12288xf32, #tpu.memory_space<vmem>> -> memref<12288xf32, #tpu.memory_space<vmem>>
    %dma_start3A_21 = tpu.memref_slice %arg4[%mul3A_17] : memref<6291456xf32, #tpu.memory_space<hbm>> -> memref<12288xf32, #tpu.memory_space<hbm>>
    %dma_start3A_22 = arith.constant 0 : i32
    %dma_start3A_23 = tpu.memref_slice %arg7[%dma_start3A, %dma_start3A_22] : memref<2x12288xf32, #tpu.memory_space<vmem>> -> memref<1x12288xf32, #tpu.memory_space<vmem>>
    %dma_start3A_24 = tpu.memref_squeeze %dma_start3A_23 : memref<1x12288xf32, #tpu.memory_space<vmem>> -> memref<12288xf32, #tpu.memory_space<vmem>>
    %dma_start3A_25 = tpu.memref_slice %arg4[%mul3A_17] : memref<6291456xf32, #tpu.memory_space<hbm>> -> memref<12288xf32, #tpu.memory_space<hbm>>
    tpu.enqueue_dma source(%dma_start3A_25 : memref<12288xf32, #tpu.memory_space<hbm>>) target(%dma_start3A_24 : memref<12288xf32, #tpu.memory_space<vmem>>) target_semaphore(%arg9 : memref<!tpu.dma_semaphore, #tpu.memory_space<semaphore_mem>>)
    %dma_start3A_26 = arith.constant 0 : i32
    %dma_start3A_27 = arith.constant 0 : i32
    %dma_start3A_28 = arith.constant 0 : i32
    %dma_start3A_29 = arith.constant 0 : i32
    %dma_start3A_30 = tpu.memref_slice %arg8[%dma_start3A_27, %dma_start3A_28, %dma_start3A_29] : memref<4x16x768xf32, #tpu.memory_space<vmem>> -> memref<1x16x768xf32, #tpu.memory_space<vmem>>
    %dma_start3A_31 = tpu.memref_squeeze %dma_start3A_30 : memref<1x16x768xf32, #tpu.memory_space<vmem>> -> memref<16x768xf32, #tpu.memory_space<vmem>>
    %dma_start3A_32 = arith.constant 0 : i32
    %dma_start3A_33 = tpu.memref_slice %arg6[%dma_start3A_26, %dma_start3A_32] : memref<4x256xi32, #tpu.memory_space<vmem>> -> memref<1x16xi32, #tpu.memory_space<vmem>>
    %dma_start3A_34 = tpu.memref_squeeze %dma_start3A_33 : memref<1x16xi32, #tpu.memory_space<vmem>> -> memref<16xi32, #tpu.memory_space<vmem>>
    %dma_start3A_35 = arith.constant 0 : i32
    %dma_start3A_36 = arith.constant 0 : i32
    %dma_start3A_37 = tpu.memref_slice %arg3[%dma_start3A_35, %dma_start3A_36] : memref<100000x768xf32, #tpu.memory_space<hbm>> -> memref<100000x768xf32, #tpu.memory_space<hbm>>
    tpu.enqueue_indirect_dma source(%dma_start3A_37 : memref<100000x768xf32, #tpu.memory_space<hbm>>) target(%dma_start3A_31 : memref<16x768xf32, #tpu.memory_space<vmem>>) offsets(%dma_start3A_34 : memref<16xi32, #tpu.memory_space<vmem>>) semaphore(%arg10 : memref<!tpu.dma_semaphore, #tpu.memory_space<semaphore_mem>>)
    %dma_start3A_38 = arith.constant 1 : i32
    %dma_start3A_39 = arith.constant 1 : i32
    %dma_start3A_40 = arith.constant 0 : i32
    %dma_start3A_41 = arith.constant 0 : i32
    %dma_start3A_42 = tpu.memref_slice %arg8[%dma_start3A_39, %dma_start3A_40, %dma_start3A_41] : memref<4x16x768xf32, #tpu.memory_space<vmem>> -> memref<1x16x768xf32, #tpu.memory_space<vmem>>
    %dma_start3A_43 = tpu.memref_squeeze %dma_start3A_42 : memref<1x16x768xf32, #tpu.memory_space<vmem>> -> memref<16x768xf32, #tpu.memory_space<vmem>>
    %dma_start3A_44 = arith.constant 0 : i32
    %dma_start3A_45 = tpu.memref_slice %arg6[%dma_start3A_38, %dma_start3A_44] : memref<4x256xi32, #tpu.memory_space<vmem>> -> memref<1x16xi32, #tpu.memory_space<vmem>>
    %dma_start3A_46 = tpu.memref_squeeze %dma_start3A_45 : memref<1x16xi32, #tpu.memory_space<vmem>> -> memref<16xi32, #tpu.memory_space<vmem>>
    %dma_start3A_47 = arith.constant 0 : i32
    %dma_start3A_48 = arith.constant 0 : i32
    %dma_start3A_49 = tpu.memref_slice %arg3[%dma_start3A_47, %dma_start3A_48] : memref<100000x768xf32, #tpu.memory_space<hbm>> -> memref<100000x768xf32, #tpu.memory_space<hbm>>
    tpu.enqueue_indirect_dma source(%dma_start3A_49 : memref<100000x768xf32, #tpu.memory_space<hbm>>) target(%dma_start3A_43 : memref<16x768xf32, #tpu.memory_space<vmem>>) offsets(%dma_start3A_46 : memref<16xi32, #tpu.memory_space<vmem>>) semaphore(%arg11 : memref<!tpu.dma_semaphore, #tpu.memory_space<semaphore_mem>>)
    %dma_start3A_50 = arith.constant 2 : i32
    %dma_start3A_51 = arith.constant 2 : i32
    %dma_start3A_52 = arith.constant 0 : i32
    %dma_start3A_53 = arith.constant 0 : i32
    %dma_start3A_54 = tpu.memref_slice %arg8[%dma_start3A_51, %dma_start3A_52, %dma_start3A_53] : memref<4x16x768xf32, #tpu.memory_space<vmem>> -> memref<1x16x768xf32, #tpu.memory_space<vmem>>
    %dma_start3A_55 = tpu.memref_squeeze %dma_start3A_54 : memref<1x16x768xf32, #tpu.memory_space<vmem>> -> memref<16x768xf32, #tpu.memory_space<vmem>>
    %dma_start3A_56 = arith.constant 0 : i32
    %dma_start3A_57 = tpu.memref_slice %arg6[%dma_start3A_50, %dma_start3A_56] : memref<4x256xi32, #tpu.memory_space<vmem>> -> memref<1x16xi32, #tpu.memory_space<vmem>>
    %dma_start3A_58 = tpu.memref_squeeze %dma_start3A_57 : memref<1x16xi32, #tpu.memory_space<vmem>> -> memref<16xi32, #tpu.memory_space<vmem>>
    %dma_start3A_59 = arith.constant 0 : i32
    %dma_start3A_60 = arith.constant 0 : i32
    %dma_start3A_61 = tpu.memref_slice %arg3[%dma_start3A_59, %dma_start3A_60] : memref<100000x768xf32, #tpu.memory_space<hbm>> -> memref<100000x768xf32, #tpu.memory_space<hbm>>
    tpu.enqueue_indirect_dma source(%dma_start3A_61 : memref<100000x768xf32, #tpu.memory_space<hbm>>) target(%dma_start3A_55 : memref<16x768xf32, #tpu.memory_space<vmem>>) offsets(%dma_start3A_58 : memref<16xi32, #tpu.memory_space<vmem>>) semaphore(%arg12 : memref<!tpu.dma_semaphore, #tpu.memory_space<semaphore_mem>>)
    %scan3A = arith.constant 0 : i32
    %scan3A_62 = arith.constant 0 : i32
    %scan3A_63 = arith.constant 64 : i32
    %scan3A_64 = arith.addi %scan3A_62, %scan3A_63 : i32
    %scan3A_65 = arith.constant 1 : i32
    scf.for %scan3A_81 = %scan3A_62 to %scan3A_64 step %scan3A_65  : i32 {
      %jit3A = arith.constant 4 : i32
      %div3A = arith.divsi %scan3A_81, %jit3A : i32
      %sign3A = arith.constant 0 : i32
      %sign3A_82 = arith.cmpi sgt, %scan3A_81, %sign3A : i32
      %sign3A_83 = arith.extui %sign3A_82 : i1 to i32
      %sign3A_84 = arith.constant 0 : i32
      %sign3A_85 = arith.cmpi slt, %scan3A_81, %sign3A_84 : i32
      %sign3A_86 = arith.extui %sign3A_85 : i1 to i32
      %sign3A_87 = arith.subi %sign3A_83, %sign3A_86 : i32
      %sign3A_88 = arith.constant 0 : i32
      %sign3A_89 = arith.cmpi sgt, %jit3A, %sign3A_88 : i32
      %sign3A_90 = arith.extui %sign3A_89 : i1 to i32
      %sign3A_91 = arith.constant 0 : i32
      %sign3A_92 = arith.cmpi slt, %jit3A, %sign3A_91 : i32
      %sign3A_93 = arith.extui %sign3A_92 : i1 to i32
      %sign3A_94 = arith.subi %sign3A_90, %sign3A_93 : i32
      %ne3A = arith.cmpi ne, %sign3A_87, %sign3A_94 : i32
      %rem3A = arith.remsi %scan3A_81, %jit3A : i32
      %ne3A_95 = arith.constant 0 : i32
      %ne3A_96 = arith.cmpi ne, %rem3A, %ne3A_95 : i32
      %and3A = arith.andi %ne3A, %ne3A_96 : i1
      %sub3A = arith.constant 1 : i32
      %sub3A_97 = arith.subi %div3A, %sub3A : i32
      %select_n3A = arith.select %and3A, %sub3A_97, %div3A : i32
      %jit3A_98 = arith.constant 4 : i32
      %eq3A = arith.constant 0 : i32
      %eq3A_99 = arith.cmpi eq, %jit3A_98, %eq3A : i32
      %jit3A_100 = arith.constant 1 : i32
      %select_n3A_101 = arith.select %eq3A_99, %jit3A_100, %jit3A_98 : i32
      %rem3A_102 = arith.remsi %scan3A_81, %select_n3A_101 : i32
      %ne3A_103 = arith.constant 0 : i32
      %ne3A_104 = arith.cmpi ne, %rem3A_102, %ne3A_103 : i32
      %lt3A = arith.constant 0 : i32
      %lt3A_105 = arith.cmpi slt, %rem3A_102, %lt3A : i32
      %lt3A_106 = arith.constant 0 : i32
      %lt3A_107 = arith.cmpi slt, %select_n3A_101, %lt3A_106 : i32
      %ne3A_108 = arith.xori %lt3A_105, %lt3A_107 : i1
      %and3A_109 = arith.andi %ne3A_108, %ne3A_104 : i1
      %add3A_110 = arith.addi %rem3A_102, %select_n3A_101 : i32
      %select_n3A_111 = arith.select %and3A_109, %add3A_110, %rem3A_102 : i32
      %jit3A_112 = arith.constant 4 : i32
      %eq3A_113 = arith.constant 0 : i32
      %eq3A_114 = arith.cmpi eq, %jit3A_112, %eq3A_113 : i32
      %jit3A_115 = arith.constant 1 : i32
      %select_n3A_116 = arith.select %eq3A_114, %jit3A_115, %jit3A_112 : i32
      %rem3A_117 = arith.remsi %scan3A_81, %select_n3A_116 : i32
      %ne3A_118 = arith.constant 0 : i32
      %ne3A_119 = arith.cmpi ne, %rem3A_117, %ne3A_118 : i32
      %lt3A_120 = arith.constant 0 : i32
      %lt3A_121 = arith.cmpi slt, %rem3A_117, %lt3A_120 : i32
      %lt3A_122 = arith.constant 0 : i32
      %lt3A_123 = arith.cmpi slt, %select_n3A_116, %lt3A_122 : i32
      %ne3A_124 = arith.xori %lt3A_121, %lt3A_123 : i1
      %and3A_125 = arith.andi %ne3A_124, %ne3A_119 : i1
      %add3A_126 = arith.addi %rem3A_117, %select_n3A_116 : i32
      %select_n3A_127 = arith.select %and3A_125, %add3A_126, %rem3A_117 : i32
      %jit3A_128 = arith.constant 2 : i32
      %eq3A_129 = arith.constant 0 : i32
      %eq3A_130 = arith.cmpi eq, %jit3A_128, %eq3A_129 : i32
      %jit3A_131 = arith.constant 1 : i32
      %select_n3A_132 = arith.select %eq3A_130, %jit3A_131, %jit3A_128 : i32
      %rem3A_133 = arith.remsi %select_n3A, %select_n3A_132 : i32
      %ne3A_134 = arith.constant 0 : i32
      %ne3A_135 = arith.cmpi ne, %rem3A_133, %ne3A_134 : i32
      %lt3A_136 = arith.constant 0 : i32
      %lt3A_137 = arith.cmpi slt, %rem3A_133, %lt3A_136 : i32
      %lt3A_138 = arith.constant 0 : i32
      %lt3A_139 = arith.cmpi slt, %select_n3A_132, %lt3A_138 : i32
      %ne3A_140 = arith.xori %lt3A_137, %lt3A_139 : i1
      %and3A_141 = arith.andi %ne3A_140, %ne3A_135 : i1
      %add3A_142 = arith.addi %rem3A_133, %select_n3A_132 : i32
      %select_n3A_143 = arith.select %and3A_141, %add3A_142, %rem3A_133 : i32
      %eq3A_144 = arith.constant 0 : i32
      %eq3A_145 = arith.cmpi eq, %select_n3A_127, %eq3A_144 : i32
      %convert_element_type3A = arith.extui %eq3A_145 : i1 to i32
      %cond3A = arith.constant 0 : i32
      %cond3A_146 = arith.cmpi ne, %convert_element_type3A, %cond3A : i32
      scf.if %cond3A_146 {
        %dma_wait3A_198 = arith.constant 0 : i32
        %dma_wait3A_199 = arith.constant 0 : i32
        %dma_wait3A_200 = arith.constant 0 : i32
        %dma_wait3A_201 = arith.constant 0 : i32
        %dma_wait3A_202 = tpu.memref_slice %arg8[%dma_wait3A_199, %dma_wait3A_200, %dma_wait3A_201] : memref<4x16x768xf32, #tpu.memory_space<vmem>> -> memref<1x16x768xf32, #tpu.memory_space<vmem>>
        %dma_wait3A_203 = tpu.memref_squeeze %dma_wait3A_202 : memref<1x16x768xf32, #tpu.memory_space<vmem>> -> memref<16x768xf32, #tpu.memory_space<vmem>>
        %dma_wait3A_204 = arith.constant 0 : i32
        %dma_wait3A_205 = tpu.memref_slice %arg6[%dma_wait3A_198, %dma_wait3A_204] : memref<4x256xi32, #tpu.memory_space<vmem>> -> memref<1x16xi32, #tpu.memory_space<vmem>>
        %dma_wait3A_206 = tpu.memref_squeeze %dma_wait3A_205 : memref<1x16xi32, #tpu.memory_space<vmem>> -> memref<16xi32, #tpu.memory_space<vmem>>
        %dma_wait3A_207 = arith.constant 0 : i32
        %dma_wait3A_208 = arith.constant 0 : i32
        %dma_wait3A_209 = tpu.memref_slice %arg3[%dma_wait3A_207, %dma_wait3A_208] : memref<100000x768xf32, #tpu.memory_space<hbm>> -> memref<100000x768xf32, #tpu.memory_space<hbm>>
        tpu.wait_indirect_dma semaphore(%arg10 : memref<!tpu.dma_semaphore, #tpu.memory_space<semaphore_mem>>) src(%dma_wait3A_209 : memref<100000x768xf32, #tpu.memory_space<hbm>>) dst(%dma_wait3A_203 : memref<16x768xf32, #tpu.memory_space<vmem>>)
      } else {
      }
      %eq3A_147 = arith.constant 1 : i32
      %eq3A_148 = arith.cmpi eq, %select_n3A_127, %eq3A_147 : i32
      %convert_element_type3A_149 = arith.extui %eq3A_148 : i1 to i32
      %cond3A_150 = arith.constant 0 : i32
      %cond3A_151 = arith.cmpi ne, %convert_element_type3A_149, %cond3A_150 : i32
      scf.if %cond3A_151 {
        %dma_wait3A_198 = arith.constant 0 : i32
        %dma_wait3A_199 = arith.constant 1 : i32
        %dma_wait3A_200 = arith.constant 0 : i32
        %dma_wait3A_201 = arith.constant 0 : i32
        %dma_wait3A_202 = tpu.memref_slice %arg8[%dma_wait3A_199, %dma_wait3A_200, %dma_wait3A_201] : memref<4x16x768xf32, #tpu.memory_space<vmem>> -> memref<1x16x768xf32, #tpu.memory_space<vmem>>
        %dma_wait3A_203 = tpu.memref_squeeze %dma_wait3A_202 : memref<1x16x768xf32, #tpu.memory_space<vmem>> -> memref<16x768xf32, #tpu.memory_space<vmem>>
        %dma_wait3A_204 = arith.constant 0 : i32
        %dma_wait3A_205 = tpu.memref_slice %arg6[%dma_wait3A_198, %dma_wait3A_204] : memref<4x256xi32, #tpu.memory_space<vmem>> -> memref<1x16xi32, #tpu.memory_space<vmem>>
        %dma_wait3A_206 = tpu.memref_squeeze %dma_wait3A_205 : memref<1x16xi32, #tpu.memory_space<vmem>> -> memref<16xi32, #tpu.memory_space<vmem>>
        %dma_wait3A_207 = arith.constant 0 : i32
        %dma_wait3A_208 = arith.constant 0 : i32
        %dma_wait3A_209 = tpu.memref_slice %arg3[%dma_wait3A_207, %dma_wait3A_208] : memref<100000x768xf32, #tpu.memory_space<hbm>> -> memref<100000x768xf32, #tpu.memory_space<hbm>>
        tpu.wait_indirect_dma semaphore(%arg11 : memref<!tpu.dma_semaphore, #tpu.memory_space<semaphore_mem>>) src(%dma_wait3A_209 : memref<100000x768xf32, #tpu.memory_space<hbm>>) dst(%dma_wait3A_203 : memref<16x768xf32, #tpu.memory_space<vmem>>)
      } else {
      }
      %eq3A_152 = arith.constant 2 : i32
      %eq3A_153 = arith.cmpi eq, %select_n3A_127, %eq3A_152 : i32
      %convert_element_type3A_154 = arith.extui %eq3A_153 : i1 to i32
      %cond3A_155 = arith.constant 0 : i32
      %cond3A_156 = arith.cmpi ne, %convert_element_type3A_154, %cond3A_155 : i32
      scf.if %cond3A_156 {
        %dma_wait3A_198 = arith.constant 0 : i32
        %dma_wait3A_199 = arith.constant 2 : i32
        %dma_wait3A_200 = arith.constant 0 : i32
        %dma_wait3A_201 = arith.constant 0 : i32
        %dma_wait3A_202 = tpu.memref_slice %arg8[%dma_wait3A_199, %dma_wait3A_200, %dma_wait3A_201] : memref<4x16x768xf32, #tpu.memory_space<vmem>> -> memref<1x16x768xf32, #tpu.memory_space<vmem>>
        %dma_wait3A_203 = tpu.memref_squeeze %dma_wait3A_202 : memref<1x16x768xf32, #tpu.memory_space<vmem>> -> memref<16x768xf32, #tpu.memory_space<vmem>>
        %dma_wait3A_204 = arith.constant 0 : i32
        %dma_wait3A_205 = tpu.memref_slice %arg6[%dma_wait3A_198, %dma_wait3A_204] : memref<4x256xi32, #tpu.memory_space<vmem>> -> memref<1x16xi32, #tpu.memory_space<vmem>>
        %dma_wait3A_206 = tpu.memref_squeeze %dma_wait3A_205 : memref<1x16xi32, #tpu.memory_space<vmem>> -> memref<16xi32, #tpu.memory_space<vmem>>
        %dma_wait3A_207 = arith.constant 0 : i32
        %dma_wait3A_208 = arith.constant 0 : i32
        %dma_wait3A_209 = tpu.memref_slice %arg3[%dma_wait3A_207, %dma_wait3A_208] : memref<100000x768xf32, #tpu.memory_space<hbm>> -> memref<100000x768xf32, #tpu.memory_space<hbm>>
        tpu.wait_indirect_dma semaphore(%arg12 : memref<!tpu.dma_semaphore, #tpu.memory_space<semaphore_mem>>) src(%dma_wait3A_209 : memref<100000x768xf32, #tpu.memory_space<hbm>>) dst(%dma_wait3A_203 : memref<16x768xf32, #tpu.memory_space<vmem>>)
      } else {
      }
      %eq3A_157 = arith.constant 3 : i32
      %eq3A_158 = arith.cmpi eq, %select_n3A_127, %eq3A_157 : i32
      %convert_element_type3A_159 = arith.extui %eq3A_158 : i1 to i32
      %cond3A_160 = arith.constant 0 : i32
      %cond3A_161 = arith.cmpi ne, %convert_element_type3A_159, %cond3A_160 : i32
      scf.if %cond3A_161 {
        %dma_wait3A_198 = arith.constant 0 : i32
        %dma_wait3A_199 = arith.constant 3 : i32
        %dma_wait3A_200 = arith.constant 0 : i32
        %dma_wait3A_201 = arith.constant 0 : i32
        %dma_wait3A_202 = tpu.memref_slice %arg8[%dma_wait3A_199, %dma_wait3A_200, %dma_wait3A_201] : memref<4x16x768xf32, #tpu.memory_space<vmem>> -> memref<1x16x768xf32, #tpu.memory_space<vmem>>
        %dma_wait3A_203 = tpu.memref_squeeze %dma_wait3A_202 : memref<1x16x768xf32, #tpu.memory_space<vmem>> -> memref<16x768xf32, #tpu.memory_space<vmem>>
        %dma_wait3A_204 = arith.constant 0 : i32
        %dma_wait3A_205 = tpu.memref_slice %arg6[%dma_wait3A_198, %dma_wait3A_204] : memref<4x256xi32, #tpu.memory_space<vmem>> -> memref<1x16xi32, #tpu.memory_space<vmem>>
        %dma_wait3A_206 = tpu.memref_squeeze %dma_wait3A_205 : memref<1x16xi32, #tpu.memory_space<vmem>> -> memref<16xi32, #tpu.memory_space<vmem>>
        %dma_wait3A_207 = arith.constant 0 : i32
        %dma_wait3A_208 = arith.constant 0 : i32
        %dma_wait3A_209 = tpu.memref_slice %arg3[%dma_wait3A_207, %dma_wait3A_208] : memref<100000x768xf32, #tpu.memory_space<hbm>> -> memref<100000x768xf32, #tpu.memory_space<hbm>>
        tpu.wait_indirect_dma semaphore(%arg13 : memref<!tpu.dma_semaphore, #tpu.memory_space<semaphore_mem>>) src(%dma_wait3A_209 : memref<100000x768xf32, #tpu.memory_space<hbm>>) dst(%dma_wait3A_203 : memref<16x768xf32, #tpu.memory_space<vmem>>)
      } else {
      }
      %eq3A_162 = arith.constant 0 : i32
      %eq3A_163 = arith.cmpi eq, %select_n3A_111, %eq3A_162 : i32
      %convert_element_type3A_164 = arith.extui %eq3A_163 : i1 to i32
      %cond3A_165 = arith.constant 0 : i32
      %cond3A_166 = arith.cmpi ne, %convert_element_type3A_164, %cond3A_165 : i32
      scf.if %cond3A_166 {
        %eq3A_198 = arith.constant 0 : i32
        %eq3A_199 = arith.cmpi eq, %select_n3A_143, %eq3A_198 : i32
        %convert_element_type3A_200 = arith.extui %eq3A_199 : i1 to i32
        %cond3A_201 = arith.constant 0 : i32
        %cond3A_202 = arith.cmpi ne, %convert_element_type3A_200, %cond3A_201 : i32
        scf.if %cond3A_202 {
          %dma_wait3A_213 = arith.constant 0 : i32
          %dma_wait3A_214 = arith.constant 0 : i32
          %dma_wait3A_215 = tpu.memref_slice %arg7[%dma_wait3A_213, %dma_wait3A_214] : memref<2x12288xf32, #tpu.memory_space<vmem>> -> memref<1x12288xf32, #tpu.memory_space<vmem>>
          %dma_wait3A_216 = tpu.memref_squeeze %dma_wait3A_215 : memref<1x12288xf32, #tpu.memory_space<vmem>> -> memref<12288xf32, #tpu.memory_space<vmem>>
          %dma_wait3A_217 = arith.constant 0 : i32
          %dma_wait3A_218 = tpu.memref_slice %arg4[%dma_wait3A_217] : memref<6291456xf32, #tpu.memory_space<hbm>> -> memref<12288xf32, #tpu.memory_space<hbm>>
          %dma_wait3A_219 = arith.constant 0 : i32
          %dma_wait3A_220 = tpu.memref_slice %arg7[%dma_wait3A_213, %dma_wait3A_219] : memref<2x12288xf32, #tpu.memory_space<vmem>> -> memref<1x12288xf32, #tpu.memory_space<vmem>>
          %dma_wait3A_221 = tpu.memref_squeeze %dma_wait3A_220 : memref<1x12288xf32, #tpu.memory_space<vmem>> -> memref<12288xf32, #tpu.memory_space<vmem>>
          %dma_wait3A_222 = arith.constant 0 : i32
          %dma_wait3A_223 = tpu.memref_slice %arg4[%dma_wait3A_222] : memref<6291456xf32, #tpu.memory_space<hbm>> -> memref<12288xf32, #tpu.memory_space<hbm>>
          tpu.wait_dma2 semaphore(%arg9 : memref<!tpu.dma_semaphore, #tpu.memory_space<semaphore_mem>>) src(%dma_wait3A_223 : memref<12288xf32, #tpu.memory_space<hbm>>) dst(%dma_wait3A_221 : memref<12288xf32, #tpu.memory_space<vmem>>)
        } else {
        }
        %eq3A_203 = arith.constant 1 : i32
        %eq3A_204 = arith.cmpi eq, %select_n3A_143, %eq3A_203 : i32
        %convert_element_type3A_205 = arith.extui %eq3A_204 : i1 to i32
        %cond3A_206 = arith.constant 0 : i32
        %cond3A_207 = arith.cmpi ne, %convert_element_type3A_205, %cond3A_206 : i32
        scf.if %cond3A_207 {
          %dma_wait3A_213 = arith.constant 1 : i32
          %dma_wait3A_214 = arith.constant 0 : i32
          %dma_wait3A_215 = tpu.memref_slice %arg7[%dma_wait3A_213, %dma_wait3A_214] : memref<2x12288xf32, #tpu.memory_space<vmem>> -> memref<1x12288xf32, #tpu.memory_space<vmem>>
          %dma_wait3A_216 = tpu.memref_squeeze %dma_wait3A_215 : memref<1x12288xf32, #tpu.memory_space<vmem>> -> memref<12288xf32, #tpu.memory_space<vmem>>
          %dma_wait3A_217 = arith.constant 0 : i32
          %dma_wait3A_218 = tpu.memref_slice %arg4[%dma_wait3A_217] : memref<6291456xf32, #tpu.memory_space<hbm>> -> memref<12288xf32, #tpu.memory_space<hbm>>
          %dma_wait3A_219 = arith.constant 0 : i32
          %dma_wait3A_220 = tpu.memref_slice %arg7[%dma_wait3A_213, %dma_wait3A_219] : memref<2x12288xf32, #tpu.memory_space<vmem>> -> memref<1x12288xf32, #tpu.memory_space<vmem>>
          %dma_wait3A_221 = tpu.memref_squeeze %dma_wait3A_220 : memref<1x12288xf32, #tpu.memory_space<vmem>> -> memref<12288xf32, #tpu.memory_space<vmem>>
          %dma_wait3A_222 = arith.constant 0 : i32
          %dma_wait3A_223 = tpu.memref_slice %arg4[%dma_wait3A_222] : memref<6291456xf32, #tpu.memory_space<hbm>> -> memref<12288xf32, #tpu.memory_space<hbm>>
          tpu.wait_dma2 semaphore(%arg9 : memref<!tpu.dma_semaphore, #tpu.memory_space<semaphore_mem>>) src(%dma_wait3A_223 : memref<12288xf32, #tpu.memory_space<hbm>>) dst(%dma_wait3A_221 : memref<12288xf32, #tpu.memory_space<vmem>>)
        } else {
        }
        %lt3A_208 = arith.constant 15 : i32
        %lt3A_209 = arith.cmpi slt, %select_n3A, %lt3A_208 : i32
        %convert_element_type3A_210 = arith.extui %lt3A_209 : i1 to i32
        %cond3A_211 = arith.constant 0 : i32
        %cond3A_212 = arith.cmpi ne, %convert_element_type3A_210, %cond3A_211 : i32
        scf.if %cond3A_212 {
          %eq3A_213 = arith.constant 0 : i32
          %eq3A_214 = arith.cmpi eq, %select_n3A_143, %eq3A_213 : i32
          %convert_element_type3A_215 = arith.extui %eq3A_214 : i1 to i32
          %cond3A_216 = arith.constant 0 : i32
          %cond3A_217 = arith.cmpi ne, %convert_element_type3A_215, %cond3A_216 : i32
          scf.if %cond3A_217 {
            %add3A_223 = arith.constant 1 : i32
            %add3A_224 = arith.addi %select_n3A, %add3A_223 : i32
            %mul3A_225 = arith.constant 16 : i32
            %mul3A_226 = arith.muli %add3A_224, %mul3A_225 : i32
            %add3A_227 = arith.addi %mul3A_2, %mul3A_226 : i32
            %mul3A_228 = arith.constant 768 : i32
            %mul3A_229 = arith.muli %add3A_227, %mul3A_228 : i32
            %dma_start3A_230 = arith.constant 1 : i32
            %dma_start3A_231 = arith.constant 0 : i32
            %dma_start3A_232 = tpu.memref_slice %arg7[%dma_start3A_230, %dma_start3A_231] : memref<2x12288xf32, #tpu.memory_space<vmem>> -> memref<1x12288xf32, #tpu.memory_space<vmem>>
            %dma_start3A_233 = tpu.memref_squeeze %dma_start3A_232 : memref<1x12288xf32, #tpu.memory_space<vmem>> -> memref<12288xf32, #tpu.memory_space<vmem>>
            %dma_start3A_234 = tpu.memref_slice %arg4[%mul3A_229] : memref<6291456xf32, #tpu.memory_space<hbm>> -> memref<12288xf32, #tpu.memory_space<hbm>>
            %dma_start3A_235 = arith.constant 0 : i32
            %dma_start3A_236 = tpu.memref_slice %arg7[%dma_start3A_230, %dma_start3A_235] : memref<2x12288xf32, #tpu.memory_space<vmem>> -> memref<1x12288xf32, #tpu.memory_space<vmem>>
            %dma_start3A_237 = tpu.memref_squeeze %dma_start3A_236 : memref<1x12288xf32, #tpu.memory_space<vmem>> -> memref<12288xf32, #tpu.memory_space<vmem>>
            %dma_start3A_238 = tpu.memref_slice %arg4[%mul3A_229] : memref<6291456xf32, #tpu.memory_space<hbm>> -> memref<12288xf32, #tpu.memory_space<hbm>>
            tpu.enqueue_dma source(%dma_start3A_238 : memref<12288xf32, #tpu.memory_space<hbm>>) target(%dma_start3A_237 : memref<12288xf32, #tpu.memory_space<vmem>>) target_semaphore(%arg9 : memref<!tpu.dma_semaphore, #tpu.memory_space<semaphore_mem>>)
          } else {
          }
          %eq3A_218 = arith.constant 1 : i32
          %eq3A_219 = arith.cmpi eq, %select_n3A_143, %eq3A_218 : i32
          %convert_element_type3A_220 = arith.extui %eq3A_219 : i1 to i32
          %cond3A_221 = arith.constant 0 : i32
          %cond3A_222 = arith.cmpi ne, %convert_element_type3A_220, %cond3A_221 : i32
          scf.if %cond3A_222 {
            %add3A_223 = arith.constant 1 : i32
            %add3A_224 = arith.addi %select_n3A, %add3A_223 : i32
            %mul3A_225 = arith.constant 16 : i32
            %mul3A_226 = arith.muli %add3A_224, %mul3A_225 : i32
            %add3A_227 = arith.addi %mul3A_2, %mul3A_226 : i32
            %mul3A_228 = arith.constant 768 : i32
            %mul3A_229 = arith.muli %add3A_227, %mul3A_228 : i32
            %dma_start3A_230 = arith.constant 0 : i32
            %dma_start3A_231 = arith.constant 0 : i32
            %dma_start3A_232 = tpu.memref_slice %arg7[%dma_start3A_230, %dma_start3A_231] : memref<2x12288xf32, #tpu.memory_space<vmem>> -> memref<1x12288xf32, #tpu.memory_space<vmem>>
            %dma_start3A_233 = tpu.memref_squeeze %dma_start3A_232 : memref<1x12288xf32, #tpu.memory_space<vmem>> -> memref<12288xf32, #tpu.memory_space<vmem>>
            %dma_start3A_234 = tpu.memref_slice %arg4[%mul3A_229] : memref<6291456xf32, #tpu.memory_space<hbm>> -> memref<12288xf32, #tpu.memory_space<hbm>>
            %dma_start3A_235 = arith.constant 0 : i32
            %dma_start3A_236 = tpu.memref_slice %arg7[%dma_start3A_230, %dma_start3A_235] : memref<2x12288xf32, #tpu.memory_space<vmem>> -> memref<1x12288xf32, #tpu.memory_space<vmem>>
            %dma_start3A_237 = tpu.memref_squeeze %dma_start3A_236 : memref<1x12288xf32, #tpu.memory_space<vmem>> -> memref<12288xf32, #tpu.memory_space<vmem>>
            %dma_start3A_238 = tpu.memref_slice %arg4[%mul3A_229] : memref<6291456xf32, #tpu.memory_space<hbm>> -> memref<12288xf32, #tpu.memory_space<hbm>>
            tpu.enqueue_dma source(%dma_start3A_238 : memref<12288xf32, #tpu.memory_space<hbm>>) target(%dma_start3A_237 : memref<12288xf32, #tpu.memory_space<vmem>>) target_semaphore(%arg9 : memref<!tpu.dma_semaphore, #tpu.memory_space<semaphore_mem>>)
          } else {
          }
        } else {
        }
      } else {
      }
      %parallel_loop3A = arith.constant 0 : i32
      %parallel_loop3A_167 = arith.constant 16 : i32
      %parallel_loop3A_168 = arith.constant 1 : i32
      scf.for %parallel_loop3A_198 = %parallel_loop3A to %parallel_loop3A_167 step %parallel_loop3A_168  : i32 {
        %parallel_loop3A_199 = arith.constant 768 : i32
        %parallel_loop3A_200 = arith.muli %parallel_loop3A_198, %parallel_loop3A_199 : i32
        %parallel_loop3A_201 = arith.index_cast %select_n3A_127 : i32 to index
        %parallel_loop3A_202 = arith.index_cast %parallel_loop3A_198 : i32 to index
        %parallel_loop3A_203 = arith.constant 0 : index
        %parallel_loop3A_204 = tpu.vector_load %arg8[%parallel_loop3A_201, %parallel_loop3A_202, %parallel_loop3A_203] {strides = array<i32>} : memref<4x16x768xf32, #tpu.memory_space<vmem>>, vector<1x1x16xf32>,
        %parallel_loop3A_205 = vector.shape_cast %parallel_loop3A_204 : vector<1x1x16xf32> to vector<16xf32>
        %parallel_loop3A_206 = arith.constant 27.7128124 : f32
        %parallel_loop3A_207 = vector.broadcast %parallel_loop3A_206 : f32 to vector<16xf32>
        %parallel_loop3A_208 = arith.mulf %parallel_loop3A_205, %parallel_loop3A_207 : vector<16xf32>
        %parallel_loop3A_209 = arith.constant 0 : i32
        %parallel_loop3A_210 = arith.addi %parallel_loop3A_200, %parallel_loop3A_209 : i32
        %parallel_loop3A_211 = arith.index_cast %select_n3A_143 : i32 to index
        %parallel_loop3A_212 = arith.index_cast %parallel_loop3A_210 : i32 to index
        %parallel_loop3A_213 = tpu.vector_load %arg7[%parallel_loop3A_211, %parallel_loop3A_212] {strides = array<i32>} : memref<2x12288xf32, #tpu.memory_space<vmem>>, vector<1x16xf32>,
        %parallel_loop3A_214 = vector.shape_cast %parallel_loop3A_213 : vector<1x16xf32> to vector<16xf32>
        %parallel_loop3A_215 = arith.addf %parallel_loop3A_208, %parallel_loop3A_214 : vector<16xf32>
        %parallel_loop3A_216 = arith.index_cast %select_n3A_127 : i32 to index
        %parallel_loop3A_217 = arith.index_cast %parallel_loop3A_198 : i32 to index
        %parallel_loop3A_218 = arith.constant 0 : index
        %parallel_loop3A_219 = tpu.vector_load %arg8[%parallel_loop3A_216, %parallel_loop3A_217, %parallel_loop3A_218] {strides = array<i32>} : memref<4x16x768xf32, #tpu.memory_space<vmem>>, vector<1x1x16xf32>,
        %parallel_loop3A_220 = vector.shape_cast %parallel_loop3A_219 : vector<1x1x16xf32> to vector<16xf32>
        %parallel_loop3A_221 = vector.shape_cast %parallel_loop3A_215 : vector<16xf32> to vector<1x1x16xf32>
        tpu.vector_store %arg8[%parallel_loop3A_216, %parallel_loop3A_217, %parallel_loop3A_218], %parallel_loop3A_221 {strides = array<i32>} : memref<4x16x768xf32, #tpu.memory_space<vmem>>, vector<1x1x16xf32>,
        %parallel_loop3A_222 = arith.index_cast %select_n3A_127 : i32 to index
        %parallel_loop3A_223 = arith.index_cast %parallel_loop3A_198 : i32 to index
        %parallel_loop3A_224 = arith.constant 16 : index
        %parallel_loop3A_225 = tpu.vector_load %arg8[%parallel_loop3A_222, %parallel_loop3A_223, %parallel_loop3A_224] {strides = array<i32>} : memref<4x16x768xf32, #tpu.memory_space<vmem>>, vector<1x1x16xf32>,
        %parallel_loop3A_226 = vector.shape_cast %parallel_loop3A_225 : vector<1x1x16xf32> to vector<16xf32>
        %parallel_loop3A_227 = arith.constant 27.7128124 : f32
        %parallel_loop3A_228 = vector.broadcast %parallel_loop3A_227 : f32 to vector<16xf32>
        %parallel_loop3A_229 = arith.mulf %parallel_loop3A_226, %parallel_loop3A_228 : vector<16xf32>
        %parallel_loop3A_230 = arith.constant 16 : i32
        %parallel_loop3A_231 = arith.addi %parallel_loop3A_200, %parallel_loop3A_230 : i32
        %parallel_loop3A_232 = arith.index_cast %select_n3A_143 : i32 to index
        %parallel_loop3A_233 = arith.index_cast %parallel_loop3A_231 : i32 to index
        %parallel_loop3A_234 = tpu.vector_load %arg7[%parallel_loop3A_232, %parallel_loop3A_233] {strides = array<i32>} : memref<2x12288xf32, #tpu.memory_space<vmem>>, vector<1x16xf32>,
        %parallel_loop3A_235 = vector.shape_cast %parallel_loop3A_234 : vector<1x16xf32> to vector<16xf32>
        %parallel_loop3A_236 = arith.addf %parallel_loop3A_229, %parallel_loop3A_235 : vector<16xf32>
        %parallel_loop3A_237 = arith.index_cast %select_n3A_127 : i32 to index
        %parallel_loop3A_238 = arith.index_cast %parallel_loop3A_198 : i32 to index
        %parallel_loop3A_239 = arith.constant 16 : index
        %parallel_loop3A_240 = tpu.vector_load %arg8[%parallel_loop3A_237, %parallel_loop3A_238, %parallel_loop3A_239] {strides = array<i32>} : memref<4x16x768xf32, #tpu.memory_space<vmem>>, vector<1x1x16xf32>,
        %parallel_loop3A_241 = vector.shape_cast %parallel_loop3A_240 : vector<1x1x16xf32> to vector<16xf32>
        %parallel_loop3A_242 = vector.shape_cast %parallel_loop3A_236 : vector<16xf32> to vector<1x1x16xf32>
        tpu.vector_store %arg8[%parallel_loop3A_237, %parallel_loop3A_238, %parallel_loop3A_239], %parallel_loop3A_242 {strides = array<i32>} : memref<4x16x768xf32, #tpu.memory_space<vmem>>, vector<1x1x16xf32>,
        %parallel_loop3A_243 = arith.index_cast %select_n3A_127 : i32 to index
        %parallel_loop3A_244 = arith.index_cast %parallel_loop3A_198 : i32 to index
        %parallel_loop3A_245 = arith.constant 32 : index
        %parallel_loop3A_246 = tpu.vector_load %arg8[%parallel_loop3A_243, %parallel_loop3A_244, %parallel_loop3A_245] {strides = array<i32>} : memref<4x16x768xf32, #tpu.memory_space<vmem>>, vector<1x1x16xf32>,
        %parallel_loop3A_247 = vector.shape_cast %parallel_loop3A_246 : vector<1x1x16xf32> to vector<16xf32>
        %parallel_loop3A_248 = arith.constant 27.7128124 : f32
        %parallel_loop3A_249 = vector.broadcast %parallel_loop3A_248 : f32 to vector<16xf32>
        %parallel_loop3A_250 = arith.mulf %parallel_loop3A_247, %parallel_loop3A_249 : vector<16xf32>
        %parallel_loop3A_251 = arith.constant 32 : i32
        %parallel_loop3A_252 = arith.addi %parallel_loop3A_200, %parallel_loop3A_251 : i32
        %parallel_loop3A_253 = arith.index_cast %select_n3A_143 : i32 to index
        %parallel_loop3A_254 = arith.index_cast %parallel_loop3A_252 : i32 to index
        %parallel_loop3A_255 = tpu.vector_load %arg7[%parallel_loop3A_253, %parallel_loop3A_254] {strides = array<i32>} : memref<2x12288xf32, #tpu.memory_space<vmem>>, vector<1x16xf32>,
        %parallel_loop3A_256 = vector.shape_cast %parallel_loop3A_255 : vector<1x16xf32> to vector<16xf32>
        %parallel_loop3A_257 = arith.addf %parallel_loop3A_250, %parallel_loop3A_256 : vector<16xf32>
        %parallel_loop3A_258 = arith.index_cast %select_n3A_127 : i32 to index
        %parallel_loop3A_259 = arith.index_cast %parallel_loop3A_198 : i32 to index
        %parallel_loop3A_260 = arith.constant 32 : index
        %parallel_loop3A_261 = tpu.vector_load %arg8[%parallel_loop3A_258, %parallel_loop3A_259, %parallel_loop3A_260] {strides = array<i32>} : memref<4x16x768xf32, #tpu.memory_space<vmem>>, vector<1x1x16xf32>,
        %parallel_loop3A_262 = vector.shape_cast %parallel_loop3A_261 : vector<1x1x16xf32> to vector<16xf32>
        %parallel_loop3A_263 = vector.shape_cast %parallel_loop3A_257 : vector<16xf32> to vector<1x1x16xf32>
        tpu.vector_store %arg8[%parallel_loop3A_258, %parallel_loop3A_259, %parallel_loop3A_260], %parallel_loop3A_263 {strides = array<i32>} : memref<4x16x768xf32, #tpu.memory_space<vmem>>, vector<1x1x16xf32>,
        %parallel_loop3A_264 = arith.index_cast %select_n3A_127 : i32 to index
        %parallel_loop3A_265 = arith.index_cast %parallel_loop3A_198 : i32 to index
        %parallel_loop3A_266 = arith.constant 48 : index
        %parallel_loop3A_267 = tpu.vector_load %arg8[%parallel_loop3A_264, %parallel_loop3A_265, %parallel_loop3A_266] {strides = array<i32>} : memref<4x16x768xf32, #tpu.memory_space<vmem>>, vector<1x1x16xf32>,
        %parallel_loop3A_268 = vector.shape_cast %parallel_loop3A_267 : vector<1x1x16xf32> to vector<16xf32>
        %parallel_loop3A_269 = arith.constant 27.7128124 : f32
        %parallel_loop3A_270 = vector.broadcast %parallel_loop3A_269 : f32 to vector<16xf32>
        %parallel_loop3A_271 = arith.mulf %parallel_loop3A_268, %parallel_loop3A_270 : vector<16xf32>
        %parallel_loop3A_272 = arith.constant 48 : i32
        %parallel_loop3A_273 = arith.addi %parallel_loop3A_200, %parallel_loop3A_272 : i32
        %parallel_loop3A_274 = arith.index_cast %select_n3A_143 : i32 to index
        %parallel_loop3A_275 = arith.index_cast %parallel_loop3A_273 : i32 to index
        %parallel_loop3A_276 = tpu.vector_load %arg7[%parallel_loop3A_274, %parallel_loop3A_275] {strides = array<i32>} : memref<2x12288xf32, #tpu.memory_space<vmem>>, vector<1x16xf32>,
        %parallel_loop3A_277 = vector.shape_cast %parallel_loop3A_276 : vector<1x16xf32> to vector<16xf32>
        %parallel_loop3A_278 = arith.addf %parallel_loop3A_271, %parallel_loop3A_277 : vector<16xf32>
        %parallel_loop3A_279 = arith.index_cast %select_n3A_127 : i32 to index
        %parallel_loop3A_280 = arith.index_cast %parallel_loop3A_198 : i32 to index
        %parallel_loop3A_281 = arith.constant 48 : index
        %parallel_loop3A_282 = tpu.vector_load %arg8[%parallel_loop3A_279, %parallel_loop3A_280, %parallel_loop3A_281] {strides = array<i32>} : memref<4x16x768xf32, #tpu.memory_space<vmem>>, vector<1x1x16xf32>,
        %parallel_loop3A_283 = vector.shape_cast %parallel_loop3A_282 : vector<1x1x16xf32> to vector<16xf32>
        %parallel_loop3A_284 = vector.shape_cast %parallel_loop3A_278 : vector<16xf32> to vector<1x1x16xf32>
        tpu.vector_store %arg8[%parallel_loop3A_279, %parallel_loop3A_280, %parallel_loop3A_281], %parallel_loop3A_284 {strides = array<i32>} : memref<4x16x768xf32, #tpu.memory_space<vmem>>, vector<1x1x16xf32>,
        %parallel_loop3A_285 = arith.index_cast %select_n3A_127 : i32 to index
        %parallel_loop3A_286 = arith.index_cast %parallel_loop3A_198 : i32 to index
        %parallel_loop3A_287 = arith.constant 64 : index
        %parallel_loop3A_288 = tpu.vector_load %arg8[%parallel_loop3A_285, %parallel_loop3A_286, %parallel_loop3A_287] {strides = array<i32>} : memref<4x16x768xf32, #tpu.memory_space<vmem>>, vector<1x1x16xf32>,
        %parallel_loop3A_289 = vector.shape_cast %parallel_loop3A_288 : vector<1x1x16xf32> to vector<16xf32>
        %parallel_loop3A_290 = arith.constant 27.7128124 : f32
        %parallel_loop3A_291 = vector.broadcast %parallel_loop3A_290 : f32 to vector<16xf32>
        %parallel_loop3A_292 = arith.mulf %parallel_loop3A_289, %parallel_loop3A_291 : vector<16xf32>
        %parallel_loop3A_293 = arith.constant 64 : i32
        %parallel_loop3A_294 = arith.addi %parallel_loop3A_200, %parallel_loop3A_293 : i32
        %parallel_loop3A_295 = arith.index_cast %select_n3A_143 : i32 to index
        %parallel_loop3A_296 = arith.index_cast %parallel_loop3A_294 : i32 to index
        %parallel_loop3A_297 = tpu.vector_load %arg7[%parallel_loop3A_295, %parallel_loop3A_296] {strides = array<i32>} : memref<2x12288xf32, #tpu.memory_space<vmem>>, vector<1x16xf32>,
        %parallel_loop3A_298 = vector.shape_cast %parallel_loop3A_297 : vector<1x16xf32> to vector<16xf32>
        %parallel_loop3A_299 = arith.addf %parallel_loop3A_292, %parallel_loop3A_298 : vector<16xf32>
        %parallel_loop3A_300 = arith.index_cast %select_n3A_127 : i32 to index
        %parallel_loop3A_301 = arith.index_cast %parallel_loop3A_198 : i32 to index
        %parallel_loop3A_302 = arith.constant 64 : index
        %parallel_loop3A_303 = tpu.vector_load %arg8[%parallel_loop3A_300, %parallel_loop3A_301, %parallel_loop3A_302] {strides = array<i32>} : memref<4x16x768xf32, #tpu.memory_space<vmem>>, vector<1x1x16xf32>,
        %parallel_loop3A_304 = vector.shape_cast %parallel_loop3A_303 : vector<1x1x16xf32> to vector<16xf32>
        %parallel_loop3A_305 = vector.shape_cast %parallel_loop3A_299 : vector<16xf32> to vector<1x1x16xf32>
        tpu.vector_store %arg8[%parallel_loop3A_300, %parallel_loop3A_301, %parallel_loop3A_302], %parallel_loop3A_305 {strides = array<i32>} : memref<4x16x768xf32, #tpu.memory_space<vmem>>, vector<1x1x16xf32>,
        %parallel_loop3A_306 = arith.index_cast %select_n3A_127 : i32 to index
        %parallel_loop3A_307 = arith.index_cast %parallel_loop3A_198 : i32 to index
        %parallel_loop3A_308 = arith.constant 80 : index
        %parallel_loop3A_309 = tpu.vector_load %arg8[%parallel_loop3A_306, %parallel_loop3A_307, %parallel_loop3A_308] {strides = array<i32>} : memref<4x16x768xf32, #tpu.memory_space<vmem>>, vector<1x1x16xf32>,
        %parallel_loop3A_310 = vector.shape_cast %parallel_loop3A_309 : vector<1x1x16xf32> to vector<16xf32>
        %parallel_loop3A_311 = arith.constant 27.7128124 : f32
        %parallel_loop3A_312 = vector.broadcast %parallel_loop3A_311 : f32 to vector<16xf32>
        %parallel_loop3A_313 = arith.mulf %parallel_loop3A_310, %parallel_loop3A_312 : vector<16xf32>
        %parallel_loop3A_314 = arith.constant 80 : i32
        %parallel_loop3A_315 = arith.addi %parallel_loop3A_200, %parallel_loop3A_314 : i32
        %parallel_loop3A_316 = arith.index_cast %select_n3A_143 : i32 to index
        %parallel_loop3A_317 = arith.index_cast %parallel_loop3A_315 : i32 to index
        %parallel_loop3A_318 = tpu.vector_load %arg7[%parallel_loop3A_316, %parallel_loop3A_317] {strides = array<i32>} : memref<2x12288xf32, #tpu.memory_space<vmem>>, vector<1x16xf32>,
        %parallel_loop3A_319 = vector.shape_cast %parallel_loop3A_318 : vector<1x16xf32> to vector<16xf32>
        %parallel_loop3A_320 = arith.addf %parallel_loop3A_313, %parallel_loop3A_319 : vector<16xf32>
        %parallel_loop3A_321 = arith.index_cast %select_n3A_127 : i32 to index
        %parallel_loop3A_322 = arith.index_cast %parallel_loop3A_198 : i32 to index
        %parallel_loop3A_323 = arith.constant 80 : index
        %parallel_loop3A_324 = tpu.vector_load %arg8[%parallel_loop3A_321, %parallel_loop3A_322, %parallel_loop3A_323] {strides = array<i32>} : memref<4x16x768xf32, #tpu.memory_space<vmem>>, vector<1x1x16xf32>,
        %parallel_loop3A_325 = vector.shape_cast %parallel_loop3A_324 : vector<1x1x16xf32> to vector<16xf32>
        %parallel_loop3A_326 = vector.shape_cast %parallel_loop3A_320 : vector<16xf32> to vector<1x1x16xf32>
        tpu.vector_store %arg8[%parallel_loop3A_321, %parallel_loop3A_322, %parallel_loop3A_323], %parallel_loop3A_326 {strides = array<i32>} : memref<4x16x768xf32, #tpu.memory_space<vmem>>, vector<1x1x16xf32>,
        %parallel_loop3A_327 = arith.index_cast %select_n3A_127 : i32 to index
        %parallel_loop3A_328 = arith.index_cast %parallel_loop3A_198 : i32 to index
        %parallel_loop3A_329 = arith.constant 96 : index
        %parallel_loop3A_330 = tpu.vector_load %arg8[%parallel_loop3A_327, %parallel_loop3A_328, %parallel_loop3A_329] {strides = array<i32>} : memref<4x16x768xf32, #tpu.memory_space<vmem>>, vector<1x1x16xf32>,
        %parallel_loop3A_331 = vector.shape_cast %parallel_loop3A_330 : vector<1x1x16xf32> to vector<16xf32>
        %parallel_loop3A_332 = arith.constant 27.7128124 : f32
        %parallel_loop3A_333 = vector.broadcast %parallel_loop3A_332 : f32 to vector<16xf32>
        %parallel_loop3A_334 = arith.mulf %parallel_loop3A_331, %parallel_loop3A_333 : vector<16xf32>
        %parallel_loop3A_335 = arith.constant 96 : i32
        %parallel_loop3A_336 = arith.addi %parallel_loop3A_200, %parallel_loop3A_335 : i32
        %parallel_loop3A_337 = arith.index_cast %select_n3A_143 : i32 to index
        %parallel_loop3A_338 = arith.index_cast %parallel_loop3A_336 : i32 to index
        %parallel_loop3A_339 = tpu.vector_load %arg7[%parallel_loop3A_337, %parallel_loop3A_338] {strides = array<i32>} : memref<2x12288xf32, #tpu.memory_space<vmem>>, vector<1x16xf32>,
        %parallel_loop3A_340 = vector.shape_cast %parallel_loop3A_339 : vector<1x16xf32> to vector<16xf32>
        %parallel_loop3A_341 = arith.addf %parallel_loop3A_334, %parallel_loop3A_340 : vector<16xf32>
        %parallel_loop3A_342 = arith.index_cast %select_n3A_127 : i32 to index
        %parallel_loop3A_343 = arith.index_cast %parallel_loop3A_198 : i32 to index
        %parallel_loop3A_344 = arith.constant 96 : index
        %parallel_loop3A_345 = tpu.vector_load %arg8[%parallel_loop3A_342, %parallel_loop3A_343, %parallel_loop3A_344] {strides = array<i32>} : memref<4x16x768xf32, #tpu.memory_space<vmem>>, vector<1x1x16xf32>,
        %parallel_loop3A_346 = vector.shape_cast %parallel_loop3A_345 : vector<1x1x16xf32> to vector<16xf32>
        %parallel_loop3A_347 = vector.shape_cast %parallel_loop3A_341 : vector<16xf32> to vector<1x1x16xf32>
        tpu.vector_store %arg8[%parallel_loop3A_342, %parallel_loop3A_343, %parallel_loop3A_344], %parallel_loop3A_347 {strides = array<i32>} : memref<4x16x768xf32, #tpu.memory_space<vmem>>, vector<1x1x16xf32>,
        %parallel_loop3A_348 = arith.index_cast %select_n3A_127 : i32 to index
        %parallel_loop3A_349 = arith.index_cast %parallel_loop3A_198 : i32 to index
        %parallel_loop3A_350 = arith.constant 112 : index
        %parallel_loop3A_351 = tpu.vector_load %arg8[%parallel_loop3A_348, %parallel_loop3A_349, %parallel_loop3A_350] {strides = array<i32>} : memref<4x16x768xf32, #tpu.memory_space<vmem>>, vector<1x1x16xf32>,
        %parallel_loop3A_352 = vector.shape_cast %parallel_loop3A_351 : vector<1x1x16xf32> to vector<16xf32>
        %parallel_loop3A_353 = arith.constant 27.7128124 : f32
        %parallel_loop3A_354 = vector.broadcast %parallel_loop3A_353 : f32 to vector<16xf32>
        %parallel_loop3A_355 = arith.mulf %parallel_loop3A_352, %parallel_loop3A_354 : vector<16xf32>
        %parallel_loop3A_356 = arith.constant 112 : i32
        %parallel_loop3A_357 = arith.addi %parallel_loop3A_200, %parallel_loop3A_356 : i32
        %parallel_loop3A_358 = arith.index_cast %select_n3A_143 : i32 to index
        %parallel_loop3A_359 = arith.index_cast %parallel_loop3A_357 : i32 to index
        %parallel_loop3A_360 = tpu.vector_load %arg7[%parallel_loop3A_358, %parallel_loop3A_359] {strides = array<i32>} : memref<2x12288xf32, #tpu.memory_space<vmem>>, vector<1x16xf32>,
        %parallel_loop3A_361 = vector.shape_cast %parallel_loop3A_360 : vector<1x16xf32> to vector<16xf32>
        %parallel_loop3A_362 = arith.addf %parallel_loop3A_355, %parallel_loop3A_361 : vector<16xf32>
        %parallel_loop3A_363 = arith.index_cast %select_n3A_127 : i32 to index
        %parallel_loop3A_364 = arith.index_cast %parallel_loop3A_198 : i32 to index
        %parallel_loop3A_365 = arith.constant 112 : index
        %parallel_loop3A_366 = tpu.vector_load %arg8[%parallel_loop3A_363, %parallel_loop3A_364, %parallel_loop3A_365] {strides = array<i32>} : memref<4x16x768xf32, #tpu.memory_space<vmem>>, vector<1x1x16xf32>,
        %parallel_loop3A_367 = vector.shape_cast %parallel_loop3A_366 : vector<1x1x16xf32> to vector<16xf32>
        %parallel_loop3A_368 = vector.shape_cast %parallel_loop3A_362 : vector<16xf32> to vector<1x1x16xf32>
        tpu.vector_store %arg8[%parallel_loop3A_363, %parallel_loop3A_364, %parallel_loop3A_365], %parallel_loop3A_368 {strides = array<i32>} : memref<4x16x768xf32, #tpu.memory_space<vmem>>, vector<1x1x16xf32>,
        %parallel_loop3A_369 = arith.index_cast %select_n3A_127 : i32 to index
        %parallel_loop3A_370 = arith.index_cast %parallel_loop3A_198 : i32 to index
        %parallel_loop3A_371 = arith.constant 128 : index
        %parallel_loop3A_372 = tpu.vector_load %arg8[%parallel_loop3A_369, %parallel_loop3A_370, %parallel_loop3A_371] {strides = array<i32>} : memref<4x16x768xf32, #tpu.memory_space<vmem>>, vector<1x1x16xf32>,
        %parallel_loop3A_373 = vector.shape_cast %parallel_loop3A_372 : vector<1x1x16xf32> to vector<16xf32>
        %parallel_loop3A_374 = arith.constant 27.7128124 : f32
        %parallel_loop3A_375 = vector.broadcast %parallel_loop3A_374 : f32 to vector<16xf32>
        %parallel_loop3A_376 = arith.mulf %parallel_loop3A_373, %parallel_loop3A_375 : vector<16xf32>
        %parallel_loop3A_377 = arith.constant 128 : i32
        %parallel_loop3A_378 = arith.addi %parallel_loop3A_200, %parallel_loop3A_377 : i32
        %parallel_loop3A_379 = arith.index_cast %select_n3A_143 : i32 to index
        %parallel_loop3A_380 = arith.index_cast %parallel_loop3A_378 : i32 to index
        %parallel_loop3A_381 = tpu.vector_load %arg7[%parallel_loop3A_379, %parallel_loop3A_380] {strides = array<i32>} : memref<2x12288xf32, #tpu.memory_space<vmem>>, vector<1x16xf32>,
        %parallel_loop3A_382 = vector.shape_cast %parallel_loop3A_381 : vector<1x16xf32> to vector<16xf32>
        %parallel_loop3A_383 = arith.addf %parallel_loop3A_376, %parallel_loop3A_382 : vector<16xf32>
        %parallel_loop3A_384 = arith.index_cast %select_n3A_127 : i32 to index
        %parallel_loop3A_385 = arith.index_cast %parallel_loop3A_198 : i32 to index
        %parallel_loop3A_386 = arith.constant 128 : index
        %parallel_loop3A_387 = tpu.vector_load %arg8[%parallel_loop3A_384, %parallel_loop3A_385, %parallel_loop3A_386] {strides = array<i32>} : memref<4x16x768xf32, #tpu.memory_space<vmem>>, vector<1x1x16xf32>,
        %parallel_loop3A_388 = vector.shape_cast %parallel_loop3A_387 : vector<1x1x16xf32> to vector<16xf32>
        %parallel_loop3A_389 = vector.shape_cast %parallel_loop3A_383 : vector<16xf32> to vector<1x1x16xf32>
        tpu.vector_store %arg8[%parallel_loop3A_384, %parallel_loop3A_385, %parallel_loop3A_386], %parallel_loop3A_389 {strides = array<i32>} : memref<4x16x768xf32, #tpu.memory_space<vmem>>, vector<1x1x16xf32>,
        %parallel_loop3A_390 = arith.index_cast %select_n3A_127 : i32 to index
        %parallel_loop3A_391 = arith.index_cast %parallel_loop3A_198 : i32 to index
        %parallel_loop3A_392 = arith.constant 144 : index
        %parallel_loop3A_393 = tpu.vector_load %arg8[%parallel_loop3A_390, %parallel_loop3A_391, %parallel_loop3A_392] {strides = array<i32>} : memref<4x16x768xf32, #tpu.memory_space<vmem>>, vector<1x1x16xf32>,
        %parallel_loop3A_394 = vector.shape_cast %parallel_loop3A_393 : vector<1x1x16xf32> to vector<16xf32>
        %parallel_loop3A_395 = arith.constant 27.7128124 : f32
        %parallel_loop3A_396 = vector.broadcast %parallel_loop3A_395 : f32 to vector<16xf32>
        %parallel_loop3A_397 = arith.mulf %parallel_loop3A_394, %parallel_loop3A_396 : vector<16xf32>
        %parallel_loop3A_398 = arith.constant 144 : i32
        %parallel_loop3A_399 = arith.addi %parallel_loop3A_200, %parallel_loop3A_398 : i32
        %parallel_loop3A_400 = arith.index_cast %select_n3A_143 : i32 to index
        %parallel_loop3A_401 = arith.index_cast %parallel_loop3A_399 : i32 to index
        %parallel_loop3A_402 = tpu.vector_load %arg7[%parallel_loop3A_400, %parallel_loop3A_401] {strides = array<i32>} : memref<2x12288xf32, #tpu.memory_space<vmem>>, vector<1x16xf32>,
        %parallel_loop3A_403 = vector.shape_cast %parallel_loop3A_402 : vector<1x16xf32> to vector<16xf32>
        %parallel_loop3A_404 = arith.addf %parallel_loop3A_397, %parallel_loop3A_403 : vector<16xf32>
        %parallel_loop3A_405 = arith.index_cast %select_n3A_127 : i32 to index
        %parallel_loop3A_406 = arith.index_cast %parallel_loop3A_198 : i32 to index
        %parallel_loop3A_407 = arith.constant 144 : index
        %parallel_loop3A_408 = tpu.vector_load %arg8[%parallel_loop3A_405, %parallel_loop3A_406, %parallel_loop3A_407] {strides = array<i32>} : memref<4x16x768xf32, #tpu.memory_space<vmem>>, vector<1x1x16xf32>,
        %parallel_loop3A_409 = vector.shape_cast %parallel_loop3A_408 : vector<1x1x16xf32> to vector<16xf32>
        %parallel_loop3A_410 = vector.shape_cast %parallel_loop3A_404 : vector<16xf32> to vector<1x1x16xf32>
        tpu.vector_store %arg8[%parallel_loop3A_405, %parallel_loop3A_406, %parallel_loop3A_407], %parallel_loop3A_410 {strides = array<i32>} : memref<4x16x768xf32, #tpu.memory_space<vmem>>, vector<1x1x16xf32>,
        %parallel_loop3A_411 = arith.index_cast %select_n3A_127 : i32 to index
        %parallel_loop3A_412 = arith.index_cast %parallel_loop3A_198 : i32 to index
        %parallel_loop3A_413 = arith.constant 160 : index
        %parallel_loop3A_414 = tpu.vector_load %arg8[%parallel_loop3A_411, %parallel_loop3A_412, %parallel_loop3A_413] {strides = array<i32>} : memref<4x16x768xf32, #tpu.memory_space<vmem>>, vector<1x1x16xf32>,
        %parallel_loop3A_415 = vector.shape_cast %parallel_loop3A_414 : vector<1x1x16xf32> to vector<16xf32>
        %parallel_loop3A_416 = arith.constant 27.7128124 : f32
        %parallel_loop3A_417 = vector.broadcast %parallel_loop3A_416 : f32 to vector<16xf32>
        %parallel_loop3A_418 = arith.mulf %parallel_loop3A_415, %parallel_loop3A_417 : vector<16xf32>
        %parallel_loop3A_419 = arith.constant 160 : i32
        %parallel_loop3A_420 = arith.addi %parallel_loop3A_200, %parallel_loop3A_419 : i32
        %parallel_loop3A_421 = arith.index_cast %select_n3A_143 : i32 to index
        %parallel_loop3A_422 = arith.index_cast %parallel_loop3A_420 : i32 to index
        %parallel_loop3A_423 = tpu.vector_load %arg7[%parallel_loop3A_421, %parallel_loop3A_422] {strides = array<i32>} : memref<2x12288xf32, #tpu.memory_space<vmem>>, vector<1x16xf32>,
        %parallel_loop3A_424 = vector.shape_cast %parallel_loop3A_423 : vector<1x16xf32> to vector<16xf32>
        %parallel_loop3A_425 = arith.addf %parallel_loop3A_418, %parallel_loop3A_424 : vector<16xf32>
        %parallel_loop3A_426 = arith.index_cast %select_n3A_127 : i32 to index
        %parallel_loop3A_427 = arith.index_cast %parallel_loop3A_198 : i32 to index
        %parallel_loop3A_428 = arith.constant 160 : index
        %parallel_loop3A_429 = tpu.vector_load %arg8[%parallel_loop3A_426, %parallel_loop3A_427, %parallel_loop3A_428] {strides = array<i32>} : memref<4x16x768xf32, #tpu.memory_space<vmem>>, vector<1x1x16xf32>,
        %parallel_loop3A_430 = vector.shape_cast %parallel_loop3A_429 : vector<1x1x16xf32> to vector<16xf32>
        %parallel_loop3A_431 = vector.shape_cast %parallel_loop3A_425 : vector<16xf32> to vector<1x1x16xf32>
        tpu.vector_store %arg8[%parallel_loop3A_426, %parallel_loop3A_427, %parallel_loop3A_428], %parallel_loop3A_431 {strides = array<i32>} : memref<4x16x768xf32, #tpu.memory_space<vmem>>, vector<1x1x16xf32>,
        %parallel_loop3A_432 = arith.index_cast %select_n3A_127 : i32 to index
        %parallel_loop3A_433 = arith.index_cast %parallel_loop3A_198 : i32 to index
        %parallel_loop3A_434 = arith.constant 176 : index
        %parallel_loop3A_435 = tpu.vector_load %arg8[%parallel_loop3A_432, %parallel_loop3A_433, %parallel_loop3A_434] {strides = array<i32>} : memref<4x16x768xf32, #tpu.memory_space<vmem>>, vector<1x1x16xf32>,
        %parallel_loop3A_436 = vector.shape_cast %parallel_loop3A_435 : vector<1x1x16xf32> to vector<16xf32>
        %parallel_loop3A_437 = arith.constant 27.7128124 : f32
        %parallel_loop3A_438 = vector.broadcast %parallel_loop3A_437 : f32 to vector<16xf32>
        %parallel_loop3A_439 = arith.mulf %parallel_loop3A_436, %parallel_loop3A_438 : vector<16xf32>
        %parallel_loop3A_440 = arith.constant 176 : i32
        %parallel_loop3A_441 = arith.addi %parallel_loop3A_200, %parallel_loop3A_440 : i32
        %parallel_loop3A_442 = arith.index_cast %select_n3A_143 : i32 to index
        %parallel_loop3A_443 = arith.index_cast %parallel_loop3A_441 : i32 to index
        %parallel_loop3A_444 = tpu.vector_load %arg7[%parallel_loop3A_442, %parallel_loop3A_443] {strides = array<i32>} : memref<2x12288xf32, #tpu.memory_space<vmem>>, vector<1x16xf32>,
        %parallel_loop3A_445 = vector.shape_cast %parallel_loop3A_444 : vector<1x16xf32> to vector<16xf32>
        %parallel_loop3A_446 = arith.addf %parallel_loop3A_439, %parallel_loop3A_445 : vector<16xf32>
        %parallel_loop3A_447 = arith.index_cast %select_n3A_127 : i32 to index
        %parallel_loop3A_448 = arith.index_cast %parallel_loop3A_198 : i32 to index
        %parallel_loop3A_449 = arith.constant 176 : index
        %parallel_loop3A_450 = tpu.vector_load %arg8[%parallel_loop3A_447, %parallel_loop3A_448, %parallel_loop3A_449] {strides = array<i32>} : memref<4x16x768xf32, #tpu.memory_space<vmem>>, vector<1x1x16xf32>,
        %parallel_loop3A_451 = vector.shape_cast %parallel_loop3A_450 : vector<1x1x16xf32> to vector<16xf32>
        %parallel_loop3A_452 = vector.shape_cast %parallel_loop3A_446 : vector<16xf32> to vector<1x1x16xf32>
        tpu.vector_store %arg8[%parallel_loop3A_447, %parallel_loop3A_448, %parallel_loop3A_449], %parallel_loop3A_452 {strides = array<i32>} : memref<4x16x768xf32, #tpu.memory_space<vmem>>, vector<1x1x16xf32>,
        %parallel_loop3A_453 = arith.index_cast %select_n3A_127 : i32 to index
        %parallel_loop3A_454 = arith.index_cast %parallel_loop3A_198 : i32 to index
        %parallel_loop3A_455 = arith.constant 192 : index
        %parallel_loop3A_456 = tpu.vector_load %arg8[%parallel_loop3A_453, %parallel_loop3A_454, %parallel_loop3A_455] {strides = array<i32>} : memref<4x16x768xf32, #tpu.memory_space<vmem>>, vector<1x1x16xf32>,
        %parallel_loop3A_457 = vector.shape_cast %parallel_loop3A_456 : vector<1x1x16xf32> to vector<16xf32>
        %parallel_loop3A_458 = arith.constant 27.7128124 : f32
        %parallel_loop3A_459 = vector.broadcast %parallel_loop3A_458 : f32 to vector<16xf32>
        %parallel_loop3A_460 = arith.mulf %parallel_loop3A_457, %parallel_loop3A_459 : vector<16xf32>
        %parallel_loop3A_461 = arith.constant 192 : i32
        %parallel_loop3A_462 = arith.addi %parallel_loop3A_200, %parallel_loop3A_461 : i32
        %parallel_loop3A_463 = arith.index_cast %select_n3A_143 : i32 to index
        %parallel_loop3A_464 = arith.index_cast %parallel_loop3A_462 : i32 to index
        %parallel_loop3A_465 = tpu.vector_load %arg7[%parallel_loop3A_463, %parallel_loop3A_464] {strides = array<i32>} : memref<2x12288xf32, #tpu.memory_space<vmem>>, vector<1x16xf32>,
        %parallel_loop3A_466 = vector.shape_cast %parallel_loop3A_465 : vector<1x16xf32> to vector<16xf32>
        %parallel_loop3A_467 = arith.addf %parallel_loop3A_460, %parallel_loop3A_466 : vector<16xf32>
        %parallel_loop3A_468 = arith.index_cast %select_n3A_127 : i32 to index
        %parallel_loop3A_469 = arith.index_cast %parallel_loop3A_198 : i32 to index
        %parallel_loop3A_470 = arith.constant 192 : index
        %parallel_loop3A_471 = tpu.vector_load %arg8[%parallel_loop3A_468, %parallel_loop3A_469, %parallel_loop3A_470] {strides = array<i32>} : memref<4x16x768xf32, #tpu.memory_space<vmem>>, vector<1x1x16xf32>,
        %parallel_loop3A_472 = vector.shape_cast %parallel_loop3A_471 : vector<1x1x16xf32> to vector<16xf32>
        %parallel_loop3A_473 = vector.shape_cast %parallel_loop3A_467 : vector<16xf32> to vector<1x1x16xf32>
        tpu.vector_store %arg8[%parallel_loop3A_468, %parallel_loop3A_469, %parallel_loop3A_470], %parallel_loop3A_473 {strides = array<i32>} : memref<4x16x768xf32, #tpu.memory_space<vmem>>, vector<1x1x16xf32>,
        %parallel_loop3A_474 = arith.index_cast %select_n3A_127 : i32 to index
        %parallel_loop3A_475 = arith.index_cast %parallel_loop3A_198 : i32 to index
        %parallel_loop3A_476 = arith.constant 208 : index
        %parallel_loop3A_477 = tpu.vector_load %arg8[%parallel_loop3A_474, %parallel_loop3A_475, %parallel_loop3A_476] {strides = array<i32>} : memref<4x16x768xf32, #tpu.memory_space<vmem>>, vector<1x1x16xf32>,
        %parallel_loop3A_478 = vector.shape_cast %parallel_loop3A_477 : vector<1x1x16xf32> to vector<16xf32>
        %parallel_loop3A_479 = arith.constant 27.7128124 : f32
        %parallel_loop3A_480 = vector.broadcast %parallel_loop3A_479 : f32 to vector<16xf32>
        %parallel_loop3A_481 = arith.mulf %parallel_loop3A_478, %parallel_loop3A_480 : vector<16xf32>
        %parallel_loop3A_482 = arith.constant 208 : i32
        %parallel_loop3A_483 = arith.addi %parallel_loop3A_200, %parallel_loop3A_482 : i32
        %parallel_loop3A_484 = arith.index_cast %select_n3A_143 : i32 to index
        %parallel_loop3A_485 = arith.index_cast %parallel_loop3A_483 : i32 to index
        %parallel_loop3A_486 = tpu.vector_load %arg7[%parallel_loop3A_484, %parallel_loop3A_485] {strides = array<i32>} : memref<2x12288xf32, #tpu.memory_space<vmem>>, vector<1x16xf32>,
        %parallel_loop3A_487 = vector.shape_cast %parallel_loop3A_486 : vector<1x16xf32> to vector<16xf32>
        %parallel_loop3A_488 = arith.addf %parallel_loop3A_481, %parallel_loop3A_487 : vector<16xf32>
        %parallel_loop3A_489 = arith.index_cast %select_n3A_127 : i32 to index
        %parallel_loop3A_490 = arith.index_cast %parallel_loop3A_198 : i32 to index
        %parallel_loop3A_491 = arith.constant 208 : index
        %parallel_loop3A_492 = tpu.vector_load %arg8[%parallel_loop3A_489, %parallel_loop3A_490, %parallel_loop3A_491] {strides = array<i32>} : memref<4x16x768xf32, #tpu.memory_space<vmem>>, vector<1x1x16xf32>,
        %parallel_loop3A_493 = vector.shape_cast %parallel_loop3A_492 : vector<1x1x16xf32> to vector<16xf32>
        %parallel_loop3A_494 = vector.shape_cast %parallel_loop3A_488 : vector<16xf32> to vector<1x1x16xf32>
        tpu.vector_store %arg8[%parallel_loop3A_489, %parallel_loop3A_490, %parallel_loop3A_491], %parallel_loop3A_494 {strides = array<i32>} : memref<4x16x768xf32, #tpu.memory_space<vmem>>, vector<1x1x16xf32>,
        %parallel_loop3A_495 = arith.index_cast %select_n3A_127 : i32 to index
        %parallel_loop3A_496 = arith.index_cast %parallel_loop3A_198 : i32 to index
        %parallel_loop3A_497 = arith.constant 224 : index
        %parallel_loop3A_498 = tpu.vector_load %arg8[%parallel_loop3A_495, %parallel_loop3A_496, %parallel_loop3A_497] {strides = array<i32>} : memref<4x16x768xf32, #tpu.memory_space<vmem>>, vector<1x1x16xf32>,
        %parallel_loop3A_499 = vector.shape_cast %parallel_loop3A_498 : vector<1x1x16xf32> to vector<16xf32>
        %parallel_loop3A_500 = arith.constant 27.7128124 : f32
        %parallel_loop3A_501 = vector.broadcast %parallel_loop3A_500 : f32 to vector<16xf32>
        %parallel_loop3A_502 = arith.mulf %parallel_loop3A_499, %parallel_loop3A_501 : vector<16xf32>
        %parallel_loop3A_503 = arith.constant 224 : i32
        %parallel_loop3A_504 = arith.addi %parallel_loop3A_200, %parallel_loop3A_503 : i32
        %parallel_loop3A_505 = arith.index_cast %select_n3A_143 : i32 to index
        %parallel_loop3A_506 = arith.index_cast %parallel_loop3A_504 : i32 to index
        %parallel_loop3A_507 = tpu.vector_load %arg7[%parallel_loop3A_505, %parallel_loop3A_506] {strides = array<i32>} : memref<2x12288xf32, #tpu.memory_space<vmem>>, vector<1x16xf32>,
        %parallel_loop3A_508 = vector.shape_cast %parallel_loop3A_507 : vector<1x16xf32> to vector<16xf32>
        %parallel_loop3A_509 = arith.addf %parallel_loop3A_502, %parallel_loop3A_508 : vector<16xf32>
        %parallel_loop3A_510 = arith.index_cast %select_n3A_127 : i32 to index
        %parallel_loop3A_511 = arith.index_cast %parallel_loop3A_198 : i32 to index
        %parallel_loop3A_512 = arith.constant 224 : index
        %parallel_loop3A_513 = tpu.vector_load %arg8[%parallel_loop3A_510, %parallel_loop3A_511, %parallel_loop3A_512] {strides = array<i32>} : memref<4x16x768xf32, #tpu.memory_space<vmem>>, vector<1x1x16xf32>,
        %parallel_loop3A_514 = vector.shape_cast %parallel_loop3A_513 : vector<1x1x16xf32> to vector<16xf32>
        %parallel_loop3A_515 = vector.shape_cast %parallel_loop3A_509 : vector<16xf32> to vector<1x1x16xf32>
        tpu.vector_store %arg8[%parallel_loop3A_510, %parallel_loop3A_511, %parallel_loop3A_512], %parallel_loop3A_515 {strides = array<i32>} : memref<4x16x768xf32, #tpu.memory_space<vmem>>, vector<1x1x16xf32>,
        %parallel_loop3A_516 = arith.index_cast %select_n3A_127 : i32 to index
        %parallel_loop3A_517 = arith.index_cast %parallel_loop3A_198 : i32 to index
        %parallel_loop3A_518 = arith.constant 240 : index
        %parallel_loop3A_519 = tpu.vector_load %arg8[%parallel_loop3A_516, %parallel_loop3A_517, %parallel_loop3A_518] {strides = array<i32>} : memref<4x16x768xf32, #tpu.memory_space<vmem>>, vector<1x1x16xf32>,
        %parallel_loop3A_520 = vector.shape_cast %parallel_loop3A_519 : vector<1x1x16xf32> to vector<16xf32>
        %parallel_loop3A_521 = arith.constant 27.7128124 : f32
        %parallel_loop3A_522 = vector.broadcast %parallel_loop3A_521 : f32 to vector<16xf32>
        %parallel_loop3A_523 = arith.mulf %parallel_loop3A_520, %parallel_loop3A_522 : vector<16xf32>
        %parallel_loop3A_524 = arith.constant 240 : i32
        %parallel_loop3A_525 = arith.addi %parallel_loop3A_200, %parallel_loop3A_524 : i32
        %parallel_loop3A_526 = arith.index_cast %select_n3A_143 : i32 to index
        %parallel_loop3A_527 = arith.index_cast %parallel_loop3A_525 : i32 to index
        %parallel_loop3A_528 = tpu.vector_load %arg7[%parallel_loop3A_526, %parallel_loop3A_527] {strides = array<i32>} : memref<2x12288xf32, #tpu.memory_space<vmem>>, vector<1x16xf32>,
        %parallel_loop3A_529 = vector.shape_cast %parallel_loop3A_528 : vector<1x16xf32> to vector<16xf32>
        %parallel_loop3A_530 = arith.addf %parallel_loop3A_523, %parallel_loop3A_529 : vector<16xf32>
        %parallel_loop3A_531 = arith.index_cast %select_n3A_127 : i32 to index
        %parallel_loop3A_532 = arith.index_cast %parallel_loop3A_198 : i32 to index
        %parallel_loop3A_533 = arith.constant 240 : index
        %parallel_loop3A_534 = tpu.vector_load %arg8[%parallel_loop3A_531, %parallel_loop3A_532, %parallel_loop3A_533] {strides = array<i32>} : memref<4x16x768xf32, #tpu.memory_space<vmem>>, vector<1x1x16xf32>,
        %parallel_loop3A_535 = vector.shape_cast %parallel_loop3A_534 : vector<1x1x16xf32> to vector<16xf32>
        %parallel_loop3A_536 = vector.shape_cast %parallel_loop3A_530 : vector<16xf32> to vector<1x1x16xf32>
        tpu.vector_store %arg8[%parallel_loop3A_531, %parallel_loop3A_532, %parallel_loop3A_533], %parallel_loop3A_536 {strides = array<i32>} : memref<4x16x768xf32, #tpu.memory_space<vmem>>, vector<1x1x16xf32>,
        %parallel_loop3A_537 = arith.index_cast %select_n3A_127 : i32 to index
        %parallel_loop3A_538 = arith.index_cast %parallel_loop3A_198 : i32 to index
        %parallel_loop3A_539 = arith.constant 256 : index
        %parallel_loop3A_540 = tpu.vector_load %arg8[%parallel_loop3A_537, %parallel_loop3A_538, %parallel_loop3A_539] {strides = array<i32>} : memref<4x16x768xf32, #tpu.memory_space<vmem>>, vector<1x1x16xf32>,
        %parallel_loop3A_541 = vector.shape_cast %parallel_loop3A_540 : vector<1x1x16xf32> to vector<16xf32>
        %parallel_loop3A_542 = arith.constant 27.7128124 : f32
        %parallel_loop3A_543 = vector.broadcast %parallel_loop3A_542 : f32 to vector<16xf32>
        %parallel_loop3A_544 = arith.mulf %parallel_loop3A_541, %parallel_loop3A_543 : vector<16xf32>
        %parallel_loop3A_545 = arith.constant 256 : i32
        %parallel_loop3A_546 = arith.addi %parallel_loop3A_200, %parallel_loop3A_545 : i32
        %parallel_loop3A_547 = arith.index_cast %select_n3A_143 : i32 to index
        %parallel_loop3A_548 = arith.index_cast %parallel_loop3A_546 : i32 to index
        %parallel_loop3A_549 = tpu.vector_load %arg7[%parallel_loop3A_547, %parallel_loop3A_548] {strides = array<i32>} : memref<2x12288xf32, #tpu.memory_space<vmem>>, vector<1x16xf32>,
        %parallel_loop3A_550 = vector.shape_cast %parallel_loop3A_549 : vector<1x16xf32> to vector<16xf32>
        %parallel_loop3A_551 = arith.addf %parallel_loop3A_544, %parallel_loop3A_550 : vector<16xf32>
        %parallel_loop3A_552 = arith.index_cast %select_n3A_127 : i32 to index
        %parallel_loop3A_553 = arith.index_cast %parallel_loop3A_198 : i32 to index
        %parallel_loop3A_554 = arith.constant 256 : index
        %parallel_loop3A_555 = tpu.vector_load %arg8[%parallel_loop3A_552, %parallel_loop3A_553, %parallel_loop3A_554] {strides = array<i32>} : memref<4x16x768xf32, #tpu.memory_space<vmem>>, vector<1x1x16xf32>,
        %parallel_loop3A_556 = vector.shape_cast %parallel_loop3A_555 : vector<1x1x16xf32> to vector<16xf32>
        %parallel_loop3A_557 = vector.shape_cast %parallel_loop3A_551 : vector<16xf32> to vector<1x1x16xf32>
        tpu.vector_store %arg8[%parallel_loop3A_552, %parallel_loop3A_553, %parallel_loop3A_554], %parallel_loop3A_557 {strides = array<i32>} : memref<4x16x768xf32, #tpu.memory_space<vmem>>, vector<1x1x16xf32>,
        %parallel_loop3A_558 = arith.index_cast %select_n3A_127 : i32 to index
        %parallel_loop3A_559 = arith.index_cast %parallel_loop3A_198 : i32 to index
        %parallel_loop3A_560 = arith.constant 272 : index
        %parallel_loop3A_561 = tpu.vector_load %arg8[%parallel_loop3A_558, %parallel_loop3A_559, %parallel_loop3A_560] {strides = array<i32>} : memref<4x16x768xf32, #tpu.memory_space<vmem>>, vector<1x1x16xf32>,
        %parallel_loop3A_562 = vector.shape_cast %parallel_loop3A_561 : vector<1x1x16xf32> to vector<16xf32>
        %parallel_loop3A_563 = arith.constant 27.7128124 : f32
        %parallel_loop3A_564 = vector.broadcast %parallel_loop3A_563 : f32 to vector<16xf32>
        %parallel_loop3A_565 = arith.mulf %parallel_loop3A_562, %parallel_loop3A_564 : vector<16xf32>
        %parallel_loop3A_566 = arith.constant 272 : i32
        %parallel_loop3A_567 = arith.addi %parallel_loop3A_200, %parallel_loop3A_566 : i32
        %parallel_loop3A_568 = arith.index_cast %select_n3A_143 : i32 to index
        %parallel_loop3A_569 = arith.index_cast %parallel_loop3A_567 : i32 to index
        %parallel_loop3A_570 = tpu.vector_load %arg7[%parallel_loop3A_568, %parallel_loop3A_569] {strides = array<i32>} : memref<2x12288xf32, #tpu.memory_space<vmem>>, vector<1x16xf32>,
        %parallel_loop3A_571 = vector.shape_cast %parallel_loop3A_570 : vector<1x16xf32> to vector<16xf32>
        %parallel_loop3A_572 = arith.addf %parallel_loop3A_565, %parallel_loop3A_571 : vector<16xf32>
        %parallel_loop3A_573 = arith.index_cast %select_n3A_127 : i32 to index
        %parallel_loop3A_574 = arith.index_cast %parallel_loop3A_198 : i32 to index
        %parallel_loop3A_575 = arith.constant 272 : index
        %parallel_loop3A_576 = tpu.vector_load %arg8[%parallel_loop3A_573, %parallel_loop3A_574, %parallel_loop3A_575] {strides = array<i32>} : memref<4x16x768xf32, #tpu.memory_space<vmem>>, vector<1x1x16xf32>,
        %parallel_loop3A_577 = vector.shape_cast %parallel_loop3A_576 : vector<1x1x16xf32> to vector<16xf32>
        %parallel_loop3A_578 = vector.shape_cast %parallel_loop3A_572 : vector<16xf32> to vector<1x1x16xf32>
        tpu.vector_store %arg8[%parallel_loop3A_573, %parallel_loop3A_574, %parallel_loop3A_575], %parallel_loop3A_578 {strides = array<i32>} : memref<4x16x768xf32, #tpu.memory_space<vmem>>, vector<1x1x16xf32>,
        %parallel_loop3A_579 = arith.index_cast %select_n3A_127 : i32 to index
        %parallel_loop3A_580 = arith.index_cast %parallel_loop3A_198 : i32 to index
        %parallel_loop3A_581 = arith.constant 288 : index
        %parallel_loop3A_582 = tpu.vector_load %arg8[%parallel_loop3A_579, %parallel_loop3A_580, %parallel_loop3A_581] {strides = array<i32>} : memref<4x16x768xf32, #tpu.memory_space<vmem>>, vector<1x1x16xf32>,
        %parallel_loop3A_583 = vector.shape_cast %parallel_loop3A_582 : vector<1x1x16xf32> to vector<16xf32>
        %parallel_loop3A_584 = arith.constant 27.7128124 : f32
        %parallel_loop3A_585 = vector.broadcast %parallel_loop3A_584 : f32 to vector<16xf32>
        %parallel_loop3A_586 = arith.mulf %parallel_loop3A_583, %parallel_loop3A_585 : vector<16xf32>
        %parallel_loop3A_587 = arith.constant 288 : i32
        %parallel_loop3A_588 = arith.addi %parallel_loop3A_200, %parallel_loop3A_587 : i32
        %parallel_loop3A_589 = arith.index_cast %select_n3A_143 : i32 to index
        %parallel_loop3A_590 = arith.index_cast %parallel_loop3A_588 : i32 to index
        %parallel_loop3A_591 = tpu.vector_load %arg7[%parallel_loop3A_589, %parallel_loop3A_590] {strides = array<i32>} : memref<2x12288xf32, #tpu.memory_space<vmem>>, vector<1x16xf32>,
        %parallel_loop3A_592 = vector.shape_cast %parallel_loop3A_591 : vector<1x16xf32> to vector<16xf32>
        %parallel_loop3A_593 = arith.addf %parallel_loop3A_586, %parallel_loop3A_592 : vector<16xf32>
        %parallel_loop3A_594 = arith.index_cast %select_n3A_127 : i32 to index
        %parallel_loop3A_595 = arith.index_cast %parallel_loop3A_198 : i32 to index
        %parallel_loop3A_596 = arith.constant 288 : index
        %parallel_loop3A_597 = tpu.vector_load %arg8[%parallel_loop3A_594, %parallel_loop3A_595, %parallel_loop3A_596] {strides = array<i32>} : memref<4x16x768xf32, #tpu.memory_space<vmem>>, vector<1x1x16xf32>,
        %parallel_loop3A_598 = vector.shape_cast %parallel_loop3A_597 : vector<1x1x16xf32> to vector<16xf32>
        %parallel_loop3A_599 = vector.shape_cast %parallel_loop3A_593 : vector<16xf32> to vector<1x1x16xf32>
        tpu.vector_store %arg8[%parallel_loop3A_594, %parallel_loop3A_595, %parallel_loop3A_596], %parallel_loop3A_599 {strides = array<i32>} : memref<4x16x768xf32, #tpu.memory_space<vmem>>, vector<1x1x16xf32>,
        %parallel_loop3A_600 = arith.index_cast %select_n3A_127 : i32 to index
        %parallel_loop3A_601 = arith.index_cast %parallel_loop3A_198 : i32 to index
        %parallel_loop3A_602 = arith.constant 304 : index
        %parallel_loop3A_603 = tpu.vector_load %arg8[%parallel_loop3A_600, %parallel_loop3A_601, %parallel_loop3A_602] {strides = array<i32>} : memref<4x16x768xf32, #tpu.memory_space<vmem>>, vector<1x1x16xf32>,
        %parallel_loop3A_604 = vector.shape_cast %parallel_loop3A_603 : vector<1x1x16xf32> to vector<16xf32>
        %parallel_loop3A_605 = arith.constant 27.7128124 : f32
        %parallel_loop3A_606 = vector.broadcast %parallel_loop3A_605 : f32 to vector<16xf32>
        %parallel_loop3A_607 = arith.mulf %parallel_loop3A_604, %parallel_loop3A_606 : vector<16xf32>
        %parallel_loop3A_608 = arith.constant 304 : i32
        %parallel_loop3A_609 = arith.addi %parallel_loop3A_200, %parallel_loop3A_608 : i32
        %parallel_loop3A_610 = arith.index_cast %select_n3A_143 : i32 to index
        %parallel_loop3A_611 = arith.index_cast %parallel_loop3A_609 : i32 to index
        %parallel_loop3A_612 = tpu.vector_load %arg7[%parallel_loop3A_610, %parallel_loop3A_611] {strides = array<i32>} : memref<2x12288xf32, #tpu.memory_space<vmem>>, vector<1x16xf32>,
        %parallel_loop3A_613 = vector.shape_cast %parallel_loop3A_612 : vector<1x16xf32> to vector<16xf32>
        %parallel_loop3A_614 = arith.addf %parallel_loop3A_607, %parallel_loop3A_613 : vector<16xf32>
        %parallel_loop3A_615 = arith.index_cast %select_n3A_127 : i32 to index
        %parallel_loop3A_616 = arith.index_cast %parallel_loop3A_198 : i32 to index
        %parallel_loop3A_617 = arith.constant 304 : index
        %parallel_loop3A_618 = tpu.vector_load %arg8[%parallel_loop3A_615, %parallel_loop3A_616, %parallel_loop3A_617] {strides = array<i32>} : memref<4x16x768xf32, #tpu.memory_space<vmem>>, vector<1x1x16xf32>,
        %parallel_loop3A_619 = vector.shape_cast %parallel_loop3A_618 : vector<1x1x16xf32> to vector<16xf32>
        %parallel_loop3A_620 = vector.shape_cast %parallel_loop3A_614 : vector<16xf32> to vector<1x1x16xf32>
        tpu.vector_store %arg8[%parallel_loop3A_615, %parallel_loop3A_616, %parallel_loop3A_617], %parallel_loop3A_620 {strides = array<i32>} : memref<4x16x768xf32, #tpu.memory_space<vmem>>, vector<1x1x16xf32>,
        %parallel_loop3A_621 = arith.index_cast %select_n3A_127 : i32 to index
        %parallel_loop3A_622 = arith.index_cast %parallel_loop3A_198 : i32 to index
        %parallel_loop3A_623 = arith.constant 320 : index
        %parallel_loop3A_624 = tpu.vector_load %arg8[%parallel_loop3A_621, %parallel_loop3A_622, %parallel_loop3A_623] {strides = array<i32>} : memref<4x16x768xf32, #tpu.memory_space<vmem>>, vector<1x1x16xf32>,
        %parallel_loop3A_625 = vector.shape_cast %parallel_loop3A_624 : vector<1x1x16xf32> to vector<16xf32>
        %parallel_loop3A_626 = arith.constant 27.7128124 : f32
        %parallel_loop3A_627 = vector.broadcast %parallel_loop3A_626 : f32 to vector<16xf32>
        %parallel_loop3A_628 = arith.mulf %parallel_loop3A_625, %parallel_loop3A_627 : vector<16xf32>
        %parallel_loop3A_629 = arith.constant 320 : i32
        %parallel_loop3A_630 = arith.addi %parallel_loop3A_200, %parallel_loop3A_629 : i32
        %parallel_loop3A_631 = arith.index_cast %select_n3A_143 : i32 to index
        %parallel_loop3A_632 = arith.index_cast %parallel_loop3A_630 : i32 to index
        %parallel_loop3A_633 = tpu.vector_load %arg7[%parallel_loop3A_631, %parallel_loop3A_632] {strides = array<i32>} : memref<2x12288xf32, #tpu.memory_space<vmem>>, vector<1x16xf32>,
        %parallel_loop3A_634 = vector.shape_cast %parallel_loop3A_633 : vector<1x16xf32> to vector<16xf32>
        %parallel_loop3A_635 = arith.addf %parallel_loop3A_628, %parallel_loop3A_634 : vector<16xf32>
        %parallel_loop3A_636 = arith.index_cast %select_n3A_127 : i32 to index
        %parallel_loop3A_637 = arith.index_cast %parallel_loop3A_198 : i32 to index
        %parallel_loop3A_638 = arith.constant 320 : index
        %parallel_loop3A_639 = tpu.vector_load %arg8[%parallel_loop3A_636, %parallel_loop3A_637, %parallel_loop3A_638] {strides = array<i32>} : memref<4x16x768xf32, #tpu.memory_space<vmem>>, vector<1x1x16xf32>,
        %parallel_loop3A_640 = vector.shape_cast %parallel_loop3A_639 : vector<1x1x16xf32> to vector<16xf32>
        %parallel_loop3A_641 = vector.shape_cast %parallel_loop3A_635 : vector<16xf32> to vector<1x1x16xf32>
        tpu.vector_store %arg8[%parallel_loop3A_636, %parallel_loop3A_637, %parallel_loop3A_638], %parallel_loop3A_641 {strides = array<i32>} : memref<4x16x768xf32, #tpu.memory_space<vmem>>, vector<1x1x16xf32>,
        %parallel_loop3A_642 = arith.index_cast %select_n3A_127 : i32 to index
        %parallel_loop3A_643 = arith.index_cast %parallel_loop3A_198 : i32 to index
        %parallel_loop3A_644 = arith.constant 336 : index
        %parallel_loop3A_645 = tpu.vector_load %arg8[%parallel_loop3A_642, %parallel_loop3A_643, %parallel_loop3A_644] {strides = array<i32>} : memref<4x16x768xf32, #tpu.memory_space<vmem>>, vector<1x1x16xf32>,
        %parallel_loop3A_646 = vector.shape_cast %parallel_loop3A_645 : vector<1x1x16xf32> to vector<16xf32>
        %parallel_loop3A_647 = arith.constant 27.7128124 : f32
        %parallel_loop3A_648 = vector.broadcast %parallel_loop3A_647 : f32 to vector<16xf32>
        %parallel_loop3A_649 = arith.mulf %parallel_loop3A_646, %parallel_loop3A_648 : vector<16xf32>
        %parallel_loop3A_650 = arith.constant 336 : i32
        %parallel_loop3A_651 = arith.addi %parallel_loop3A_200, %parallel_loop3A_650 : i32
        %parallel_loop3A_652 = arith.index_cast %select_n3A_143 : i32 to index
        %parallel_loop3A_653 = arith.index_cast %parallel_loop3A_651 : i32 to index
        %parallel_loop3A_654 = tpu.vector_load %arg7[%parallel_loop3A_652, %parallel_loop3A_653] {strides = array<i32>} : memref<2x12288xf32, #tpu.memory_space<vmem>>, vector<1x16xf32>,
        %parallel_loop3A_655 = vector.shape_cast %parallel_loop3A_654 : vector<1x16xf32> to vector<16xf32>
        %parallel_loop3A_656 = arith.addf %parallel_loop3A_649, %parallel_loop3A_655 : vector<16xf32>
        %parallel_loop3A_657 = arith.index_cast %select_n3A_127 : i32 to index
        %parallel_loop3A_658 = arith.index_cast %parallel_loop3A_198 : i32 to index
        %parallel_loop3A_659 = arith.constant 336 : index
        %parallel_loop3A_660 = tpu.vector_load %arg8[%parallel_loop3A_657, %parallel_loop3A_658, %parallel_loop3A_659] {strides = array<i32>} : memref<4x16x768xf32, #tpu.memory_space<vmem>>, vector<1x1x16xf32>,
        %parallel_loop3A_661 = vector.shape_cast %parallel_loop3A_660 : vector<1x1x16xf32> to vector<16xf32>
        %parallel_loop3A_662 = vector.shape_cast %parallel_loop3A_656 : vector<16xf32> to vector<1x1x16xf32>
        tpu.vector_store %arg8[%parallel_loop3A_657, %parallel_loop3A_658, %parallel_loop3A_659], %parallel_loop3A_662 {strides = array<i32>} : memref<4x16x768xf32, #tpu.memory_space<vmem>>, vector<1x1x16xf32>,
        %parallel_loop3A_663 = arith.index_cast %select_n3A_127 : i32 to index
        %parallel_loop3A_664 = arith.index_cast %parallel_loop3A_198 : i32 to index
        %parallel_loop3A_665 = arith.constant 352 : index
        %parallel_loop3A_666 = tpu.vector_load %arg8[%parallel_loop3A_663, %parallel_loop3A_664, %parallel_loop3A_665] {strides = array<i32>} : memref<4x16x768xf32, #tpu.memory_space<vmem>>, vector<1x1x16xf32>,
        %parallel_loop3A_667 = vector.shape_cast %parallel_loop3A_666 : vector<1x1x16xf32> to vector<16xf32>
        %parallel_loop3A_668 = arith.constant 27.7128124 : f32
        %parallel_loop3A_669 = vector.broadcast %parallel_loop3A_668 : f32 to vector<16xf32>
        %parallel_loop3A_670 = arith.mulf %parallel_loop3A_667, %parallel_loop3A_669 : vector<16xf32>
        %parallel_loop3A_671 = arith.constant 352 : i32
        %parallel_loop3A_672 = arith.addi %parallel_loop3A_200, %parallel_loop3A_671 : i32
        %parallel_loop3A_673 = arith.index_cast %select_n3A_143 : i32 to index
        %parallel_loop3A_674 = arith.index_cast %parallel_loop3A_672 : i32 to index
        %parallel_loop3A_675 = tpu.vector_load %arg7[%parallel_loop3A_673, %parallel_loop3A_674] {strides = array<i32>} : memref<2x12288xf32, #tpu.memory_space<vmem>>, vector<1x16xf32>,
        %parallel_loop3A_676 = vector.shape_cast %parallel_loop3A_675 : vector<1x16xf32> to vector<16xf32>
        %parallel_loop3A_677 = arith.addf %parallel_loop3A_670, %parallel_loop3A_676 : vector<16xf32>
        %parallel_loop3A_678 = arith.index_cast %select_n3A_127 : i32 to index
        %parallel_loop3A_679 = arith.index_cast %parallel_loop3A_198 : i32 to index
        %parallel_loop3A_680 = arith.constant 352 : index
        %parallel_loop3A_681 = tpu.vector_load %arg8[%parallel_loop3A_678, %parallel_loop3A_679, %parallel_loop3A_680] {strides = array<i32>} : memref<4x16x768xf32, #tpu.memory_space<vmem>>, vector<1x1x16xf32>,
        %parallel_loop3A_682 = vector.shape_cast %parallel_loop3A_681 : vector<1x1x16xf32> to vector<16xf32>
        %parallel_loop3A_683 = vector.shape_cast %parallel_loop3A_677 : vector<16xf32> to vector<1x1x16xf32>
        tpu.vector_store %arg8[%parallel_loop3A_678, %parallel_loop3A_679, %parallel_loop3A_680], %parallel_loop3A_683 {strides = array<i32>} : memref<4x16x768xf32, #tpu.memory_space<vmem>>, vector<1x1x16xf32>,
        %parallel_loop3A_684 = arith.index_cast %select_n3A_127 : i32 to index
        %parallel_loop3A_685 = arith.index_cast %parallel_loop3A_198 : i32 to index
        %parallel_loop3A_686 = arith.constant 368 : index
        %parallel_loop3A_687 = tpu.vector_load %arg8[%parallel_loop3A_684, %parallel_loop3A_685, %parallel_loop3A_686] {strides = array<i32>} : memref<4x16x768xf32, #tpu.memory_space<vmem>>, vector<1x1x16xf32>,
        %parallel_loop3A_688 = vector.shape_cast %parallel_loop3A_687 : vector<1x1x16xf32> to vector<16xf32>
        %parallel_loop3A_689 = arith.constant 27.7128124 : f32
        %parallel_loop3A_690 = vector.broadcast %parallel_loop3A_689 : f32 to vector<16xf32>
        %parallel_loop3A_691 = arith.mulf %parallel_loop3A_688, %parallel_loop3A_690 : vector<16xf32>
        %parallel_loop3A_692 = arith.constant 368 : i32
        %parallel_loop3A_693 = arith.addi %parallel_loop3A_200, %parallel_loop3A_692 : i32
        %parallel_loop3A_694 = arith.index_cast %select_n3A_143 : i32 to index
        %parallel_loop3A_695 = arith.index_cast %parallel_loop3A_693 : i32 to index
        %parallel_loop3A_696 = tpu.vector_load %arg7[%parallel_loop3A_694, %parallel_loop3A_695] {strides = array<i32>} : memref<2x12288xf32, #tpu.memory_space<vmem>>, vector<1x16xf32>,
        %parallel_loop3A_697 = vector.shape_cast %parallel_loop3A_696 : vector<1x16xf32> to vector<16xf32>
        %parallel_loop3A_698 = arith.addf %parallel_loop3A_691, %parallel_loop3A_697 : vector<16xf32>
        %parallel_loop3A_699 = arith.index_cast %select_n3A_127 : i32 to index
        %parallel_loop3A_700 = arith.index_cast %parallel_loop3A_198 : i32 to index
        %parallel_loop3A_701 = arith.constant 368 : index
        %parallel_loop3A_702 = tpu.vector_load %arg8[%parallel_loop3A_699, %parallel_loop3A_700, %parallel_loop3A_701] {strides = array<i32>} : memref<4x16x768xf32, #tpu.memory_space<vmem>>, vector<1x1x16xf32>,
        %parallel_loop3A_703 = vector.shape_cast %parallel_loop3A_702 : vector<1x1x16xf32> to vector<16xf32>
        %parallel_loop3A_704 = vector.shape_cast %parallel_loop3A_698 : vector<16xf32> to vector<1x1x16xf32>
        tpu.vector_store %arg8[%parallel_loop3A_699, %parallel_loop3A_700, %parallel_loop3A_701], %parallel_loop3A_704 {strides = array<i32>} : memref<4x16x768xf32, #tpu.memory_space<vmem>>, vector<1x1x16xf32>,
        %parallel_loop3A_705 = arith.index_cast %select_n3A_127 : i32 to index
        %parallel_loop3A_706 = arith.index_cast %parallel_loop3A_198 : i32 to index
        %parallel_loop3A_707 = arith.constant 384 : index
        %parallel_loop3A_708 = tpu.vector_load %arg8[%parallel_loop3A_705, %parallel_loop3A_706, %parallel_loop3A_707] {strides = array<i32>} : memref<4x16x768xf32, #tpu.memory_space<vmem>>, vector<1x1x16xf32>,
        %parallel_loop3A_709 = vector.shape_cast %parallel_loop3A_708 : vector<1x1x16xf32> to vector<16xf32>
        %parallel_loop3A_710 = arith.constant 27.7128124 : f32
        %parallel_loop3A_711 = vector.broadcast %parallel_loop3A_710 : f32 to vector<16xf32>
        %parallel_loop3A_712 = arith.mulf %parallel_loop3A_709, %parallel_loop3A_711 : vector<16xf32>
        %parallel_loop3A_713 = arith.constant 384 : i32
        %parallel_loop3A_714 = arith.addi %parallel_loop3A_200, %parallel_loop3A_713 : i32
        %parallel_loop3A_715 = arith.index_cast %select_n3A_143 : i32 to index
        %parallel_loop3A_716 = arith.index_cast %parallel_loop3A_714 : i32 to index
        %parallel_loop3A_717 = tpu.vector_load %arg7[%parallel_loop3A_715, %parallel_loop3A_716] {strides = array<i32>} : memref<2x12288xf32, #tpu.memory_space<vmem>>, vector<1x16xf32>,
        %parallel_loop3A_718 = vector.shape_cast %parallel_loop3A_717 : vector<1x16xf32> to vector<16xf32>
        %parallel_loop3A_719 = arith.addf %parallel_loop3A_712, %parallel_loop3A_718 : vector<16xf32>
        %parallel_loop3A_720 = arith.index_cast %select_n3A_127 : i32 to index
        %parallel_loop3A_721 = arith.index_cast %parallel_loop3A_198 : i32 to index
        %parallel_loop3A_722 = arith.constant 384 : index
        %parallel_loop3A_723 = tpu.vector_load %arg8[%parallel_loop3A_720, %parallel_loop3A_721, %parallel_loop3A_722] {strides = array<i32>} : memref<4x16x768xf32, #tpu.memory_space<vmem>>, vector<1x1x16xf32>,
        %parallel_loop3A_724 = vector.shape_cast %parallel_loop3A_723 : vector<1x1x16xf32> to vector<16xf32>
        %parallel_loop3A_725 = vector.shape_cast %parallel_loop3A_719 : vector<16xf32> to vector<1x1x16xf32>
        tpu.vector_store %arg8[%parallel_loop3A_720, %parallel_loop3A_721, %parallel_loop3A_722], %parallel_loop3A_725 {strides = array<i32>} : memref<4x16x768xf32, #tpu.memory_space<vmem>>, vector<1x1x16xf32>,
        %parallel_loop3A_726 = arith.index_cast %select_n3A_127 : i32 to index
        %parallel_loop3A_727 = arith.index_cast %parallel_loop3A_198 : i32 to index
        %parallel_loop3A_728 = arith.constant 400 : index
        %parallel_loop3A_729 = tpu.vector_load %arg8[%parallel_loop3A_726, %parallel_loop3A_727, %parallel_loop3A_728] {strides = array<i32>} : memref<4x16x768xf32, #tpu.memory_space<vmem>>, vector<1x1x16xf32>,
        %parallel_loop3A_730 = vector.shape_cast %parallel_loop3A_729 : vector<1x1x16xf32> to vector<16xf32>
        %parallel_loop3A_731 = arith.constant 27.7128124 : f32
        %parallel_loop3A_732 = vector.broadcast %parallel_loop3A_731 : f32 to vector<16xf32>
        %parallel_loop3A_733 = arith.mulf %parallel_loop3A_730, %parallel_loop3A_732 : vector<16xf32>
        %parallel_loop3A_734 = arith.constant 400 : i32
        %parallel_loop3A_735 = arith.addi %parallel_loop3A_200, %parallel_loop3A_734 : i32
        %parallel_loop3A_736 = arith.index_cast %select_n3A_143 : i32 to index
        %parallel_loop3A_737 = arith.index_cast %parallel_loop3A_735 : i32 to index
        %parallel_loop3A_738 = tpu.vector_load %arg7[%parallel_loop3A_736, %parallel_loop3A_737] {strides = array<i32>} : memref<2x12288xf32, #tpu.memory_space<vmem>>, vector<1x16xf32>,
        %parallel_loop3A_739 = vector.shape_cast %parallel_loop3A_738 : vector<1x16xf32> to vector<16xf32>
        %parallel_loop3A_740 = arith.addf %parallel_loop3A_733, %parallel_loop3A_739 : vector<16xf32>
        %parallel_loop3A_741 = arith.index_cast %select_n3A_127 : i32 to index
        %parallel_loop3A_742 = arith.index_cast %parallel_loop3A_198 : i32 to index
        %parallel_loop3A_743 = arith.constant 400 : index
        %parallel_loop3A_744 = tpu.vector_load %arg8[%parallel_loop3A_741, %parallel_loop3A_742, %parallel_loop3A_743] {strides = array<i32>} : memref<4x16x768xf32, #tpu.memory_space<vmem>>, vector<1x1x16xf32>,
        %parallel_loop3A_745 = vector.shape_cast %parallel_loop3A_744 : vector<1x1x16xf32> to vector<16xf32>
        %parallel_loop3A_746 = vector.shape_cast %parallel_loop3A_740 : vector<16xf32> to vector<1x1x16xf32>
        tpu.vector_store %arg8[%parallel_loop3A_741, %parallel_loop3A_742, %parallel_loop3A_743], %parallel_loop3A_746 {strides = array<i32>} : memref<4x16x768xf32, #tpu.memory_space<vmem>>, vector<1x1x16xf32>,
        %parallel_loop3A_747 = arith.index_cast %select_n3A_127 : i32 to index
        %parallel_loop3A_748 = arith.index_cast %parallel_loop3A_198 : i32 to index
        %parallel_loop3A_749 = arith.constant 416 : index
        %parallel_loop3A_750 = tpu.vector_load %arg8[%parallel_loop3A_747, %parallel_loop3A_748, %parallel_loop3A_749] {strides = array<i32>} : memref<4x16x768xf32, #tpu.memory_space<vmem>>, vector<1x1x16xf32>,
        %parallel_loop3A_751 = vector.shape_cast %parallel_loop3A_750 : vector<1x1x16xf32> to vector<16xf32>
        %parallel_loop3A_752 = arith.constant 27.7128124 : f32
        %parallel_loop3A_753 = vector.broadcast %parallel_loop3A_752 : f32 to vector<16xf32>
        %parallel_loop3A_754 = arith.mulf %parallel_loop3A_751, %parallel_loop3A_753 : vector<16xf32>
        %parallel_loop3A_755 = arith.constant 416 : i32
        %parallel_loop3A_756 = arith.addi %parallel_loop3A_200, %parallel_loop3A_755 : i32
        %parallel_loop3A_757 = arith.index_cast %select_n3A_143 : i32 to index
        %parallel_loop3A_758 = arith.index_cast %parallel_loop3A_756 : i32 to index
        %parallel_loop3A_759 = tpu.vector_load %arg7[%parallel_loop3A_757, %parallel_loop3A_758] {strides = array<i32>} : memref<2x12288xf32, #tpu.memory_space<vmem>>, vector<1x16xf32>,
        %parallel_loop3A_760 = vector.shape_cast %parallel_loop3A_759 : vector<1x16xf32> to vector<16xf32>
        %parallel_loop3A_761 = arith.addf %parallel_loop3A_754, %parallel_loop3A_760 : vector<16xf32>
        %parallel_loop3A_762 = arith.index_cast %select_n3A_127 : i32 to index
        %parallel_loop3A_763 = arith.index_cast %parallel_loop3A_198 : i32 to index
        %parallel_loop3A_764 = arith.constant 416 : index
        %parallel_loop3A_765 = tpu.vector_load %arg8[%parallel_loop3A_762, %parallel_loop3A_763, %parallel_loop3A_764] {strides = array<i32>} : memref<4x16x768xf32, #tpu.memory_space<vmem>>, vector<1x1x16xf32>,
        %parallel_loop3A_766 = vector.shape_cast %parallel_loop3A_765 : vector<1x1x16xf32> to vector<16xf32>
        %parallel_loop3A_767 = vector.shape_cast %parallel_loop3A_761 : vector<16xf32> to vector<1x1x16xf32>
        tpu.vector_store %arg8[%parallel_loop3A_762, %parallel_loop3A_763, %parallel_loop3A_764], %parallel_loop3A_767 {strides = array<i32>} : memref<4x16x768xf32, #tpu.memory_space<vmem>>, vector<1x1x16xf32>,
        %parallel_loop3A_768 = arith.index_cast %select_n3A_127 : i32 to index
        %parallel_loop3A_769 = arith.index_cast %parallel_loop3A_198 : i32 to index
        %parallel_loop3A_770 = arith.constant 432 : index
        %parallel_loop3A_771 = tpu.vector_load %arg8[%parallel_loop3A_768, %parallel_loop3A_769, %parallel_loop3A_770] {strides = array<i32>} : memref<4x16x768xf32, #tpu.memory_space<vmem>>, vector<1x1x16xf32>,
        %parallel_loop3A_772 = vector.shape_cast %parallel_loop3A_771 : vector<1x1x16xf32> to vector<16xf32>
        %parallel_loop3A_773 = arith.constant 27.7128124 : f32
        %parallel_loop3A_774 = vector.broadcast %parallel_loop3A_773 : f32 to vector<16xf32>
        %parallel_loop3A_775 = arith.mulf %parallel_loop3A_772, %parallel_loop3A_774 : vector<16xf32>
        %parallel_loop3A_776 = arith.constant 432 : i32
        %parallel_loop3A_777 = arith.addi %parallel_loop3A_200, %parallel_loop3A_776 : i32
        %parallel_loop3A_778 = arith.index_cast %select_n3A_143 : i32 to index
        %parallel_loop3A_779 = arith.index_cast %parallel_loop3A_777 : i32 to index
        %parallel_loop3A_780 = tpu.vector_load %arg7[%parallel_loop3A_778, %parallel_loop3A_779] {strides = array<i32>} : memref<2x12288xf32, #tpu.memory_space<vmem>>, vector<1x16xf32>,
        %parallel_loop3A_781 = vector.shape_cast %parallel_loop3A_780 : vector<1x16xf32> to vector<16xf32>
        %parallel_loop3A_782 = arith.addf %parallel_loop3A_775, %parallel_loop3A_781 : vector<16xf32>
        %parallel_loop3A_783 = arith.index_cast %select_n3A_127 : i32 to index
        %parallel_loop3A_784 = arith.index_cast %parallel_loop3A_198 : i32 to index
        %parallel_loop3A_785 = arith.constant 432 : index
        %parallel_loop3A_786 = tpu.vector_load %arg8[%parallel_loop3A_783, %parallel_loop3A_784, %parallel_loop3A_785] {strides = array<i32>} : memref<4x16x768xf32, #tpu.memory_space<vmem>>, vector<1x1x16xf32>,
        %parallel_loop3A_787 = vector.shape_cast %parallel_loop3A_786 : vector<1x1x16xf32> to vector<16xf32>
        %parallel_loop3A_788 = vector.shape_cast %parallel_loop3A_782 : vector<16xf32> to vector<1x1x16xf32>
        tpu.vector_store %arg8[%parallel_loop3A_783, %parallel_loop3A_784, %parallel_loop3A_785], %parallel_loop3A_788 {strides = array<i32>} : memref<4x16x768xf32, #tpu.memory_space<vmem>>, vector<1x1x16xf32>,
        %parallel_loop3A_789 = arith.index_cast %select_n3A_127 : i32 to index
        %parallel_loop3A_790 = arith.index_cast %parallel_loop3A_198 : i32 to index
        %parallel_loop3A_791 = arith.constant 448 : index
        %parallel_loop3A_792 = tpu.vector_load %arg8[%parallel_loop3A_789, %parallel_loop3A_790, %parallel_loop3A_791] {strides = array<i32>} : memref<4x16x768xf32, #tpu.memory_space<vmem>>, vector<1x1x16xf32>,
        %parallel_loop3A_793 = vector.shape_cast %parallel_loop3A_792 : vector<1x1x16xf32> to vector<16xf32>
        %parallel_loop3A_794 = arith.constant 27.7128124 : f32
        %parallel_loop3A_795 = vector.broadcast %parallel_loop3A_794 : f32 to vector<16xf32>
        %parallel_loop3A_796 = arith.mulf %parallel_loop3A_793, %parallel_loop3A_795 : vector<16xf32>
        %parallel_loop3A_797 = arith.constant 448 : i32
        %parallel_loop3A_798 = arith.addi %parallel_loop3A_200, %parallel_loop3A_797 : i32
        %parallel_loop3A_799 = arith.index_cast %select_n3A_143 : i32 to index
        %parallel_loop3A_800 = arith.index_cast %parallel_loop3A_798 : i32 to index
        %parallel_loop3A_801 = tpu.vector_load %arg7[%parallel_loop3A_799, %parallel_loop3A_800] {strides = array<i32>} : memref<2x12288xf32, #tpu.memory_space<vmem>>, vector<1x16xf32>,
        %parallel_loop3A_802 = vector.shape_cast %parallel_loop3A_801 : vector<1x16xf32> to vector<16xf32>
        %parallel_loop3A_803 = arith.addf %parallel_loop3A_796, %parallel_loop3A_802 : vector<16xf32>
        %parallel_loop3A_804 = arith.index_cast %select_n3A_127 : i32 to index
        %parallel_loop3A_805 = arith.index_cast %parallel_loop3A_198 : i32 to index
        %parallel_loop3A_806 = arith.constant 448 : index
        %parallel_loop3A_807 = tpu.vector_load %arg8[%parallel_loop3A_804, %parallel_loop3A_805, %parallel_loop3A_806] {strides = array<i32>} : memref<4x16x768xf32, #tpu.memory_space<vmem>>, vector<1x1x16xf32>,
        %parallel_loop3A_808 = vector.shape_cast %parallel_loop3A_807 : vector<1x1x16xf32> to vector<16xf32>
        %parallel_loop3A_809 = vector.shape_cast %parallel_loop3A_803 : vector<16xf32> to vector<1x1x16xf32>
        tpu.vector_store %arg8[%parallel_loop3A_804, %parallel_loop3A_805, %parallel_loop3A_806], %parallel_loop3A_809 {strides = array<i32>} : memref<4x16x768xf32, #tpu.memory_space<vmem>>, vector<1x1x16xf32>,
        %parallel_loop3A_810 = arith.index_cast %select_n3A_127 : i32 to index
        %parallel_loop3A_811 = arith.index_cast %parallel_loop3A_198 : i32 to index
        %parallel_loop3A_812 = arith.constant 464 : index
        %parallel_loop3A_813 = tpu.vector_load %arg8[%parallel_loop3A_810, %parallel_loop3A_811, %parallel_loop3A_812] {strides = array<i32>} : memref<4x16x768xf32, #tpu.memory_space<vmem>>, vector<1x1x16xf32>,
        %parallel_loop3A_814 = vector.shape_cast %parallel_loop3A_813 : vector<1x1x16xf32> to vector<16xf32>
        %parallel_loop3A_815 = arith.constant 27.7128124 : f32
        %parallel_loop3A_816 = vector.broadcast %parallel_loop3A_815 : f32 to vector<16xf32>
        %parallel_loop3A_817 = arith.mulf %parallel_loop3A_814, %parallel_loop3A_816 : vector<16xf32>
        %parallel_loop3A_818 = arith.constant 464 : i32
        %parallel_loop3A_819 = arith.addi %parallel_loop3A_200, %parallel_loop3A_818 : i32
        %parallel_loop3A_820 = arith.index_cast %select_n3A_143 : i32 to index
        %parallel_loop3A_821 = arith.index_cast %parallel_loop3A_819 : i32 to index
        %parallel_loop3A_822 = tpu.vector_load %arg7[%parallel_loop3A_820, %parallel_loop3A_821] {strides = array<i32>} : memref<2x12288xf32, #tpu.memory_space<vmem>>, vector<1x16xf32>,
        %parallel_loop3A_823 = vector.shape_cast %parallel_loop3A_822 : vector<1x16xf32> to vector<16xf32>
        %parallel_loop3A_824 = arith.addf %parallel_loop3A_817, %parallel_loop3A_823 : vector<16xf32>
        %parallel_loop3A_825 = arith.index_cast %select_n3A_127 : i32 to index
        %parallel_loop3A_826 = arith.index_cast %parallel_loop3A_198 : i32 to index
        %parallel_loop3A_827 = arith.constant 464 : index
        %parallel_loop3A_828 = tpu.vector_load %arg8[%parallel_loop3A_825, %parallel_loop3A_826, %parallel_loop3A_827] {strides = array<i32>} : memref<4x16x768xf32, #tpu.memory_space<vmem>>, vector<1x1x16xf32>,
        %parallel_loop3A_829 = vector.shape_cast %parallel_loop3A_828 : vector<1x1x16xf32> to vector<16xf32>
        %parallel_loop3A_830 = vector.shape_cast %parallel_loop3A_824 : vector<16xf32> to vector<1x1x16xf32>
        tpu.vector_store %arg8[%parallel_loop3A_825, %parallel_loop3A_826, %parallel_loop3A_827], %parallel_loop3A_830 {strides = array<i32>} : memref<4x16x768xf32, #tpu.memory_space<vmem>>, vector<1x1x16xf32>,
        %parallel_loop3A_831 = arith.index_cast %select_n3A_127 : i32 to index
        %parallel_loop3A_832 = arith.index_cast %parallel_loop3A_198 : i32 to index
        %parallel_loop3A_833 = arith.constant 480 : index
        %parallel_loop3A_834 = tpu.vector_load %arg8[%parallel_loop3A_831, %parallel_loop3A_832, %parallel_loop3A_833] {strides = array<i32>} : memref<4x16x768xf32, #tpu.memory_space<vmem>>, vector<1x1x16xf32>,
        %parallel_loop3A_835 = vector.shape_cast %parallel_loop3A_834 : vector<1x1x16xf32> to vector<16xf32>
        %parallel_loop3A_836 = arith.constant 27.7128124 : f32
        %parallel_loop3A_837 = vector.broadcast %parallel_loop3A_836 : f32 to vector<16xf32>
        %parallel_loop3A_838 = arith.mulf %parallel_loop3A_835, %parallel_loop3A_837 : vector<16xf32>
        %parallel_loop3A_839 = arith.constant 480 : i32
        %parallel_loop3A_840 = arith.addi %parallel_loop3A_200, %parallel_loop3A_839 : i32
        %parallel_loop3A_841 = arith.index_cast %select_n3A_143 : i32 to index
        %parallel_loop3A_842 = arith.index_cast %parallel_loop3A_840 : i32 to index
        %parallel_loop3A_843 = tpu.vector_load %arg7[%parallel_loop3A_841, %parallel_loop3A_842] {strides = array<i32>} : memref<2x12288xf32, #tpu.memory_space<vmem>>, vector<1x16xf32>,
        %parallel_loop3A_844 = vector.shape_cast %parallel_loop3A_843 : vector<1x16xf32> to vector<16xf32>
        %parallel_loop3A_845 = arith.addf %parallel_loop3A_838, %parallel_loop3A_844 : vector<16xf32>
        %parallel_loop3A_846 = arith.index_cast %select_n3A_127 : i32 to index
        %parallel_loop3A_847 = arith.index_cast %parallel_loop3A_198 : i32 to index
        %parallel_loop3A_848 = arith.constant 480 : index
        %parallel_loop3A_849 = tpu.vector_load %arg8[%parallel_loop3A_846, %parallel_loop3A_847, %parallel_loop3A_848] {strides = array<i32>} : memref<4x16x768xf32, #tpu.memory_space<vmem>>, vector<1x1x16xf32>,
        %parallel_loop3A_850 = vector.shape_cast %parallel_loop3A_849 : vector<1x1x16xf32> to vector<16xf32>
        %parallel_loop3A_851 = vector.shape_cast %parallel_loop3A_845 : vector<16xf32> to vector<1x1x16xf32>
        tpu.vector_store %arg8[%parallel_loop3A_846, %parallel_loop3A_847, %parallel_loop3A_848], %parallel_loop3A_851 {strides = array<i32>} : memref<4x16x768xf32, #tpu.memory_space<vmem>>, vector<1x1x16xf32>,
        %parallel_loop3A_852 = arith.index_cast %select_n3A_127 : i32 to index
        %parallel_loop3A_853 = arith.index_cast %parallel_loop3A_198 : i32 to index
        %parallel_loop3A_854 = arith.constant 496 : index
        %parallel_loop3A_855 = tpu.vector_load %arg8[%parallel_loop3A_852, %parallel_loop3A_853, %parallel_loop3A_854] {strides = array<i32>} : memref<4x16x768xf32, #tpu.memory_space<vmem>>, vector<1x1x16xf32>,
        %parallel_loop3A_856 = vector.shape_cast %parallel_loop3A_855 : vector<1x1x16xf32> to vector<16xf32>
        %parallel_loop3A_857 = arith.constant 27.7128124 : f32
        %parallel_loop3A_858 = vector.broadcast %parallel_loop3A_857 : f32 to vector<16xf32>
        %parallel_loop3A_859 = arith.mulf %parallel_loop3A_856, %parallel_loop3A_858 : vector<16xf32>
        %parallel_loop3A_860 = arith.constant 496 : i32
        %parallel_loop3A_861 = arith.addi %parallel_loop3A_200, %parallel_loop3A_860 : i32
        %parallel_loop3A_862 = arith.index_cast %select_n3A_143 : i32 to index
        %parallel_loop3A_863 = arith.index_cast %parallel_loop3A_861 : i32 to index
        %parallel_loop3A_864 = tpu.vector_load %arg7[%parallel_loop3A_862, %parallel_loop3A_863] {strides = array<i32>} : memref<2x12288xf32, #tpu.memory_space<vmem>>, vector<1x16xf32>,
        %parallel_loop3A_865 = vector.shape_cast %parallel_loop3A_864 : vector<1x16xf32> to vector<16xf32>
        %parallel_loop3A_866 = arith.addf %parallel_loop3A_859, %parallel_loop3A_865 : vector<16xf32>
        %parallel_loop3A_867 = arith.index_cast %select_n3A_127 : i32 to index
        %parallel_loop3A_868 = arith.index_cast %parallel_loop3A_198 : i32 to index
        %parallel_loop3A_869 = arith.constant 496 : index
        %parallel_loop3A_870 = tpu.vector_load %arg8[%parallel_loop3A_867, %parallel_loop3A_868, %parallel_loop3A_869] {strides = array<i32>} : memref<4x16x768xf32, #tpu.memory_space<vmem>>, vector<1x1x16xf32>,
        %parallel_loop3A_871 = vector.shape_cast %parallel_loop3A_870 : vector<1x1x16xf32> to vector<16xf32>
        %parallel_loop3A_872 = vector.shape_cast %parallel_loop3A_866 : vector<16xf32> to vector<1x1x16xf32>
        tpu.vector_store %arg8[%parallel_loop3A_867, %parallel_loop3A_868, %parallel_loop3A_869], %parallel_loop3A_872 {strides = array<i32>} : memref<4x16x768xf32, #tpu.memory_space<vmem>>, vector<1x1x16xf32>,
        %parallel_loop3A_873 = arith.index_cast %select_n3A_127 : i32 to index
        %parallel_loop3A_874 = arith.index_cast %parallel_loop3A_198 : i32 to index
        %parallel_loop3A_875 = arith.constant 512 : index
        %parallel_loop3A_876 = tpu.vector_load %arg8[%parallel_loop3A_873, %parallel_loop3A_874, %parallel_loop3A_875] {strides = array<i32>} : memref<4x16x768xf32, #tpu.memory_space<vmem>>, vector<1x1x16xf32>,
        %parallel_loop3A_877 = vector.shape_cast %parallel_loop3A_876 : vector<1x1x16xf32> to vector<16xf32>
        %parallel_loop3A_878 = arith.constant 27.7128124 : f32
        %parallel_loop3A_879 = vector.broadcast %parallel_loop3A_878 : f32 to vector<16xf32>
        %parallel_loop3A_880 = arith.mulf %parallel_loop3A_877, %parallel_loop3A_879 : vector<16xf32>
        %parallel_loop3A_881 = arith.constant 512 : i32
        %parallel_loop3A_882 = arith.addi %parallel_loop3A_200, %parallel_loop3A_881 : i32
        %parallel_loop3A_883 = arith.index_cast %select_n3A_143 : i32 to index
        %parallel_loop3A_884 = arith.index_cast %parallel_loop3A_882 : i32 to index
        %parallel_loop3A_885 = tpu.vector_load %arg7[%parallel_loop3A_883, %parallel_loop3A_884] {strides = array<i32>} : memref<2x12288xf32, #tpu.memory_space<vmem>>, vector<1x16xf32>,
        %parallel_loop3A_886 = vector.shape_cast %parallel_loop3A_885 : vector<1x16xf32> to vector<16xf32>
        %parallel_loop3A_887 = arith.addf %parallel_loop3A_880, %parallel_loop3A_886 : vector<16xf32>
        %parallel_loop3A_888 = arith.index_cast %select_n3A_127 : i32 to index
        %parallel_loop3A_889 = arith.index_cast %parallel_loop3A_198 : i32 to index
        %parallel_loop3A_890 = arith.constant 512 : index
        %parallel_loop3A_891 = tpu.vector_load %arg8[%parallel_loop3A_888, %parallel_loop3A_889, %parallel_loop3A_890] {strides = array<i32>} : memref<4x16x768xf32, #tpu.memory_space<vmem>>, vector<1x1x16xf32>,
        %parallel_loop3A_892 = vector.shape_cast %parallel_loop3A_891 : vector<1x1x16xf32> to vector<16xf32>
        %parallel_loop3A_893 = vector.shape_cast %parallel_loop3A_887 : vector<16xf32> to vector<1x1x16xf32>
        tpu.vector_store %arg8[%parallel_loop3A_888, %parallel_loop3A_889, %parallel_loop3A_890], %parallel_loop3A_893 {strides = array<i32>} : memref<4x16x768xf32, #tpu.memory_space<vmem>>, vector<1x1x16xf32>,
        %parallel_loop3A_894 = arith.index_cast %select_n3A_127 : i32 to index
        %parallel_loop3A_895 = arith.index_cast %parallel_loop3A_198 : i32 to index
        %parallel_loop3A_896 = arith.constant 528 : index
        %parallel_loop3A_897 = tpu.vector_load %arg8[%parallel_loop3A_894, %parallel_loop3A_895, %parallel_loop3A_896] {strides = array<i32>} : memref<4x16x768xf32, #tpu.memory_space<vmem>>, vector<1x1x16xf32>,
        %parallel_loop3A_898 = vector.shape_cast %parallel_loop3A_897 : vector<1x1x16xf32> to vector<16xf32>
        %parallel_loop3A_899 = arith.constant 27.7128124 : f32
        %parallel_loop3A_900 = vector.broadcast %parallel_loop3A_899 : f32 to vector<16xf32>
        %parallel_loop3A_901 = arith.mulf %parallel_loop3A_898, %parallel_loop3A_900 : vector<16xf32>
        %parallel_loop3A_902 = arith.constant 528 : i32
        %parallel_loop3A_903 = arith.addi %parallel_loop3A_200, %parallel_loop3A_902 : i32
        %parallel_loop3A_904 = arith.index_cast %select_n3A_143 : i32 to index
        %parallel_loop3A_905 = arith.index_cast %parallel_loop3A_903 : i32 to index
        %parallel_loop3A_906 = tpu.vector_load %arg7[%parallel_loop3A_904, %parallel_loop3A_905] {strides = array<i32>} : memref<2x12288xf32, #tpu.memory_space<vmem>>, vector<1x16xf32>,
        %parallel_loop3A_907 = vector.shape_cast %parallel_loop3A_906 : vector<1x16xf32> to vector<16xf32>
        %parallel_loop3A_908 = arith.addf %parallel_loop3A_901, %parallel_loop3A_907 : vector<16xf32>
        %parallel_loop3A_909 = arith.index_cast %select_n3A_127 : i32 to index
        %parallel_loop3A_910 = arith.index_cast %parallel_loop3A_198 : i32 to index
        %parallel_loop3A_911 = arith.constant 528 : index
        %parallel_loop3A_912 = tpu.vector_load %arg8[%parallel_loop3A_909, %parallel_loop3A_910, %parallel_loop3A_911] {strides = array<i32>} : memref<4x16x768xf32, #tpu.memory_space<vmem>>, vector<1x1x16xf32>,
        %parallel_loop3A_913 = vector.shape_cast %parallel_loop3A_912 : vector<1x1x16xf32> to vector<16xf32>
        %parallel_loop3A_914 = vector.shape_cast %parallel_loop3A_908 : vector<16xf32> to vector<1x1x16xf32>
        tpu.vector_store %arg8[%parallel_loop3A_909, %parallel_loop3A_910, %parallel_loop3A_911], %parallel_loop3A_914 {strides = array<i32>} : memref<4x16x768xf32, #tpu.memory_space<vmem>>, vector<1x1x16xf32>,
        %parallel_loop3A_915 = arith.index_cast %select_n3A_127 : i32 to index
        %parallel_loop3A_916 = arith.index_cast %parallel_loop3A_198 : i32 to index
        %parallel_loop3A_917 = arith.constant 544 : index
        %parallel_loop3A_918 = tpu.vector_load %arg8[%parallel_loop3A_915, %parallel_loop3A_916, %parallel_loop3A_917] {strides = array<i32>} : memref<4x16x768xf32, #tpu.memory_space<vmem>>, vector<1x1x16xf32>,
        %parallel_loop3A_919 = vector.shape_cast %parallel_loop3A_918 : vector<1x1x16xf32> to vector<16xf32>
        %parallel_loop3A_920 = arith.constant 27.7128124 : f32
        %parallel_loop3A_921 = vector.broadcast %parallel_loop3A_920 : f32 to vector<16xf32>
        %parallel_loop3A_922 = arith.mulf %parallel_loop3A_919, %parallel_loop3A_921 : vector<16xf32>
        %parallel_loop3A_923 = arith.constant 544 : i32
        %parallel_loop3A_924 = arith.addi %parallel_loop3A_200, %parallel_loop3A_923 : i32
        %parallel_loop3A_925 = arith.index_cast %select_n3A_143 : i32 to index
        %parallel_loop3A_926 = arith.index_cast %parallel_loop3A_924 : i32 to index
        %parallel_loop3A_927 = tpu.vector_load %arg7[%parallel_loop3A_925, %parallel_loop3A_926] {strides = array<i32>} : memref<2x12288xf32, #tpu.memory_space<vmem>>, vector<1x16xf32>,
        %parallel_loop3A_928 = vector.shape_cast %parallel_loop3A_927 : vector<1x16xf32> to vector<16xf32>
        %parallel_loop3A_929 = arith.addf %parallel_loop3A_922, %parallel_loop3A_928 : vector<16xf32>
        %parallel_loop3A_930 = arith.index_cast %select_n3A_127 : i32 to index
        %parallel_loop3A_931 = arith.index_cast %parallel_loop3A_198 : i32 to index
        %parallel_loop3A_932 = arith.constant 544 : index
        %parallel_loop3A_933 = tpu.vector_load %arg8[%parallel_loop3A_930, %parallel_loop3A_931, %parallel_loop3A_932] {strides = array<i32>} : memref<4x16x768xf32, #tpu.memory_space<vmem>>, vector<1x1x16xf32>,
        %parallel_loop3A_934 = vector.shape_cast %parallel_loop3A_933 : vector<1x1x16xf32> to vector<16xf32>
        %parallel_loop3A_935 = vector.shape_cast %parallel_loop3A_929 : vector<16xf32> to vector<1x1x16xf32>
        tpu.vector_store %arg8[%parallel_loop3A_930, %parallel_loop3A_931, %parallel_loop3A_932], %parallel_loop3A_935 {strides = array<i32>} : memref<4x16x768xf32, #tpu.memory_space<vmem>>, vector<1x1x16xf32>,
        %parallel_loop3A_936 = arith.index_cast %select_n3A_127 : i32 to index
        %parallel_loop3A_937 = arith.index_cast %parallel_loop3A_198 : i32 to index
        %parallel_loop3A_938 = arith.constant 560 : index
        %parallel_loop3A_939 = tpu.vector_load %arg8[%parallel_loop3A_936, %parallel_loop3A_937, %parallel_loop3A_938] {strides = array<i32>} : memref<4x16x768xf32, #tpu.memory_space<vmem>>, vector<1x1x16xf32>,
        %parallel_loop3A_940 = vector.shape_cast %parallel_loop3A_939 : vector<1x1x16xf32> to vector<16xf32>
        %parallel_loop3A_941 = arith.constant 27.7128124 : f32
        %parallel_loop3A_942 = vector.broadcast %parallel_loop3A_941 : f32 to vector<16xf32>
        %parallel_loop3A_943 = arith.mulf %parallel_loop3A_940, %parallel_loop3A_942 : vector<16xf32>
        %parallel_loop3A_944 = arith.constant 560 : i32
        %parallel_loop3A_945 = arith.addi %parallel_loop3A_200, %parallel_loop3A_944 : i32
        %parallel_loop3A_946 = arith.index_cast %select_n3A_143 : i32 to index
        %parallel_loop3A_947 = arith.index_cast %parallel_loop3A_945 : i32 to index
        %parallel_loop3A_948 = tpu.vector_load %arg7[%parallel_loop3A_946, %parallel_loop3A_947] {strides = array<i32>} : memref<2x12288xf32, #tpu.memory_space<vmem>>, vector<1x16xf32>,
        %parallel_loop3A_949 = vector.shape_cast %parallel_loop3A_948 : vector<1x16xf32> to vector<16xf32>
        %parallel_loop3A_950 = arith.addf %parallel_loop3A_943, %parallel_loop3A_949 : vector<16xf32>
        %parallel_loop3A_951 = arith.index_cast %select_n3A_127 : i32 to index
        %parallel_loop3A_952 = arith.index_cast %parallel_loop3A_198 : i32 to index
        %parallel_loop3A_953 = arith.constant 560 : index
        %parallel_loop3A_954 = tpu.vector_load %arg8[%parallel_loop3A_951, %parallel_loop3A_952, %parallel_loop3A_953] {strides = array<i32>} : memref<4x16x768xf32, #tpu.memory_space<vmem>>, vector<1x1x16xf32>,
        %parallel_loop3A_955 = vector.shape_cast %parallel_loop3A_954 : vector<1x1x16xf32> to vector<16xf32>
        %parallel_loop3A_956 = vector.shape_cast %parallel_loop3A_950 : vector<16xf32> to vector<1x1x16xf32>
        tpu.vector_store %arg8[%parallel_loop3A_951, %parallel_loop3A_952, %parallel_loop3A_953], %parallel_loop3A_956 {strides = array<i32>} : memref<4x16x768xf32, #tpu.memory_space<vmem>>, vector<1x1x16xf32>,
        %parallel_loop3A_957 = arith.index_cast %select_n3A_127 : i32 to index
        %parallel_loop3A_958 = arith.index_cast %parallel_loop3A_198 : i32 to index
        %parallel_loop3A_959 = arith.constant 576 : index
        %parallel_loop3A_960 = tpu.vector_load %arg8[%parallel_loop3A_957, %parallel_loop3A_958, %parallel_loop3A_959] {strides = array<i32>} : memref<4x16x768xf32, #tpu.memory_space<vmem>>, vector<1x1x16xf32>,
        %parallel_loop3A_961 = vector.shape_cast %parallel_loop3A_960 : vector<1x1x16xf32> to vector<16xf32>
        %parallel_loop3A_962 = arith.constant 27.7128124 : f32
        %parallel_loop3A_963 = vector.broadcast %parallel_loop3A_962 : f32 to vector<16xf32>
        %parallel_loop3A_964 = arith.mulf %parallel_loop3A_961, %parallel_loop3A_963 : vector<16xf32>
        %parallel_loop3A_965 = arith.constant 576 : i32
        %parallel_loop3A_966 = arith.addi %parallel_loop3A_200, %parallel_loop3A_965 : i32
        %parallel_loop3A_967 = arith.index_cast %select_n3A_143 : i32 to index
        %parallel_loop3A_968 = arith.index_cast %parallel_loop3A_966 : i32 to index
        %parallel_loop3A_969 = tpu.vector_load %arg7[%parallel_loop3A_967, %parallel_loop3A_968] {strides = array<i32>} : memref<2x12288xf32, #tpu.memory_space<vmem>>, vector<1x16xf32>,
        %parallel_loop3A_970 = vector.shape_cast %parallel_loop3A_969 : vector<1x16xf32> to vector<16xf32>
        %parallel_loop3A_971 = arith.addf %parallel_loop3A_964, %parallel_loop3A_970 : vector<16xf32>
        %parallel_loop3A_972 = arith.index_cast %select_n3A_127 : i32 to index
        %parallel_loop3A_973 = arith.index_cast %parallel_loop3A_198 : i32 to index
        %parallel_loop3A_974 = arith.constant 576 : index
        %parallel_loop3A_975 = tpu.vector_load %arg8[%parallel_loop3A_972, %parallel_loop3A_973, %parallel_loop3A_974] {strides = array<i32>} : memref<4x16x768xf32, #tpu.memory_space<vmem>>, vector<1x1x16xf32>,
        %parallel_loop3A_976 = vector.shape_cast %parallel_loop3A_975 : vector<1x1x16xf32> to vector<16xf32>
        %parallel_loop3A_977 = vector.shape_cast %parallel_loop3A_971 : vector<16xf32> to vector<1x1x16xf32>
        tpu.vector_store %arg8[%parallel_loop3A_972, %parallel_loop3A_973, %parallel_loop3A_974], %parallel_loop3A_977 {strides = array<i32>} : memref<4x16x768xf32, #tpu.memory_space<vmem>>, vector<1x1x16xf32>,
        %parallel_loop3A_978 = arith.index_cast %select_n3A_127 : i32 to index
        %parallel_loop3A_979 = arith.index_cast %parallel_loop3A_198 : i32 to index
        %parallel_loop3A_980 = arith.constant 592 : index
        %parallel_loop3A_981 = tpu.vector_load %arg8[%parallel_loop3A_978, %parallel_loop3A_979, %parallel_loop3A_980] {strides = array<i32>} : memref<4x16x768xf32, #tpu.memory_space<vmem>>, vector<1x1x16xf32>,
        %parallel_loop3A_982 = vector.shape_cast %parallel_loop3A_981 : vector<1x1x16xf32> to vector<16xf32>
        %parallel_loop3A_983 = arith.constant 27.7128124 : f32
        %parallel_loop3A_984 = vector.broadcast %parallel_loop3A_983 : f32 to vector<16xf32>
        %parallel_loop3A_985 = arith.mulf %parallel_loop3A_982, %parallel_loop3A_984 : vector<16xf32>
        %parallel_loop3A_986 = arith.constant 592 : i32
        %parallel_loop3A_987 = arith.addi %parallel_loop3A_200, %parallel_loop3A_986 : i32
        %parallel_loop3A_988 = arith.index_cast %select_n3A_143 : i32 to index
        %parallel_loop3A_989 = arith.index_cast %parallel_loop3A_987 : i32 to index
        %parallel_loop3A_990 = tpu.vector_load %arg7[%parallel_loop3A_988, %parallel_loop3A_989] {strides = array<i32>} : memref<2x12288xf32, #tpu.memory_space<vmem>>, vector<1x16xf32>,
        %parallel_loop3A_991 = vector.shape_cast %parallel_loop3A_990 : vector<1x16xf32> to vector<16xf32>
        %parallel_loop3A_992 = arith.addf %parallel_loop3A_985, %parallel_loop3A_991 : vector<16xf32>
        %parallel_loop3A_993 = arith.index_cast %select_n3A_127 : i32 to index
        %parallel_loop3A_994 = arith.index_cast %parallel_loop3A_198 : i32 to index
        %parallel_loop3A_995 = arith.constant 592 : index
        %parallel_loop3A_996 = tpu.vector_load %arg8[%parallel_loop3A_993, %parallel_loop3A_994, %parallel_loop3A_995] {strides = array<i32>} : memref<4x16x768xf32, #tpu.memory_space<vmem>>, vector<1x1x16xf32>,
        %parallel_loop3A_997 = vector.shape_cast %parallel_loop3A_996 : vector<1x1x16xf32> to vector<16xf32>
        %parallel_loop3A_998 = vector.shape_cast %parallel_loop3A_992 : vector<16xf32> to vector<1x1x16xf32>
        tpu.vector_store %arg8[%parallel_loop3A_993, %parallel_loop3A_994, %parallel_loop3A_995], %parallel_loop3A_998 {strides = array<i32>} : memref<4x16x768xf32, #tpu.memory_space<vmem>>, vector<1x1x16xf32>,
        %parallel_loop3A_999 = arith.index_cast %select_n3A_127 : i32 to index
        %parallel_loop3A_1000 = arith.index_cast %parallel_loop3A_198 : i32 to index
        %parallel_loop3A_1001 = arith.constant 608 : index
        %parallel_loop3A_1002 = tpu.vector_load %arg8[%parallel_loop3A_999, %parallel_loop3A_1000, %parallel_loop3A_1001] {strides = array<i32>} : memref<4x16x768xf32, #tpu.memory_space<vmem>>, vector<1x1x16xf32>,
        %parallel_loop3A_1003 = vector.shape_cast %parallel_loop3A_1002 : vector<1x1x16xf32> to vector<16xf32>
        %parallel_loop3A_1004 = arith.constant 27.7128124 : f32
        %parallel_loop3A_1005 = vector.broadcast %parallel_loop3A_1004 : f32 to vector<16xf32>
        %parallel_loop3A_1006 = arith.mulf %parallel_loop3A_1003, %parallel_loop3A_1005 : vector<16xf32>
        %parallel_loop3A_1007 = arith.constant 608 : i32
        %parallel_loop3A_1008 = arith.addi %parallel_loop3A_200, %parallel_loop3A_1007 : i32
        %parallel_loop3A_1009 = arith.index_cast %select_n3A_143 : i32 to index
        %parallel_loop3A_1010 = arith.index_cast %parallel_loop3A_1008 : i32 to index
        %parallel_loop3A_1011 = tpu.vector_load %arg7[%parallel_loop3A_1009, %parallel_loop3A_1010] {strides = array<i32>} : memref<2x12288xf32, #tpu.memory_space<vmem>>, vector<1x16xf32>,
        %parallel_loop3A_1012 = vector.shape_cast %parallel_loop3A_1011 : vector<1x16xf32> to vector<16xf32>
        %parallel_loop3A_1013 = arith.addf %parallel_loop3A_1006, %parallel_loop3A_1012 : vector<16xf32>
        %parallel_loop3A_1014 = arith.index_cast %select_n3A_127 : i32 to index
        %parallel_loop3A_1015 = arith.index_cast %parallel_loop3A_198 : i32 to index
        %parallel_loop3A_1016 = arith.constant 608 : index
        %parallel_loop3A_1017 = tpu.vector_load %arg8[%parallel_loop3A_1014, %parallel_loop3A_1015, %parallel_loop3A_1016] {strides = array<i32>} : memref<4x16x768xf32, #tpu.memory_space<vmem>>, vector<1x1x16xf32>,
        %parallel_loop3A_1018 = vector.shape_cast %parallel_loop3A_1017 : vector<1x1x16xf32> to vector<16xf32>
        %parallel_loop3A_1019 = vector.shape_cast %parallel_loop3A_1013 : vector<16xf32> to vector<1x1x16xf32>
        tpu.vector_store %arg8[%parallel_loop3A_1014, %parallel_loop3A_1015, %parallel_loop3A_1016], %parallel_loop3A_1019 {strides = array<i32>} : memref<4x16x768xf32, #tpu.memory_space<vmem>>, vector<1x1x16xf32>,
        %parallel_loop3A_1020 = arith.index_cast %select_n3A_127 : i32 to index
        %parallel_loop3A_1021 = arith.index_cast %parallel_loop3A_198 : i32 to index
        %parallel_loop3A_1022 = arith.constant 624 : index
        %parallel_loop3A_1023 = tpu.vector_load %arg8[%parallel_loop3A_1020, %parallel_loop3A_1021, %parallel_loop3A_1022] {strides = array<i32>} : memref<4x16x768xf32, #tpu.memory_space<vmem>>, vector<1x1x16xf32>,
        %parallel_loop3A_1024 = vector.shape_cast %parallel_loop3A_1023 : vector<1x1x16xf32> to vector<16xf32>
        %parallel_loop3A_1025 = arith.constant 27.7128124 : f32
        %parallel_loop3A_1026 = vector.broadcast %parallel_loop3A_1025 : f32 to vector<16xf32>
        %parallel_loop3A_1027 = arith.mulf %parallel_loop3A_1024, %parallel_loop3A_1026 : vector<16xf32>
        %parallel_loop3A_1028 = arith.constant 624 : i32
        %parallel_loop3A_1029 = arith.addi %parallel_loop3A_200, %parallel_loop3A_1028 : i32
        %parallel_loop3A_1030 = arith.index_cast %select_n3A_143 : i32 to index
        %parallel_loop3A_1031 = arith.index_cast %parallel_loop3A_1029 : i32 to index
        %parallel_loop3A_1032 = tpu.vector_load %arg7[%parallel_loop3A_1030, %parallel_loop3A_1031] {strides = array<i32>} : memref<2x12288xf32, #tpu.memory_space<vmem>>, vector<1x16xf32>,
        %parallel_loop3A_1033 = vector.shape_cast %parallel_loop3A_1032 : vector<1x16xf32> to vector<16xf32>
        %parallel_loop3A_1034 = arith.addf %parallel_loop3A_1027, %parallel_loop3A_1033 : vector<16xf32>
        %parallel_loop3A_1035 = arith.index_cast %select_n3A_127 : i32 to index
        %parallel_loop3A_1036 = arith.index_cast %parallel_loop3A_198 : i32 to index
        %parallel_loop3A_1037 = arith.constant 624 : index
        %parallel_loop3A_1038 = tpu.vector_load %arg8[%parallel_loop3A_1035, %parallel_loop3A_1036, %parallel_loop3A_1037] {strides = array<i32>} : memref<4x16x768xf32, #tpu.memory_space<vmem>>, vector<1x1x16xf32>,
        %parallel_loop3A_1039 = vector.shape_cast %parallel_loop3A_1038 : vector<1x1x16xf32> to vector<16xf32>
        %parallel_loop3A_1040 = vector.shape_cast %parallel_loop3A_1034 : vector<16xf32> to vector<1x1x16xf32>
        tpu.vector_store %arg8[%parallel_loop3A_1035, %parallel_loop3A_1036, %parallel_loop3A_1037], %parallel_loop3A_1040 {strides = array<i32>} : memref<4x16x768xf32, #tpu.memory_space<vmem>>, vector<1x1x16xf32>,
        %parallel_loop3A_1041 = arith.index_cast %select_n3A_127 : i32 to index
        %parallel_loop3A_1042 = arith.index_cast %parallel_loop3A_198 : i32 to index
        %parallel_loop3A_1043 = arith.constant 640 : index
        %parallel_loop3A_1044 = tpu.vector_load %arg8[%parallel_loop3A_1041, %parallel_loop3A_1042, %parallel_loop3A_1043] {strides = array<i32>} : memref<4x16x768xf32, #tpu.memory_space<vmem>>, vector<1x1x16xf32>,
        %parallel_loop3A_1045 = vector.shape_cast %parallel_loop3A_1044 : vector<1x1x16xf32> to vector<16xf32>
        %parallel_loop3A_1046 = arith.constant 27.7128124 : f32
        %parallel_loop3A_1047 = vector.broadcast %parallel_loop3A_1046 : f32 to vector<16xf32>
        %parallel_loop3A_1048 = arith.mulf %parallel_loop3A_1045, %parallel_loop3A_1047 : vector<16xf32>
        %parallel_loop3A_1049 = arith.constant 640 : i32
        %parallel_loop3A_1050 = arith.addi %parallel_loop3A_200, %parallel_loop3A_1049 : i32
        %parallel_loop3A_1051 = arith.index_cast %select_n3A_143 : i32 to index
        %parallel_loop3A_1052 = arith.index_cast %parallel_loop3A_1050 : i32 to index
        %parallel_loop3A_1053 = tpu.vector_load %arg7[%parallel_loop3A_1051, %parallel_loop3A_1052] {strides = array<i32>} : memref<2x12288xf32, #tpu.memory_space<vmem>>, vector<1x16xf32>,
        %parallel_loop3A_1054 = vector.shape_cast %parallel_loop3A_1053 : vector<1x16xf32> to vector<16xf32>
        %parallel_loop3A_1055 = arith.addf %parallel_loop3A_1048, %parallel_loop3A_1054 : vector<16xf32>
        %parallel_loop3A_1056 = arith.index_cast %select_n3A_127 : i32 to index
        %parallel_loop3A_1057 = arith.index_cast %parallel_loop3A_198 : i32 to index
        %parallel_loop3A_1058 = arith.constant 640 : index
        %parallel_loop3A_1059 = tpu.vector_load %arg8[%parallel_loop3A_1056, %parallel_loop3A_1057, %parallel_loop3A_1058] {strides = array<i32>} : memref<4x16x768xf32, #tpu.memory_space<vmem>>, vector<1x1x16xf32>,
        %parallel_loop3A_1060 = vector.shape_cast %parallel_loop3A_1059 : vector<1x1x16xf32> to vector<16xf32>
        %parallel_loop3A_1061 = vector.shape_cast %parallel_loop3A_1055 : vector<16xf32> to vector<1x1x16xf32>
        tpu.vector_store %arg8[%parallel_loop3A_1056, %parallel_loop3A_1057, %parallel_loop3A_1058], %parallel_loop3A_1061 {strides = array<i32>} : memref<4x16x768xf32, #tpu.memory_space<vmem>>, vector<1x1x16xf32>,
        %parallel_loop3A_1062 = arith.index_cast %select_n3A_127 : i32 to index
        %parallel_loop3A_1063 = arith.index_cast %parallel_loop3A_198 : i32 to index
        %parallel_loop3A_1064 = arith.constant 656 : index
        %parallel_loop3A_1065 = tpu.vector_load %arg8[%parallel_loop3A_1062, %parallel_loop3A_1063, %parallel_loop3A_1064] {strides = array<i32>} : memref<4x16x768xf32, #tpu.memory_space<vmem>>, vector<1x1x16xf32>,
        %parallel_loop3A_1066 = vector.shape_cast %parallel_loop3A_1065 : vector<1x1x16xf32> to vector<16xf32>
        %parallel_loop3A_1067 = arith.constant 27.7128124 : f32
        %parallel_loop3A_1068 = vector.broadcast %parallel_loop3A_1067 : f32 to vector<16xf32>
        %parallel_loop3A_1069 = arith.mulf %parallel_loop3A_1066, %parallel_loop3A_1068 : vector<16xf32>
        %parallel_loop3A_1070 = arith.constant 656 : i32
        %parallel_loop3A_1071 = arith.addi %parallel_loop3A_200, %parallel_loop3A_1070 : i32
        %parallel_loop3A_1072 = arith.index_cast %select_n3A_143 : i32 to index
        %parallel_loop3A_1073 = arith.index_cast %parallel_loop3A_1071 : i32 to index
        %parallel_loop3A_1074 = tpu.vector_load %arg7[%parallel_loop3A_1072, %parallel_loop3A_1073] {strides = array<i32>} : memref<2x12288xf32, #tpu.memory_space<vmem>>, vector<1x16xf32>,
        %parallel_loop3A_1075 = vector.shape_cast %parallel_loop3A_1074 : vector<1x16xf32> to vector<16xf32>
        %parallel_loop3A_1076 = arith.addf %parallel_loop3A_1069, %parallel_loop3A_1075 : vector<16xf32>
        %parallel_loop3A_1077 = arith.index_cast %select_n3A_127 : i32 to index
        %parallel_loop3A_1078 = arith.index_cast %parallel_loop3A_198 : i32 to index
        %parallel_loop3A_1079 = arith.constant 656 : index
        %parallel_loop3A_1080 = tpu.vector_load %arg8[%parallel_loop3A_1077, %parallel_loop3A_1078, %parallel_loop3A_1079] {strides = array<i32>} : memref<4x16x768xf32, #tpu.memory_space<vmem>>, vector<1x1x16xf32>,
        %parallel_loop3A_1081 = vector.shape_cast %parallel_loop3A_1080 : vector<1x1x16xf32> to vector<16xf32>
        %parallel_loop3A_1082 = vector.shape_cast %parallel_loop3A_1076 : vector<16xf32> to vector<1x1x16xf32>
        tpu.vector_store %arg8[%parallel_loop3A_1077, %parallel_loop3A_1078, %parallel_loop3A_1079], %parallel_loop3A_1082 {strides = array<i32>} : memref<4x16x768xf32, #tpu.memory_space<vmem>>, vector<1x1x16xf32>,
        %parallel_loop3A_1083 = arith.index_cast %select_n3A_127 : i32 to index
        %parallel_loop3A_1084 = arith.index_cast %parallel_loop3A_198 : i32 to index
        %parallel_loop3A_1085 = arith.constant 672 : index
        %parallel_loop3A_1086 = tpu.vector_load %arg8[%parallel_loop3A_1083, %parallel_loop3A_1084, %parallel_loop3A_1085] {strides = array<i32>} : memref<4x16x768xf32, #tpu.memory_space<vmem>>, vector<1x1x16xf32>,
        %parallel_loop3A_1087 = vector.shape_cast %parallel_loop3A_1086 : vector<1x1x16xf32> to vector<16xf32>
        %parallel_loop3A_1088 = arith.constant 27.7128124 : f32
        %parallel_loop3A_1089 = vector.broadcast %parallel_loop3A_1088 : f32 to vector<16xf32>
        %parallel_loop3A_1090 = arith.mulf %parallel_loop3A_1087, %parallel_loop3A_1089 : vector<16xf32>
        %parallel_loop3A_1091 = arith.constant 672 : i32
        %parallel_loop3A_1092 = arith.addi %parallel_loop3A_200, %parallel_loop3A_1091 : i32
        %parallel_loop3A_1093 = arith.index_cast %select_n3A_143 : i32 to index
        %parallel_loop3A_1094 = arith.index_cast %parallel_loop3A_1092 : i32 to index
        %parallel_loop3A_1095 = tpu.vector_load %arg7[%parallel_loop3A_1093, %parallel_loop3A_1094] {strides = array<i32>} : memref<2x12288xf32, #tpu.memory_space<vmem>>, vector<1x16xf32>,
        %parallel_loop3A_1096 = vector.shape_cast %parallel_loop3A_1095 : vector<1x16xf32> to vector<16xf32>
        %parallel_loop3A_1097 = arith.addf %parallel_loop3A_1090, %parallel_loop3A_1096 : vector<16xf32>
        %parallel_loop3A_1098 = arith.index_cast %select_n3A_127 : i32 to index
        %parallel_loop3A_1099 = arith.index_cast %parallel_loop3A_198 : i32 to index
        %parallel_loop3A_1100 = arith.constant 672 : index
        %parallel_loop3A_1101 = tpu.vector_load %arg8[%parallel_loop3A_1098, %parallel_loop3A_1099, %parallel_loop3A_1100] {strides = array<i32>} : memref<4x16x768xf32, #tpu.memory_space<vmem>>, vector<1x1x16xf32>,
        %parallel_loop3A_1102 = vector.shape_cast %parallel_loop3A_1101 : vector<1x1x16xf32> to vector<16xf32>
        %parallel_loop3A_1103 = vector.shape_cast %parallel_loop3A_1097 : vector<16xf32> to vector<1x1x16xf32>
        tpu.vector_store %arg8[%parallel_loop3A_1098, %parallel_loop3A_1099, %parallel_loop3A_1100], %parallel_loop3A_1103 {strides = array<i32>} : memref<4x16x768xf32, #tpu.memory_space<vmem>>, vector<1x1x16xf32>,
        %parallel_loop3A_1104 = arith.index_cast %select_n3A_127 : i32 to index
        %parallel_loop3A_1105 = arith.index_cast %parallel_loop3A_198 : i32 to index
        %parallel_loop3A_1106 = arith.constant 688 : index
        %parallel_loop3A_1107 = tpu.vector_load %arg8[%parallel_loop3A_1104, %parallel_loop3A_1105, %parallel_loop3A_1106] {strides = array<i32>} : memref<4x16x768xf32, #tpu.memory_space<vmem>>, vector<1x1x16xf32>,
        %parallel_loop3A_1108 = vector.shape_cast %parallel_loop3A_1107 : vector<1x1x16xf32> to vector<16xf32>
        %parallel_loop3A_1109 = arith.constant 27.7128124 : f32
        %parallel_loop3A_1110 = vector.broadcast %parallel_loop3A_1109 : f32 to vector<16xf32>
        %parallel_loop3A_1111 = arith.mulf %parallel_loop3A_1108, %parallel_loop3A_1110 : vector<16xf32>
        %parallel_loop3A_1112 = arith.constant 688 : i32
        %parallel_loop3A_1113 = arith.addi %parallel_loop3A_200, %parallel_loop3A_1112 : i32
        %parallel_loop3A_1114 = arith.index_cast %select_n3A_143 : i32 to index
        %parallel_loop3A_1115 = arith.index_cast %parallel_loop3A_1113 : i32 to index
        %parallel_loop3A_1116 = tpu.vector_load %arg7[%parallel_loop3A_1114, %parallel_loop3A_1115] {strides = array<i32>} : memref<2x12288xf32, #tpu.memory_space<vmem>>, vector<1x16xf32>,
        %parallel_loop3A_1117 = vector.shape_cast %parallel_loop3A_1116 : vector<1x16xf32> to vector<16xf32>
        %parallel_loop3A_1118 = arith.addf %parallel_loop3A_1111, %parallel_loop3A_1117 : vector<16xf32>
        %parallel_loop3A_1119 = arith.index_cast %select_n3A_127 : i32 to index
        %parallel_loop3A_1120 = arith.index_cast %parallel_loop3A_198 : i32 to index
        %parallel_loop3A_1121 = arith.constant 688 : index
        %parallel_loop3A_1122 = tpu.vector_load %arg8[%parallel_loop3A_1119, %parallel_loop3A_1120, %parallel_loop3A_1121] {strides = array<i32>} : memref<4x16x768xf32, #tpu.memory_space<vmem>>, vector<1x1x16xf32>,
        %parallel_loop3A_1123 = vector.shape_cast %parallel_loop3A_1122 : vector<1x1x16xf32> to vector<16xf32>
        %parallel_loop3A_1124 = vector.shape_cast %parallel_loop3A_1118 : vector<16xf32> to vector<1x1x16xf32>
        tpu.vector_store %arg8[%parallel_loop3A_1119, %parallel_loop3A_1120, %parallel_loop3A_1121], %parallel_loop3A_1124 {strides = array<i32>} : memref<4x16x768xf32, #tpu.memory_space<vmem>>, vector<1x1x16xf32>,
        %parallel_loop3A_1125 = arith.index_cast %select_n3A_127 : i32 to index
        %parallel_loop3A_1126 = arith.index_cast %parallel_loop3A_198 : i32 to index
        %parallel_loop3A_1127 = arith.constant 704 : index
        %parallel_loop3A_1128 = tpu.vector_load %arg8[%parallel_loop3A_1125, %parallel_loop3A_1126, %parallel_loop3A_1127] {strides = array<i32>} : memref<4x16x768xf32, #tpu.memory_space<vmem>>, vector<1x1x16xf32>,
        %parallel_loop3A_1129 = vector.shape_cast %parallel_loop3A_1128 : vector<1x1x16xf32> to vector<16xf32>
        %parallel_loop3A_1130 = arith.constant 27.7128124 : f32
        %parallel_loop3A_1131 = vector.broadcast %parallel_loop3A_1130 : f32 to vector<16xf32>
        %parallel_loop3A_1132 = arith.mulf %parallel_loop3A_1129, %parallel_loop3A_1131 : vector<16xf32>
        %parallel_loop3A_1133 = arith.constant 704 : i32
        %parallel_loop3A_1134 = arith.addi %parallel_loop3A_200, %parallel_loop3A_1133 : i32
        %parallel_loop3A_1135 = arith.index_cast %select_n3A_143 : i32 to index
        %parallel_loop3A_1136 = arith.index_cast %parallel_loop3A_1134 : i32 to index
        %parallel_loop3A_1137 = tpu.vector_load %arg7[%parallel_loop3A_1135, %parallel_loop3A_1136] {strides = array<i32>} : memref<2x12288xf32, #tpu.memory_space<vmem>>, vector<1x16xf32>,
        %parallel_loop3A_1138 = vector.shape_cast %parallel_loop3A_1137 : vector<1x16xf32> to vector<16xf32>
        %parallel_loop3A_1139 = arith.addf %parallel_loop3A_1132, %parallel_loop3A_1138 : vector<16xf32>
        %parallel_loop3A_1140 = arith.index_cast %select_n3A_127 : i32 to index
        %parallel_loop3A_1141 = arith.index_cast %parallel_loop3A_198 : i32 to index
        %parallel_loop3A_1142 = arith.constant 704 : index
        %parallel_loop3A_1143 = tpu.vector_load %arg8[%parallel_loop3A_1140, %parallel_loop3A_1141, %parallel_loop3A_1142] {strides = array<i32>} : memref<4x16x768xf32, #tpu.memory_space<vmem>>, vector<1x1x16xf32>,
        %parallel_loop3A_1144 = vector.shape_cast %parallel_loop3A_1143 : vector<1x1x16xf32> to vector<16xf32>
        %parallel_loop3A_1145 = vector.shape_cast %parallel_loop3A_1139 : vector<16xf32> to vector<1x1x16xf32>
        tpu.vector_store %arg8[%parallel_loop3A_1140, %parallel_loop3A_1141, %parallel_loop3A_1142], %parallel_loop3A_1145 {strides = array<i32>} : memref<4x16x768xf32, #tpu.memory_space<vmem>>, vector<1x1x16xf32>,
        %parallel_loop3A_1146 = arith.index_cast %select_n3A_127 : i32 to index
        %parallel_loop3A_1147 = arith.index_cast %parallel_loop3A_198 : i32 to index
        %parallel_loop3A_1148 = arith.constant 720 : index
        %parallel_loop3A_1149 = tpu.vector_load %arg8[%parallel_loop3A_1146, %parallel_loop3A_1147, %parallel_loop3A_1148] {strides = array<i32>} : memref<4x16x768xf32, #tpu.memory_space<vmem>>, vector<1x1x16xf32>,
        %parallel_loop3A_1150 = vector.shape_cast %parallel_loop3A_1149 : vector<1x1x16xf32> to vector<16xf32>
        %parallel_loop3A_1151 = arith.constant 27.7128124 : f32
        %parallel_loop3A_1152 = vector.broadcast %parallel_loop3A_1151 : f32 to vector<16xf32>
        %parallel_loop3A_1153 = arith.mulf %parallel_loop3A_1150, %parallel_loop3A_1152 : vector<16xf32>
        %parallel_loop3A_1154 = arith.constant 720 : i32
        %parallel_loop3A_1155 = arith.addi %parallel_loop3A_200, %parallel_loop3A_1154 : i32
        %parallel_loop3A_1156 = arith.index_cast %select_n3A_143 : i32 to index
        %parallel_loop3A_1157 = arith.index_cast %parallel_loop3A_1155 : i32 to index
        %parallel_loop3A_1158 = tpu.vector_load %arg7[%parallel_loop3A_1156, %parallel_loop3A_1157] {strides = array<i32>} : memref<2x12288xf32, #tpu.memory_space<vmem>>, vector<1x16xf32>,
        %parallel_loop3A_1159 = vector.shape_cast %parallel_loop3A_1158 : vector<1x16xf32> to vector<16xf32>
        %parallel_loop3A_1160 = arith.addf %parallel_loop3A_1153, %parallel_loop3A_1159 : vector<16xf32>
        %parallel_loop3A_1161 = arith.index_cast %select_n3A_127 : i32 to index
        %parallel_loop3A_1162 = arith.index_cast %parallel_loop3A_198 : i32 to index
        %parallel_loop3A_1163 = arith.constant 720 : index
        %parallel_loop3A_1164 = tpu.vector_load %arg8[%parallel_loop3A_1161, %parallel_loop3A_1162, %parallel_loop3A_1163] {strides = array<i32>} : memref<4x16x768xf32, #tpu.memory_space<vmem>>, vector<1x1x16xf32>,
        %parallel_loop3A_1165 = vector.shape_cast %parallel_loop3A_1164 : vector<1x1x16xf32> to vector<16xf32>
        %parallel_loop3A_1166 = vector.shape_cast %parallel_loop3A_1160 : vector<16xf32> to vector<1x1x16xf32>
        tpu.vector_store %arg8[%parallel_loop3A_1161, %parallel_loop3A_1162, %parallel_loop3A_1163], %parallel_loop3A_1166 {strides = array<i32>} : memref<4x16x768xf32, #tpu.memory_space<vmem>>, vector<1x1x16xf32>,
        %parallel_loop3A_1167 = arith.index_cast %select_n3A_127 : i32 to index
        %parallel_loop3A_1168 = arith.index_cast %parallel_loop3A_198 : i32 to index
        %parallel_loop3A_1169 = arith.constant 736 : index
        %parallel_loop3A_1170 = tpu.vector_load %arg8[%parallel_loop3A_1167, %parallel_loop3A_1168, %parallel_loop3A_1169] {strides = array<i32>} : memref<4x16x768xf32, #tpu.memory_space<vmem>>, vector<1x1x16xf32>,
        %parallel_loop3A_1171 = vector.shape_cast %parallel_loop3A_1170 : vector<1x1x16xf32> to vector<16xf32>
        %parallel_loop3A_1172 = arith.constant 27.7128124 : f32
        %parallel_loop3A_1173 = vector.broadcast %parallel_loop3A_1172 : f32 to vector<16xf32>
        %parallel_loop3A_1174 = arith.mulf %parallel_loop3A_1171, %parallel_loop3A_1173 : vector<16xf32>
        %parallel_loop3A_1175 = arith.constant 736 : i32
        %parallel_loop3A_1176 = arith.addi %parallel_loop3A_200, %parallel_loop3A_1175 : i32
        %parallel_loop3A_1177 = arith.index_cast %select_n3A_143 : i32 to index
        %parallel_loop3A_1178 = arith.index_cast %parallel_loop3A_1176 : i32 to index
        %parallel_loop3A_1179 = tpu.vector_load %arg7[%parallel_loop3A_1177, %parallel_loop3A_1178] {strides = array<i32>} : memref<2x12288xf32, #tpu.memory_space<vmem>>, vector<1x16xf32>,
        %parallel_loop3A_1180 = vector.shape_cast %parallel_loop3A_1179 : vector<1x16xf32> to vector<16xf32>
        %parallel_loop3A_1181 = arith.addf %parallel_loop3A_1174, %parallel_loop3A_1180 : vector<16xf32>
        %parallel_loop3A_1182 = arith.index_cast %select_n3A_127 : i32 to index
        %parallel_loop3A_1183 = arith.index_cast %parallel_loop3A_198 : i32 to index
        %parallel_loop3A_1184 = arith.constant 736 : index
        %parallel_loop3A_1185 = tpu.vector_load %arg8[%parallel_loop3A_1182, %parallel_loop3A_1183, %parallel_loop3A_1184] {strides = array<i32>} : memref<4x16x768xf32, #tpu.memory_space<vmem>>, vector<1x1x16xf32>,
        %parallel_loop3A_1186 = vector.shape_cast %parallel_loop3A_1185 : vector<1x1x16xf32> to vector<16xf32>
        %parallel_loop3A_1187 = vector.shape_cast %parallel_loop3A_1181 : vector<16xf32> to vector<1x1x16xf32>
        tpu.vector_store %arg8[%parallel_loop3A_1182, %parallel_loop3A_1183, %parallel_loop3A_1184], %parallel_loop3A_1187 {strides = array<i32>} : memref<4x16x768xf32, #tpu.memory_space<vmem>>, vector<1x1x16xf32>,
        %parallel_loop3A_1188 = arith.index_cast %select_n3A_127 : i32 to index
        %parallel_loop3A_1189 = arith.index_cast %parallel_loop3A_198 : i32 to index
        %parallel_loop3A_1190 = arith.constant 752 : index
        %parallel_loop3A_1191 = tpu.vector_load %arg8[%parallel_loop3A_1188, %parallel_loop3A_1189, %parallel_loop3A_1190] {strides = array<i32>} : memref<4x16x768xf32, #tpu.memory_space<vmem>>, vector<1x1x16xf32>,
        %parallel_loop3A_1192 = vector.shape_cast %parallel_loop3A_1191 : vector<1x1x16xf32> to vector<16xf32>
        %parallel_loop3A_1193 = arith.constant 27.7128124 : f32
        %parallel_loop3A_1194 = vector.broadcast %parallel_loop3A_1193 : f32 to vector<16xf32>
        %parallel_loop3A_1195 = arith.mulf %parallel_loop3A_1192, %parallel_loop3A_1194 : vector<16xf32>
        %parallel_loop3A_1196 = arith.constant 752 : i32
        %parallel_loop3A_1197 = arith.addi %parallel_loop3A_200, %parallel_loop3A_1196 : i32
        %parallel_loop3A_1198 = arith.index_cast %select_n3A_143 : i32 to index
        %parallel_loop3A_1199 = arith.index_cast %parallel_loop3A_1197 : i32 to index
        %parallel_loop3A_1200 = tpu.vector_load %arg7[%parallel_loop3A_1198, %parallel_loop3A_1199] {strides = array<i32>} : memref<2x12288xf32, #tpu.memory_space<vmem>>, vector<1x16xf32>,
        %parallel_loop3A_1201 = vector.shape_cast %parallel_loop3A_1200 : vector<1x16xf32> to vector<16xf32>
        %parallel_loop3A_1202 = arith.addf %parallel_loop3A_1195, %parallel_loop3A_1201 : vector<16xf32>
        %parallel_loop3A_1203 = arith.index_cast %select_n3A_127 : i32 to index
        %parallel_loop3A_1204 = arith.index_cast %parallel_loop3A_198 : i32 to index
        %parallel_loop3A_1205 = arith.constant 752 : index
        %parallel_loop3A_1206 = tpu.vector_load %arg8[%parallel_loop3A_1203, %parallel_loop3A_1204, %parallel_loop3A_1205] {strides = array<i32>} : memref<4x16x768xf32, #tpu.memory_space<vmem>>, vector<1x1x16xf32>,
        %parallel_loop3A_1207 = vector.shape_cast %parallel_loop3A_1206 : vector<1x1x16xf32> to vector<16xf32>
        %parallel_loop3A_1208 = vector.shape_cast %parallel_loop3A_1202 : vector<16xf32> to vector<1x1x16xf32>
        tpu.vector_store %arg8[%parallel_loop3A_1203, %parallel_loop3A_1204, %parallel_loop3A_1205], %parallel_loop3A_1208 {strides = array<i32>} : memref<4x16x768xf32, #tpu.memory_space<vmem>>, vector<1x1x16xf32>,
      } {sc.loop_unroll_factor = 1 : i64, sc.parallel_access}
      %ge3A = arith.constant 1 : i32
      %ge3A_169 = arith.cmpi sge, %scan3A_81, %ge3A : i32
      %convert_element_type3A_170 = arith.extui %ge3A_169 : i1 to i32
      %cond3A_171 = arith.constant 0 : i32
      %cond3A_172 = arith.cmpi ne, %convert_element_type3A_170, %cond3A_171 : i32
      scf.if %cond3A_172 {
        %add3A_198 = arith.constant 4 : i32
        %add3A_199 = arith.addi %scan3A_81, %add3A_198 : i32
        %sub3A_200 = arith.constant 1 : i32
        %sub3A_201 = arith.subi %add3A_199, %sub3A_200 : i32
        %jit3A_202 = arith.constant 4 : i32
        %eq3A_203 = arith.constant 0 : i32
        %eq3A_204 = arith.cmpi eq, %jit3A_202, %eq3A_203 : i32
        %jit3A_205 = arith.constant 1 : i32
        %select_n3A_206 = arith.select %eq3A_204, %jit3A_205, %jit3A_202 : i32
        %rem3A_207 = arith.remsi %sub3A_201, %select_n3A_206 : i32
        %ne3A_208 = arith.constant 0 : i32
        %ne3A_209 = arith.cmpi ne, %rem3A_207, %ne3A_208 : i32
        %lt3A_210 = arith.constant 0 : i32
        %lt3A_211 = arith.cmpi slt, %rem3A_207, %lt3A_210 : i32
        %lt3A_212 = arith.constant 0 : i32
        %lt3A_213 = arith.cmpi slt, %select_n3A_206, %lt3A_212 : i32
        %ne3A_214 = arith.xori %lt3A_211, %lt3A_213 : i1
        %and3A_215 = arith.andi %ne3A_214, %ne3A_209 : i1
        %add3A_216 = arith.addi %rem3A_207, %select_n3A_206 : i32
        %select_n3A_217 = arith.select %and3A_215, %add3A_216, %rem3A_207 : i32
        %eq3A_218 = arith.constant 0 : i32
        %eq3A_219 = arith.cmpi eq, %select_n3A_217, %eq3A_218 : i32
        %convert_element_type3A_220 = arith.extui %eq3A_219 : i1 to i32
        %cond3A_221 = arith.constant 0 : i32
        %cond3A_222 = arith.cmpi ne, %convert_element_type3A_220, %cond3A_221 : i32
        scf.if %cond3A_222 {
          %dma_wait3A_238 = arith.constant 0 : i32
          %dma_wait3A_239 = arith.constant 0 : i32
          %dma_wait3A_240 = arith.constant 0 : i32
          %dma_wait3A_241 = tpu.memref_slice %arg8[%dma_wait3A_238, %dma_wait3A_239, %dma_wait3A_240] : memref<4x16x768xf32, #tpu.memory_space<vmem>> -> memref<1x16x768xf32, #tpu.memory_space<vmem>>
          %dma_wait3A_242 = tpu.memref_squeeze %dma_wait3A_241 : memref<1x16x768xf32, #tpu.memory_space<vmem>> -> memref<16x768xf32, #tpu.memory_space<vmem>>
          %dma_wait3A_243 = arith.constant 0 : i32
          %dma_wait3A_244 = arith.constant 0 : i32
          %dma_wait3A_245 = tpu.memref_slice %arg5[%dma_wait3A_243, %dma_wait3A_244] : memref<32768x768xf32, #tpu.memory_space<hbm>> -> memref<16x768xf32, #tpu.memory_space<hbm>>
          %dma_wait3A_246 = arith.constant 0 : i32
          %dma_wait3A_247 = arith.constant 0 : i32
          %dma_wait3A_248 = tpu.memref_slice %arg5[%dma_wait3A_246, %dma_wait3A_247] : memref<32768x768xf32, #tpu.memory_space<hbm>> -> memref<16x768xf32, #tpu.memory_space<hbm>>
          %dma_wait3A_249 = arith.constant 0 : i32
          %dma_wait3A_250 = arith.constant 0 : i32
          %dma_wait3A_251 = tpu.memref_slice %arg8[%dma_wait3A_238, %dma_wait3A_249, %dma_wait3A_250] : memref<4x16x768xf32, #tpu.memory_space<vmem>> -> memref<1x16x768xf32, #tpu.memory_space<vmem>>
          %dma_wait3A_252 = tpu.memref_squeeze %dma_wait3A_251 : memref<1x16x768xf32, #tpu.memory_space<vmem>> -> memref<16x768xf32, #tpu.memory_space<vmem>>
          tpu.wait_dma2 semaphore(%arg14 : memref<!tpu.dma_semaphore, #tpu.memory_space<semaphore_mem>>) src(%dma_wait3A_252 : memref<16x768xf32, #tpu.memory_space<vmem>>) dst(%dma_wait3A_248 : memref<16x768xf32, #tpu.memory_space<hbm>>)
        } else {
        }
        %eq3A_223 = arith.constant 1 : i32
        %eq3A_224 = arith.cmpi eq, %select_n3A_217, %eq3A_223 : i32
        %convert_element_type3A_225 = arith.extui %eq3A_224 : i1 to i32
        %cond3A_226 = arith.constant 0 : i32
        %cond3A_227 = arith.cmpi ne, %convert_element_type3A_225, %cond3A_226 : i32
        scf.if %cond3A_227 {
          %dma_wait3A_238 = arith.constant 1 : i32
          %dma_wait3A_239 = arith.constant 0 : i32
          %dma_wait3A_240 = arith.constant 0 : i32
          %dma_wait3A_241 = tpu.memref_slice %arg8[%dma_wait3A_238, %dma_wait3A_239, %dma_wait3A_240] : memref<4x16x768xf32, #tpu.memory_space<vmem>> -> memref<1x16x768xf32, #tpu.memory_space<vmem>>
          %dma_wait3A_242 = tpu.memref_squeeze %dma_wait3A_241 : memref<1x16x768xf32, #tpu.memory_space<vmem>> -> memref<16x768xf32, #tpu.memory_space<vmem>>
          %dma_wait3A_243 = arith.constant 0 : i32
          %dma_wait3A_244 = arith.constant 0 : i32
          %dma_wait3A_245 = tpu.memref_slice %arg5[%dma_wait3A_243, %dma_wait3A_244] : memref<32768x768xf32, #tpu.memory_space<hbm>> -> memref<16x768xf32, #tpu.memory_space<hbm>>
          %dma_wait3A_246 = arith.constant 0 : i32
          %dma_wait3A_247 = arith.constant 0 : i32
          %dma_wait3A_248 = tpu.memref_slice %arg5[%dma_wait3A_246, %dma_wait3A_247] : memref<32768x768xf32, #tpu.memory_space<hbm>> -> memref<16x768xf32, #tpu.memory_space<hbm>>
          %dma_wait3A_249 = arith.constant 0 : i32
          %dma_wait3A_250 = arith.constant 0 : i32
          %dma_wait3A_251 = tpu.memref_slice %arg8[%dma_wait3A_238, %dma_wait3A_249, %dma_wait3A_250] : memref<4x16x768xf32, #tpu.memory_space<vmem>> -> memref<1x16x768xf32, #tpu.memory_space<vmem>>
          %dma_wait3A_252 = tpu.memref_squeeze %dma_wait3A_251 : memref<1x16x768xf32, #tpu.memory_space<vmem>> -> memref<16x768xf32, #tpu.memory_space<vmem>>
          tpu.wait_dma2 semaphore(%arg15 : memref<!tpu.dma_semaphore, #tpu.memory_space<semaphore_mem>>) src(%dma_wait3A_252 : memref<16x768xf32, #tpu.memory_space<vmem>>) dst(%dma_wait3A_248 : memref<16x768xf32, #tpu.memory_space<hbm>>)
        } else {
        }
        %eq3A_228 = arith.constant 2 : i32
        %eq3A_229 = arith.cmpi eq, %select_n3A_217, %eq3A_228 : i32
        %convert_element_type3A_230 = arith.extui %eq3A_229 : i1 to i32
        %cond3A_231 = arith.constant 0 : i32
        %cond3A_232 = arith.cmpi ne, %convert_element_type3A_230, %cond3A_231 : i32
        scf.if %cond3A_232 {
          %dma_wait3A_238 = arith.constant 2 : i32
          %dma_wait3A_239 = arith.constant 0 : i32
          %dma_wait3A_240 = arith.constant 0 : i32
          %dma_wait3A_241 = tpu.memref_slice %arg8[%dma_wait3A_238, %dma_wait3A_239, %dma_wait3A_240] : memref<4x16x768xf32, #tpu.memory_space<vmem>> -> memref<1x16x768xf32, #tpu.memory_space<vmem>>
          %dma_wait3A_242 = tpu.memref_squeeze %dma_wait3A_241 : memref<1x16x768xf32, #tpu.memory_space<vmem>> -> memref<16x768xf32, #tpu.memory_space<vmem>>
          %dma_wait3A_243 = arith.constant 0 : i32
          %dma_wait3A_244 = arith.constant 0 : i32
          %dma_wait3A_245 = tpu.memref_slice %arg5[%dma_wait3A_243, %dma_wait3A_244] : memref<32768x768xf32, #tpu.memory_space<hbm>> -> memref<16x768xf32, #tpu.memory_space<hbm>>
          %dma_wait3A_246 = arith.constant 0 : i32
          %dma_wait3A_247 = arith.constant 0 : i32
          %dma_wait3A_248 = tpu.memref_slice %arg5[%dma_wait3A_246, %dma_wait3A_247] : memref<32768x768xf32, #tpu.memory_space<hbm>> -> memref<16x768xf32, #tpu.memory_space<hbm>>
          %dma_wait3A_249 = arith.constant 0 : i32
          %dma_wait3A_250 = arith.constant 0 : i32
          %dma_wait3A_251 = tpu.memref_slice %arg8[%dma_wait3A_238, %dma_wait3A_249, %dma_wait3A_250] : memref<4x16x768xf32, #tpu.memory_space<vmem>> -> memref<1x16x768xf32, #tpu.memory_space<vmem>>
          %dma_wait3A_252 = tpu.memref_squeeze %dma_wait3A_251 : memref<1x16x768xf32, #tpu.memory_space<vmem>> -> memref<16x768xf32, #tpu.memory_space<vmem>>
          tpu.wait_dma2 semaphore(%arg16 : memref<!tpu.dma_semaphore, #tpu.memory_space<semaphore_mem>>) src(%dma_wait3A_252 : memref<16x768xf32, #tpu.memory_space<vmem>>) dst(%dma_wait3A_248 : memref<16x768xf32, #tpu.memory_space<hbm>>)
        } else {
        }
        %eq3A_233 = arith.constant 3 : i32
        %eq3A_234 = arith.cmpi eq, %select_n3A_217, %eq3A_233 : i32
        %convert_element_type3A_235 = arith.extui %eq3A_234 : i1 to i32
        %cond3A_236 = arith.constant 0 : i32
        %cond3A_237 = arith.cmpi ne, %convert_element_type3A_235, %cond3A_236 : i32
        scf.if %cond3A_237 {
          %dma_wait3A_238 = arith.constant 3 : i32
          %dma_wait3A_239 = arith.constant 0 : i32
          %dma_wait3A_240 = arith.constant 0 : i32
          %dma_wait3A_241 = tpu.memref_slice %arg8[%dma_wait3A_238, %dma_wait3A_239, %dma_wait3A_240] : memref<4x16x768xf32, #tpu.memory_space<vmem>> -> memref<1x16x768xf32, #tpu.memory_space<vmem>>
          %dma_wait3A_242 = tpu.memref_squeeze %dma_wait3A_241 : memref<1x16x768xf32, #tpu.memory_space<vmem>> -> memref<16x768xf32, #tpu.memory_space<vmem>>
          %dma_wait3A_243 = arith.constant 0 : i32
          %dma_wait3A_244 = arith.constant 0 : i32
          %dma_wait3A_245 = tpu.memref_slice %arg5[%dma_wait3A_243, %dma_wait3A_244] : memref<32768x768xf32, #tpu.memory_space<hbm>> -> memref<16x768xf32, #tpu.memory_space<hbm>>
          %dma_wait3A_246 = arith.constant 0 : i32
          %dma_wait3A_247 = arith.constant 0 : i32
          %dma_wait3A_248 = tpu.memref_slice %arg5[%dma_wait3A_246, %dma_wait3A_247] : memref<32768x768xf32, #tpu.memory_space<hbm>> -> memref<16x768xf32, #tpu.memory_space<hbm>>
          %dma_wait3A_249 = arith.constant 0 : i32
          %dma_wait3A_250 = arith.constant 0 : i32
          %dma_wait3A_251 = tpu.memref_slice %arg8[%dma_wait3A_238, %dma_wait3A_249, %dma_wait3A_250] : memref<4x16x768xf32, #tpu.memory_space<vmem>> -> memref<1x16x768xf32, #tpu.memory_space<vmem>>
          %dma_wait3A_252 = tpu.memref_squeeze %dma_wait3A_251 : memref<1x16x768xf32, #tpu.memory_space<vmem>> -> memref<16x768xf32, #tpu.memory_space<vmem>>
          tpu.wait_dma2 semaphore(%arg17 : memref<!tpu.dma_semaphore, #tpu.memory_space<semaphore_mem>>) src(%dma_wait3A_252 : memref<16x768xf32, #tpu.memory_space<vmem>>) dst(%dma_wait3A_248 : memref<16x768xf32, #tpu.memory_space<hbm>>)
        } else {
        }
      } else {
      }
      %eq3A_173 = arith.constant 0 : i32
      %eq3A_174 = arith.cmpi eq, %select_n3A_127, %eq3A_173 : i32
      %convert_element_type3A_175 = arith.extui %eq3A_174 : i1 to i32
      %cond3A_176 = arith.constant 0 : i32
      %cond3A_177 = arith.cmpi ne, %convert_element_type3A_175, %cond3A_176 : i32
      scf.if %cond3A_177 {
        %mul3A_198 = arith.constant 8192 : i32
        %mul3A_199 = arith.muli %select_n3A_111, %mul3A_198 : i32
        %add3A_200 = arith.addi %mul3A_199, %mul3A_2 : i32
        %mul3A_201 = arith.constant 16 : i32
        %mul3A_202 = arith.muli %select_n3A, %mul3A_201 : i32
        %add3A_203 = arith.addi %add3A_200, %mul3A_202 : i32
        %dma_start3A_204 = arith.constant 0 : i32
        %dma_start3A_205 = arith.constant 0 : i32
        %dma_start3A_206 = arith.constant 0 : i32
        %dma_start3A_207 = tpu.memref_slice %arg8[%dma_start3A_204, %dma_start3A_205, %dma_start3A_206] : memref<4x16x768xf32, #tpu.memory_space<vmem>> -> memref<1x16x768xf32, #tpu.memory_space<vmem>>
        %dma_start3A_208 = tpu.memref_squeeze %dma_start3A_207 : memref<1x16x768xf32, #tpu.memory_space<vmem>> -> memref<16x768xf32, #tpu.memory_space<vmem>>
        %dma_start3A_209 = arith.constant 0 : i32
        %dma_start3A_210 = tpu.memref_slice %arg5[%add3A_203, %dma_start3A_209] : memref<32768x768xf32, #tpu.memory_space<hbm>> -> memref<16x768xf32, #tpu.memory_space<hbm>>
        %dma_start3A_211 = arith.constant 0 : i32
        %dma_start3A_212 = tpu.memref_slice %arg5[%add3A_203, %dma_start3A_211] : memref<32768x768xf32, #tpu.memory_space<hbm>> -> memref<16x768xf32, #tpu.memory_space<hbm>>
        %dma_start3A_213 = arith.constant 0 : i32
        %dma_start3A_214 = arith.constant 0 : i32
        %dma_start3A_215 = tpu.memref_slice %arg8[%dma_start3A_204, %dma_start3A_213, %dma_start3A_214] : memref<4x16x768xf32, #tpu.memory_space<vmem>> -> memref<1x16x768xf32, #tpu.memory_space<vmem>>
        %dma_start3A_216 = tpu.memref_squeeze %dma_start3A_215 : memref<1x16x768xf32, #tpu.memory_space<vmem>> -> memref<16x768xf32, #tpu.memory_space<vmem>>
        tpu.enqueue_dma source(%dma_start3A_216 : memref<16x768xf32, #tpu.memory_space<vmem>>) target(%dma_start3A_212 : memref<16x768xf32, #tpu.memory_space<hbm>>) target_semaphore(%arg14 : memref<!tpu.dma_semaphore, #tpu.memory_space<semaphore_mem>>)
      } else {
      }
      %eq3A_178 = arith.constant 1 : i32
      %eq3A_179 = arith.cmpi eq, %select_n3A_127, %eq3A_178 : i32
      %convert_element_type3A_180 = arith.extui %eq3A_179 : i1 to i32
      %cond3A_181 = arith.constant 0 : i32
      %cond3A_182 = arith.cmpi ne, %convert_element_type3A_180, %cond3A_181 : i32
      scf.if %cond3A_182 {
        %mul3A_198 = arith.constant 8192 : i32
        %mul3A_199 = arith.muli %select_n3A_111, %mul3A_198 : i32
        %add3A_200 = arith.addi %mul3A_199, %mul3A_2 : i32
        %mul3A_201 = arith.constant 16 : i32
        %mul3A_202 = arith.muli %select_n3A, %mul3A_201 : i32
        %add3A_203 = arith.addi %add3A_200, %mul3A_202 : i32
        %dma_start3A_204 = arith.constant 1 : i32
        %dma_start3A_205 = arith.constant 0 : i32
        %dma_start3A_206 = arith.constant 0 : i32
        %dma_start3A_207 = tpu.memref_slice %arg8[%dma_start3A_204, %dma_start3A_205, %dma_start3A_206] : memref<4x16x768xf32, #tpu.memory_space<vmem>> -> memref<1x16x768xf32, #tpu.memory_space<vmem>>
        %dma_start3A_208 = tpu.memref_squeeze %dma_start3A_207 : memref<1x16x768xf32, #tpu.memory_space<vmem>> -> memref<16x768xf32, #tpu.memory_space<vmem>>
        %dma_start3A_209 = arith.constant 0 : i32
        %dma_start3A_210 = tpu.memref_slice %arg5[%add3A_203, %dma_start3A_209] : memref<32768x768xf32, #tpu.memory_space<hbm>> -> memref<16x768xf32, #tpu.memory_space<hbm>>
        %dma_start3A_211 = arith.constant 0 : i32
        %dma_start3A_212 = tpu.memref_slice %arg5[%add3A_203, %dma_start3A_211] : memref<32768x768xf32, #tpu.memory_space<hbm>> -> memref<16x768xf32, #tpu.memory_space<hbm>>
        %dma_start3A_213 = arith.constant 0 : i32
        %dma_start3A_214 = arith.constant 0 : i32
        %dma_start3A_215 = tpu.memref_slice %arg8[%dma_start3A_204, %dma_start3A_213, %dma_start3A_214] : memref<4x16x768xf32, #tpu.memory_space<vmem>> -> memref<1x16x768xf32, #tpu.memory_space<vmem>>
        %dma_start3A_216 = tpu.memref_squeeze %dma_start3A_215 : memref<1x16x768xf32, #tpu.memory_space<vmem>> -> memref<16x768xf32, #tpu.memory_space<vmem>>
        tpu.enqueue_dma source(%dma_start3A_216 : memref<16x768xf32, #tpu.memory_space<vmem>>) target(%dma_start3A_212 : memref<16x768xf32, #tpu.memory_space<hbm>>) target_semaphore(%arg15 : memref<!tpu.dma_semaphore, #tpu.memory_space<semaphore_mem>>)
      } else {
      }
      %eq3A_183 = arith.constant 2 : i32
      %eq3A_184 = arith.cmpi eq, %select_n3A_127, %eq3A_183 : i32
      %convert_element_type3A_185 = arith.extui %eq3A_184 : i1 to i32
      %cond3A_186 = arith.constant 0 : i32
      %cond3A_187 = arith.cmpi ne, %convert_element_type3A_185, %cond3A_186 : i32
      scf.if %cond3A_187 {
        %mul3A_198 = arith.constant 8192 : i32
        %mul3A_199 = arith.muli %select_n3A_111, %mul3A_198 : i32
        %add3A_200 = arith.addi %mul3A_199, %mul3A_2 : i32
        %mul3A_201 = arith.constant 16 : i32
        %mul3A_202 = arith.muli %select_n3A, %mul3A_201 : i32
        %add3A_203 = arith.addi %add3A_200, %mul3A_202 : i32
        %dma_start3A_204 = arith.constant 2 : i32
        %dma_start3A_205 = arith.constant 0 : i32
        %dma_start3A_206 = arith.constant 0 : i32
        %dma_start3A_207 = tpu.memref_slice %arg8[%dma_start3A_204, %dma_start3A_205, %dma_start3A_206] : memref<4x16x768xf32, #tpu.memory_space<vmem>> -> memref<1x16x768xf32, #tpu.memory_space<vmem>>
        %dma_start3A_208 = tpu.memref_squeeze %dma_start3A_207 : memref<1x16x768xf32, #tpu.memory_space<vmem>> -> memref<16x768xf32, #tpu.memory_space<vmem>>
        %dma_start3A_209 = arith.constant 0 : i32
        %dma_start3A_210 = tpu.memref_slice %arg5[%add3A_203, %dma_start3A_209] : memref<32768x768xf32, #tpu.memory_space<hbm>> -> memref<16x768xf32, #tpu.memory_space<hbm>>
        %dma_start3A_211 = arith.constant 0 : i32
        %dma_start3A_212 = tpu.memref_slice %arg5[%add3A_203, %dma_start3A_211] : memref<32768x768xf32, #tpu.memory_space<hbm>> -> memref<16x768xf32, #tpu.memory_space<hbm>>
        %dma_start3A_213 = arith.constant 0 : i32
        %dma_start3A_214 = arith.constant 0 : i32
        %dma_start3A_215 = tpu.memref_slice %arg8[%dma_start3A_204, %dma_start3A_213, %dma_start3A_214] : memref<4x16x768xf32, #tpu.memory_space<vmem>> -> memref<1x16x768xf32, #tpu.memory_space<vmem>>
        %dma_start3A_216 = tpu.memref_squeeze %dma_start3A_215 : memref<1x16x768xf32, #tpu.memory_space<vmem>> -> memref<16x768xf32, #tpu.memory_space<vmem>>
        tpu.enqueue_dma source(%dma_start3A_216 : memref<16x768xf32, #tpu.memory_space<vmem>>) target(%dma_start3A_212 : memref<16x768xf32, #tpu.memory_space<hbm>>) target_semaphore(%arg16 : memref<!tpu.dma_semaphore, #tpu.memory_space<semaphore_mem>>)
      } else {
      }
      %eq3A_188 = arith.constant 3 : i32
      %eq3A_189 = arith.cmpi eq, %select_n3A_127, %eq3A_188 : i32
      %convert_element_type3A_190 = arith.extui %eq3A_189 : i1 to i32
      %cond3A_191 = arith.constant 0 : i32
      %cond3A_192 = arith.cmpi ne, %convert_element_type3A_190, %cond3A_191 : i32
      scf.if %cond3A_192 {
        %mul3A_198 = arith.constant 8192 : i32
        %mul3A_199 = arith.muli %select_n3A_111, %mul3A_198 : i32
        %add3A_200 = arith.addi %mul3A_199, %mul3A_2 : i32
        %mul3A_201 = arith.constant 16 : i32
        %mul3A_202 = arith.muli %select_n3A, %mul3A_201 : i32
        %add3A_203 = arith.addi %add3A_200, %mul3A_202 : i32
        %dma_start3A_204 = arith.constant 3 : i32
        %dma_start3A_205 = arith.constant 0 : i32
        %dma_start3A_206 = arith.constant 0 : i32
        %dma_start3A_207 = tpu.memref_slice %arg8[%dma_start3A_204, %dma_start3A_205, %dma_start3A_206] : memref<4x16x768xf32, #tpu.memory_space<vmem>> -> memref<1x16x768xf32, #tpu.memory_space<vmem>>
        %dma_start3A_208 = tpu.memref_squeeze %dma_start3A_207 : memref<1x16x768xf32, #tpu.memory_space<vmem>> -> memref<16x768xf32, #tpu.memory_space<vmem>>
        %dma_start3A_209 = arith.constant 0 : i32
        %dma_start3A_210 = tpu.memref_slice %arg5[%add3A_203, %dma_start3A_209] : memref<32768x768xf32, #tpu.memory_space<hbm>> -> memref<16x768xf32, #tpu.memory_space<hbm>>
        %dma_start3A_211 = arith.constant 0 : i32
        %dma_start3A_212 = tpu.memref_slice %arg5[%add3A_203, %dma_start3A_211] : memref<32768x768xf32, #tpu.memory_space<hbm>> -> memref<16x768xf32, #tpu.memory_space<hbm>>
        %dma_start3A_213 = arith.constant 0 : i32
        %dma_start3A_214 = arith.constant 0 : i32
        %dma_start3A_215 = tpu.memref_slice %arg8[%dma_start3A_204, %dma_start3A_213, %dma_start3A_214] : memref<4x16x768xf32, #tpu.memory_space<vmem>> -> memref<1x16x768xf32, #tpu.memory_space<vmem>>
        %dma_start3A_216 = tpu.memref_squeeze %dma_start3A_215 : memref<1x16x768xf32, #tpu.memory_space<vmem>> -> memref<16x768xf32, #tpu.memory_space<vmem>>
        tpu.enqueue_dma source(%dma_start3A_216 : memref<16x768xf32, #tpu.memory_space<vmem>>) target(%dma_start3A_212 : memref<16x768xf32, #tpu.memory_space<hbm>>) target_semaphore(%arg17 : memref<!tpu.dma_semaphore, #tpu.memory_space<semaphore_mem>>)
      } else {
      }
      %lt3A_193 = arith.constant 61 : i32
      %lt3A_194 = arith.cmpi slt, %scan3A_81, %lt3A_193 : i32
      %convert_element_type3A_195 = arith.extui %lt3A_194 : i1 to i32
      %cond3A_196 = arith.constant 0 : i32
      %cond3A_197 = arith.cmpi ne, %convert_element_type3A_195, %cond3A_196 : i32
      scf.if %cond3A_197 {
        %add3A_198 = arith.constant 4 : i32
        %add3A_199 = arith.addi %scan3A_81, %add3A_198 : i32
        %sub3A_200 = arith.constant 1 : i32
        %sub3A_201 = arith.subi %add3A_199, %sub3A_200 : i32
        %jit3A_202 = arith.constant 4 : i32
        %eq3A_203 = arith.constant 0 : i32
        %eq3A_204 = arith.cmpi eq, %jit3A_202, %eq3A_203 : i32
        %jit3A_205 = arith.constant 1 : i32
        %select_n3A_206 = arith.select %eq3A_204, %jit3A_205, %jit3A_202 : i32
        %rem3A_207 = arith.remsi %sub3A_201, %select_n3A_206 : i32
        %ne3A_208 = arith.constant 0 : i32
        %ne3A_209 = arith.cmpi ne, %rem3A_207, %ne3A_208 : i32
        %lt3A_210 = arith.constant 0 : i32
        %lt3A_211 = arith.cmpi slt, %rem3A_207, %lt3A_210 : i32
        %lt3A_212 = arith.constant 0 : i32
        %lt3A_213 = arith.cmpi slt, %select_n3A_206, %lt3A_212 : i32
        %ne3A_214 = arith.xori %lt3A_211, %lt3A_213 : i1
        %and3A_215 = arith.andi %ne3A_214, %ne3A_209 : i1
        %add3A_216 = arith.addi %rem3A_207, %select_n3A_206 : i32
        %select_n3A_217 = arith.select %and3A_215, %add3A_216, %rem3A_207 : i32
        %eq3A_218 = arith.constant 0 : i32
        %eq3A_219 = arith.cmpi eq, %select_n3A_217, %eq3A_218 : i32
        %convert_element_type3A_220 = arith.extui %eq3A_219 : i1 to i32
        %cond3A_221 = arith.constant 0 : i32
        %cond3A_222 = arith.cmpi ne, %convert_element_type3A_220, %cond3A_221 : i32
        scf.if %cond3A_222 {
          %jit3A_238 = arith.constant 4 : i32
          %div3A_239 = arith.divsi %sub3A_201, %jit3A_238 : i32
          %sign3A_240 = arith.constant 0 : i32
          %sign3A_241 = arith.cmpi sgt, %sub3A_201, %sign3A_240 : i32
          %sign3A_242 = arith.extui %sign3A_241 : i1 to i32
          %sign3A_243 = arith.constant 0 : i32
          %sign3A_244 = arith.cmpi slt, %sub3A_201, %sign3A_243 : i32
          %sign3A_245 = arith.extui %sign3A_244 : i1 to i32
          %sign3A_246 = arith.subi %sign3A_242, %sign3A_245 : i32
          %sign3A_247 = arith.constant 0 : i32
          %sign3A_248 = arith.cmpi sgt, %jit3A_238, %sign3A_247 : i32
          %sign3A_249 = arith.extui %sign3A_248 : i1 to i32
          %sign3A_250 = arith.constant 0 : i32
          %sign3A_251 = arith.cmpi slt, %jit3A_238, %sign3A_250 : i32
          %sign3A_252 = arith.extui %sign3A_251 : i1 to i32
          %sign3A_253 = arith.subi %sign3A_249, %sign3A_252 : i32
          %ne3A_254 = arith.cmpi ne, %sign3A_246, %sign3A_253 : i32
          %rem3A_255 = arith.remsi %sub3A_201, %jit3A_238 : i32
          %ne3A_256 = arith.constant 0 : i32
          %ne3A_257 = arith.cmpi ne, %rem3A_255, %ne3A_256 : i32
          %and3A_258 = arith.andi %ne3A_254, %ne3A_257 : i1
          %sub3A_259 = arith.constant 1 : i32
          %sub3A_260 = arith.subi %div3A_239, %sub3A_259 : i32
          %select_n3A_261 = arith.select %and3A_258, %sub3A_260, %div3A_239 : i32
          %jit3A_262 = arith.constant 4 : i32
          %eq3A_263 = arith.constant 0 : i32
          %eq3A_264 = arith.cmpi eq, %jit3A_262, %eq3A_263 : i32
          %jit3A_265 = arith.constant 1 : i32
          %select_n3A_266 = arith.select %eq3A_264, %jit3A_265, %jit3A_262 : i32
          %rem3A_267 = arith.remsi %sub3A_201, %select_n3A_266 : i32
          %ne3A_268 = arith.constant 0 : i32
          %ne3A_269 = arith.cmpi ne, %rem3A_267, %ne3A_268 : i32
          %lt3A_270 = arith.constant 0 : i32
          %lt3A_271 = arith.cmpi slt, %rem3A_267, %lt3A_270 : i32
          %lt3A_272 = arith.constant 0 : i32
          %lt3A_273 = arith.cmpi slt, %select_n3A_266, %lt3A_272 : i32
          %ne3A_274 = arith.xori %lt3A_271, %lt3A_273 : i1
          %and3A_275 = arith.andi %ne3A_274, %ne3A_269 : i1
          %add3A_276 = arith.addi %rem3A_267, %select_n3A_266 : i32
          %select_n3A_277 = arith.select %and3A_275, %add3A_276, %rem3A_267 : i32
          %mul3A_278 = arith.constant 16 : i32
          %mul3A_279 = arith.muli %select_n3A_261, %mul3A_278 : i32
          %dma_start3A_280 = arith.constant 0 : i32
          %dma_start3A_281 = arith.constant 0 : i32
          %dma_start3A_282 = arith.constant 0 : i32
          %dma_start3A_283 = tpu.memref_slice %arg8[%dma_start3A_280, %dma_start3A_281, %dma_start3A_282] : memref<4x16x768xf32, #tpu.memory_space<vmem>> -> memref<1x16x768xf32, #tpu.memory_space<vmem>>
          %dma_start3A_284 = tpu.memref_squeeze %dma_start3A_283 : memref<1x16x768xf32, #tpu.memory_space<vmem>> -> memref<16x768xf32, #tpu.memory_space<vmem>>
          %dma_start3A_285 = tpu.memref_slice %arg6[%select_n3A_277, %mul3A_279] : memref<4x256xi32, #tpu.memory_space<vmem>> -> memref<1x16xi32, #tpu.memory_space<vmem>>
          %dma_start3A_286 = tpu.memref_squeeze %dma_start3A_285 : memref<1x16xi32, #tpu.memory_space<vmem>> -> memref<16xi32, #tpu.memory_space<vmem>>
          %dma_start3A_287 = arith.constant 0 : i32
          %dma_start3A_288 = arith.constant 0 : i32
          %dma_start3A_289 = tpu.memref_slice %arg3[%dma_start3A_287, %dma_start3A_288] : memref<100000x768xf32, #tpu.memory_space<hbm>> -> memref<100000x768xf32, #tpu.memory_space<hbm>>
          tpu.enqueue_indirect_dma source(%dma_start3A_289 : memref<100000x768xf32, #tpu.memory_space<hbm>>) target(%dma_start3A_284 : memref<16x768xf32, #tpu.memory_space<vmem>>) offsets(%dma_start3A_286 : memref<16xi32, #tpu.memory_space<vmem>>) semaphore(%arg10 : memref<!tpu.dma_semaphore, #tpu.memory_space<semaphore_mem>>)
        } else {
        }
        %eq3A_223 = arith.constant 1 : i32
        %eq3A_224 = arith.cmpi eq, %select_n3A_217, %eq3A_223 : i32
        %convert_element_type3A_225 = arith.extui %eq3A_224 : i1 to i32
        %cond3A_226 = arith.constant 0 : i32
        %cond3A_227 = arith.cmpi ne, %convert_element_type3A_225, %cond3A_226 : i32
        scf.if %cond3A_227 {
          %jit3A_238 = arith.constant 4 : i32
          %div3A_239 = arith.divsi %sub3A_201, %jit3A_238 : i32
          %sign3A_240 = arith.constant 0 : i32
          %sign3A_241 = arith.cmpi sgt, %sub3A_201, %sign3A_240 : i32
          %sign3A_242 = arith.extui %sign3A_241 : i1 to i32
          %sign3A_243 = arith.constant 0 : i32
          %sign3A_244 = arith.cmpi slt, %sub3A_201, %sign3A_243 : i32
          %sign3A_245 = arith.extui %sign3A_244 : i1 to i32
          %sign3A_246 = arith.subi %sign3A_242, %sign3A_245 : i32
          %sign3A_247 = arith.constant 0 : i32
          %sign3A_248 = arith.cmpi sgt, %jit3A_238, %sign3A_247 : i32
          %sign3A_249 = arith.extui %sign3A_248 : i1 to i32
          %sign3A_250 = arith.constant 0 : i32
          %sign3A_251 = arith.cmpi slt, %jit3A_238, %sign3A_250 : i32
          %sign3A_252 = arith.extui %sign3A_251 : i1 to i32
          %sign3A_253 = arith.subi %sign3A_249, %sign3A_252 : i32
          %ne3A_254 = arith.cmpi ne, %sign3A_246, %sign3A_253 : i32
          %rem3A_255 = arith.remsi %sub3A_201, %jit3A_238 : i32
          %ne3A_256 = arith.constant 0 : i32
          %ne3A_257 = arith.cmpi ne, %rem3A_255, %ne3A_256 : i32
          %and3A_258 = arith.andi %ne3A_254, %ne3A_257 : i1
          %sub3A_259 = arith.constant 1 : i32
          %sub3A_260 = arith.subi %div3A_239, %sub3A_259 : i32
          %select_n3A_261 = arith.select %and3A_258, %sub3A_260, %div3A_239 : i32
          %jit3A_262 = arith.constant 4 : i32
          %eq3A_263 = arith.constant 0 : i32
          %eq3A_264 = arith.cmpi eq, %jit3A_262, %eq3A_263 : i32
          %jit3A_265 = arith.constant 1 : i32
          %select_n3A_266 = arith.select %eq3A_264, %jit3A_265, %jit3A_262 : i32
          %rem3A_267 = arith.remsi %sub3A_201, %select_n3A_266 : i32
          %ne3A_268 = arith.constant 0 : i32
          %ne3A_269 = arith.cmpi ne, %rem3A_267, %ne3A_268 : i32
          %lt3A_270 = arith.constant 0 : i32
          %lt3A_271 = arith.cmpi slt, %rem3A_267, %lt3A_270 : i32
          %lt3A_272 = arith.constant 0 : i32
          %lt3A_273 = arith.cmpi slt, %select_n3A_266, %lt3A_272 : i32
          %ne3A_274 = arith.xori %lt3A_271, %lt3A_273 : i1
          %and3A_275 = arith.andi %ne3A_274, %ne3A_269 : i1
          %add3A_276 = arith.addi %rem3A_267, %select_n3A_266 : i32
          %select_n3A_277 = arith.select %and3A_275, %add3A_276, %rem3A_267 : i32
          %mul3A_278 = arith.constant 16 : i32
          %mul3A_279 = arith.muli %select_n3A_261, %mul3A_278 : i32
          %dma_start3A_280 = arith.constant 1 : i32
          %dma_start3A_281 = arith.constant 0 : i32
          %dma_start3A_282 = arith.constant 0 : i32
          %dma_start3A_283 = tpu.memref_slice %arg8[%dma_start3A_280, %dma_start3A_281, %dma_start3A_282] : memref<4x16x768xf32, #tpu.memory_space<vmem>> -> memref<1x16x768xf32, #tpu.memory_space<vmem>>
          %dma_start3A_284 = tpu.memref_squeeze %dma_start3A_283 : memref<1x16x768xf32, #tpu.memory_space<vmem>> -> memref<16x768xf32, #tpu.memory_space<vmem>>
          %dma_start3A_285 = tpu.memref_slice %arg6[%select_n3A_277, %mul3A_279] : memref<4x256xi32, #tpu.memory_space<vmem>> -> memref<1x16xi32, #tpu.memory_space<vmem>>
          %dma_start3A_286 = tpu.memref_squeeze %dma_start3A_285 : memref<1x16xi32, #tpu.memory_space<vmem>> -> memref<16xi32, #tpu.memory_space<vmem>>
          %dma_start3A_287 = arith.constant 0 : i32
          %dma_start3A_288 = arith.constant 0 : i32
          %dma_start3A_289 = tpu.memref_slice %arg3[%dma_start3A_287, %dma_start3A_288] : memref<100000x768xf32, #tpu.memory_space<hbm>> -> memref<100000x768xf32, #tpu.memory_space<hbm>>
          tpu.enqueue_indirect_dma source(%dma_start3A_289 : memref<100000x768xf32, #tpu.memory_space<hbm>>) target(%dma_start3A_284 : memref<16x768xf32, #tpu.memory_space<vmem>>) offsets(%dma_start3A_286 : memref<16xi32, #tpu.memory_space<vmem>>) semaphore(%arg11 : memref<!tpu.dma_semaphore, #tpu.memory_space<semaphore_mem>>)
        } else {
        }
        %eq3A_228 = arith.constant 2 : i32
        %eq3A_229 = arith.cmpi eq, %select_n3A_217, %eq3A_228 : i32
        %convert_element_type3A_230 = arith.extui %eq3A_229 : i1 to i32
        %cond3A_231 = arith.constant 0 : i32
        %cond3A_232 = arith.cmpi ne, %convert_element_type3A_230, %cond3A_231 : i32
        scf.if %cond3A_232 {
          %jit3A_238 = arith.constant 4 : i32
          %div3A_239 = arith.divsi %sub3A_201, %jit3A_238 : i32
          %sign3A_240 = arith.constant 0 : i32
          %sign3A_241 = arith.cmpi sgt, %sub3A_201, %sign3A_240 : i32
          %sign3A_242 = arith.extui %sign3A_241 : i1 to i32
          %sign3A_243 = arith.constant 0 : i32
          %sign3A_244 = arith.cmpi slt, %sub3A_201, %sign3A_243 : i32
          %sign3A_245 = arith.extui %sign3A_244 : i1 to i32
          %sign3A_246 = arith.subi %sign3A_242, %sign3A_245 : i32
          %sign3A_247 = arith.constant 0 : i32
          %sign3A_248 = arith.cmpi sgt, %jit3A_238, %sign3A_247 : i32
          %sign3A_249 = arith.extui %sign3A_248 : i1 to i32
          %sign3A_250 = arith.constant 0 : i32
          %sign3A_251 = arith.cmpi slt, %jit3A_238, %sign3A_250 : i32
          %sign3A_252 = arith.extui %sign3A_251 : i1 to i32
          %sign3A_253 = arith.subi %sign3A_249, %sign3A_252 : i32
          %ne3A_254 = arith.cmpi ne, %sign3A_246, %sign3A_253 : i32
          %rem3A_255 = arith.remsi %sub3A_201, %jit3A_238 : i32
          %ne3A_256 = arith.constant 0 : i32
          %ne3A_257 = arith.cmpi ne, %rem3A_255, %ne3A_256 : i32
          %and3A_258 = arith.andi %ne3A_254, %ne3A_257 : i1
          %sub3A_259 = arith.constant 1 : i32
          %sub3A_260 = arith.subi %div3A_239, %sub3A_259 : i32
          %select_n3A_261 = arith.select %and3A_258, %sub3A_260, %div3A_239 : i32
          %jit3A_262 = arith.constant 4 : i32
          %eq3A_263 = arith.constant 0 : i32
          %eq3A_264 = arith.cmpi eq, %jit3A_262, %eq3A_263 : i32
          %jit3A_265 = arith.constant 1 : i32
          %select_n3A_266 = arith.select %eq3A_264, %jit3A_265, %jit3A_262 : i32
          %rem3A_267 = arith.remsi %sub3A_201, %select_n3A_266 : i32
          %ne3A_268 = arith.constant 0 : i32
          %ne3A_269 = arith.cmpi ne, %rem3A_267, %ne3A_268 : i32
          %lt3A_270 = arith.constant 0 : i32
          %lt3A_271 = arith.cmpi slt, %rem3A_267, %lt3A_270 : i32
          %lt3A_272 = arith.constant 0 : i32
          %lt3A_273 = arith.cmpi slt, %select_n3A_266, %lt3A_272 : i32
          %ne3A_274 = arith.xori %lt3A_271, %lt3A_273 : i1
          %and3A_275 = arith.andi %ne3A_274, %ne3A_269 : i1
          %add3A_276 = arith.addi %rem3A_267, %select_n3A_266 : i32
          %select_n3A_277 = arith.select %and3A_275, %add3A_276, %rem3A_267 : i32
          %mul3A_278 = arith.constant 16 : i32
          %mul3A_279 = arith.muli %select_n3A_261, %mul3A_278 : i32
          %dma_start3A_280 = arith.constant 2 : i32
          %dma_start3A_281 = arith.constant 0 : i32
          %dma_start3A_282 = arith.constant 0 : i32
          %dma_start3A_283 = tpu.memref_slice %arg8[%dma_start3A_280, %dma_start3A_281, %dma_start3A_282] : memref<4x16x768xf32, #tpu.memory_space<vmem>> -> memref<1x16x768xf32, #tpu.memory_space<vmem>>
          %dma_start3A_284 = tpu.memref_squeeze %dma_start3A_283 : memref<1x16x768xf32, #tpu.memory_space<vmem>> -> memref<16x768xf32, #tpu.memory_space<vmem>>
          %dma_start3A_285 = tpu.memref_slice %arg6[%select_n3A_277, %mul3A_279] : memref<4x256xi32, #tpu.memory_space<vmem>> -> memref<1x16xi32, #tpu.memory_space<vmem>>
          %dma_start3A_286 = tpu.memref_squeeze %dma_start3A_285 : memref<1x16xi32, #tpu.memory_space<vmem>> -> memref<16xi32, #tpu.memory_space<vmem>>
          %dma_start3A_287 = arith.constant 0 : i32
          %dma_start3A_288 = arith.constant 0 : i32
          %dma_start3A_289 = tpu.memref_slice %arg3[%dma_start3A_287, %dma_start3A_288] : memref<100000x768xf32, #tpu.memory_space<hbm>> -> memref<100000x768xf32, #tpu.memory_space<hbm>>
          tpu.enqueue_indirect_dma source(%dma_start3A_289 : memref<100000x768xf32, #tpu.memory_space<hbm>>) target(%dma_start3A_284 : memref<16x768xf32, #tpu.memory_space<vmem>>) offsets(%dma_start3A_286 : memref<16xi32, #tpu.memory_space<vmem>>) semaphore(%arg12 : memref<!tpu.dma_semaphore, #tpu.memory_space<semaphore_mem>>)
        } else {
        }
        %eq3A_233 = arith.constant 3 : i32
        %eq3A_234 = arith.cmpi eq, %select_n3A_217, %eq3A_233 : i32
        %convert_element_type3A_235 = arith.extui %eq3A_234 : i1 to i32
        %cond3A_236 = arith.constant 0 : i32
        %cond3A_237 = arith.cmpi ne, %convert_element_type3A_235, %cond3A_236 : i32
        scf.if %cond3A_237 {
          %jit3A_238 = arith.constant 4 : i32
          %div3A_239 = arith.divsi %sub3A_201, %jit3A_238 : i32
          %sign3A_240 = arith.constant 0 : i32
          %sign3A_241 = arith.cmpi sgt, %sub3A_201, %sign3A_240 : i32
          %sign3A_242 = arith.extui %sign3A_241 : i1 to i32
          %sign3A_243 = arith.constant 0 : i32
          %sign3A_244 = arith.cmpi slt, %sub3A_201, %sign3A_243 : i32
          %sign3A_245 = arith.extui %sign3A_244 : i1 to i32
          %sign3A_246 = arith.subi %sign3A_242, %sign3A_245 : i32
          %sign3A_247 = arith.constant 0 : i32
          %sign3A_248 = arith.cmpi sgt, %jit3A_238, %sign3A_247 : i32
          %sign3A_249 = arith.extui %sign3A_248 : i1 to i32
          %sign3A_250 = arith.constant 0 : i32
          %sign3A_251 = arith.cmpi slt, %jit3A_238, %sign3A_250 : i32
          %sign3A_252 = arith.extui %sign3A_251 : i1 to i32
          %sign3A_253 = arith.subi %sign3A_249, %sign3A_252 : i32
          %ne3A_254 = arith.cmpi ne, %sign3A_246, %sign3A_253 : i32
          %rem3A_255 = arith.remsi %sub3A_201, %jit3A_238 : i32
          %ne3A_256 = arith.constant 0 : i32
          %ne3A_257 = arith.cmpi ne, %rem3A_255, %ne3A_256 : i32
          %and3A_258 = arith.andi %ne3A_254, %ne3A_257 : i1
          %sub3A_259 = arith.constant 1 : i32
          %sub3A_260 = arith.subi %div3A_239, %sub3A_259 : i32
          %select_n3A_261 = arith.select %and3A_258, %sub3A_260, %div3A_239 : i32
          %jit3A_262 = arith.constant 4 : i32
          %eq3A_263 = arith.constant 0 : i32
          %eq3A_264 = arith.cmpi eq, %jit3A_262, %eq3A_263 : i32
          %jit3A_265 = arith.constant 1 : i32
          %select_n3A_266 = arith.select %eq3A_264, %jit3A_265, %jit3A_262 : i32
          %rem3A_267 = arith.remsi %sub3A_201, %select_n3A_266 : i32
          %ne3A_268 = arith.constant 0 : i32
          %ne3A_269 = arith.cmpi ne, %rem3A_267, %ne3A_268 : i32
          %lt3A_270 = arith.constant 0 : i32
          %lt3A_271 = arith.cmpi slt, %rem3A_267, %lt3A_270 : i32
          %lt3A_272 = arith.constant 0 : i32
          %lt3A_273 = arith.cmpi slt, %select_n3A_266, %lt3A_272 : i32
          %ne3A_274 = arith.xori %lt3A_271, %lt3A_273 : i1
          %and3A_275 = arith.andi %ne3A_274, %ne3A_269 : i1
          %add3A_276 = arith.addi %rem3A_267, %select_n3A_266 : i32
          %select_n3A_277 = arith.select %and3A_275, %add3A_276, %rem3A_267 : i32
          %mul3A_278 = arith.constant 16 : i32
          %mul3A_279 = arith.muli %select_n3A_261, %mul3A_278 : i32
          %dma_start3A_280 = arith.constant 3 : i32
          %dma_start3A_281 = arith.constant 0 : i32
          %dma_start3A_282 = arith.constant 0 : i32
          %dma_start3A_283 = tpu.memref_slice %arg8[%dma_start3A_280, %dma_start3A_281, %dma_start3A_282] : memref<4x16x768xf32, #tpu.memory_space<vmem>> -> memref<1x16x768xf32, #tpu.memory_space<vmem>>
          %dma_start3A_284 = tpu.memref_squeeze %dma_start3A_283 : memref<1x16x768xf32, #tpu.memory_space<vmem>> -> memref<16x768xf32, #tpu.memory_space<vmem>>
          %dma_start3A_285 = tpu.memref_slice %arg6[%select_n3A_277, %mul3A_279] : memref<4x256xi32, #tpu.memory_space<vmem>> -> memref<1x16xi32, #tpu.memory_space<vmem>>
          %dma_start3A_286 = tpu.memref_squeeze %dma_start3A_285 : memref<1x16xi32, #tpu.memory_space<vmem>> -> memref<16xi32, #tpu.memory_space<vmem>>
          %dma_start3A_287 = arith.constant 0 : i32
          %dma_start3A_288 = arith.constant 0 : i32
          %dma_start3A_289 = tpu.memref_slice %arg3[%dma_start3A_287, %dma_start3A_288] : memref<100000x768xf32, #tpu.memory_space<hbm>> -> memref<100000x768xf32, #tpu.memory_space<hbm>>
          tpu.enqueue_indirect_dma source(%dma_start3A_289 : memref<100000x768xf32, #tpu.memory_space<hbm>>) target(%dma_start3A_284 : memref<16x768xf32, #tpu.memory_space<vmem>>) offsets(%dma_start3A_286 : memref<16xi32, #tpu.memory_space<vmem>>) semaphore(%arg13 : memref<!tpu.dma_semaphore, #tpu.memory_space<semaphore_mem>>)
        } else {
        }
      } else {
      }
    }
    %scan3A_66 = arith.constant 64 : i32
    %dma_wait3A = arith.constant 3 : i32
    %dma_wait3A_67 = arith.constant 0 : i32
    %dma_wait3A_68 = arith.constant 0 : i32
    %dma_wait3A_69 = tpu.memref_slice %arg8[%dma_wait3A, %dma_wait3A_67, %dma_wait3A_68] : memref<4x16x768xf32, #tpu.memory_space<vmem>> -> memref<1x16x768xf32, #tpu.memory_space<vmem>>
    %dma_wait3A_70 = tpu.memref_squeeze %dma_wait3A_69 : memref<1x16x768xf32, #tpu.memory_space<vmem>> -> memref<16x768xf32, #tpu.memory_space<vmem>>
    %dma_wait3A_71 = arith.constant 0 : i32
    %dma_wait3A_72 = arith.constant 0 : i32
    %dma_wait3A_73 = tpu.memref_slice %arg5[%dma_wait3A_71, %dma_wait3A_72] : memref<32768x768xf32, #tpu.memory_space<hbm>> -> memref<16x768xf32, #tpu.memory_space<hbm>>
    %dma_wait3A_74 = arith.constant 0 : i32
    %dma_wait3A_75 = arith.constant 0 : i32
    %dma_wait3A_76 = tpu.memref_slice %arg5[%dma_wait3A_74, %dma_wait3A_75] : memref<32768x768xf32, #tpu.memory_space<hbm>> -> memref<16x768xf32, #tpu.memory_space<hbm>>
    %dma_wait3A_77 = arith.constant 0 : i32
    %dma_wait3A_78 = arith.constant 0 : i32
    %dma_wait3A_79 = tpu.memref_slice %arg8[%dma_wait3A, %dma_wait3A_77, %dma_wait3A_78] : memref<4x16x768xf32, #tpu.memory_space<vmem>> -> memref<1x16x768xf32, #tpu.memory_space<vmem>>
    %dma_wait3A_80 = tpu.memref_squeeze %dma_wait3A_79 : memref<1x16x768xf32, #tpu.memory_space<vmem>> -> memref<16x768xf32, #tpu.memory_space<vmem>>
    tpu.wait_dma2 semaphore(%arg17 : memref<!tpu.dma_semaphore, #tpu.memory_space<semaphore_mem>>) src(%dma_wait3A_80 : memref<16x768xf32, #tpu.memory_space<vmem>>) dst(%dma_wait3A_76 : memref<16x768xf32, #tpu.memory_space<hbm>>)
    return
  }
}

</mosaic_0001>

<sc_bundles>
// kernel: kernel.3.cloned.1.call-start
scs
__scs_entry_jumppad:
0x0: {  	(pc) =	sbr.rel $0x88, $3  }
0x1: {  	(tag) =	ssettag $0x0;
	lr =	simm.s32 $0x1  }
0x2: {  	[smem:$0x3F9F] =	sst lr;
	_ =	strace $0xD0000000  }
0x3: {  	_ = 	snop  }
0x4: {  	_ = 	snop  }
0x5: {  	_ = 	snop  }
0x6: {  	_ = 	snop  }
0x7: {  	_ = 	snop  }
__scs_overlays_trampoline_lowered:
0x8: {  	[smem:$0x3FAE] =	sst s0  }
0x9: {  	[smem:$0x3FAF] =	sst s1  }
0xa: {  	[smem:$0x3FB0] =	sst s2  }
0xb: {  	[smem:$0x3FB1] =	sst s3  }
0xc: {  	[smem:$0x3FB2] =	sst s4  }
0xd: {  	[smem:$0x3FB3] =	sst s5  }
0xe: {  	[smem:$0x3FB4] =	sst s6  }
0xf: {  	[smem:$0x3FB5] =	sst s7  }
0x10: {  	[smem:$0x3FB6] =	sst s8  }
0x11: {  	[smem:$0x3FB7] =	sst s9;
	s0 =	simm.s32 @!p0 $0x0  }
0x12: {  	s1 =	sld [smem:$0x3F9D];
	s0 =	simm.s32 @p0 $0x1  }
0x13: {  	[smem:$0x3FB8] =	sst s0;
	s0 =	simm.s32 @!p1 $0x0  }
0x14: {  	s2 =	sld [smem:$0x3F9C];
	s0 =	simm.s32 @p1 $0x1  }
0x15: {  	[smem:$0x3FB9] =	sst s0;
	s0 =	simm.s32 @!p2 $0x0  }
0x16: {  	s3 =	sld [smem:$0x3FDB];
	s0 =	simm.s32 @p2 $0x1  }
0x17: {  	s4 =	simm.s32 $0x1BF5;
	[smem:$0x3FBB] =	sst s0  }
0x18: {  	s0 =	sld [smem:$0x3F9E];
	_ =	swait.ge [sflag:s4], $0x0  }
0x19: {  	s7 =	sld [smem:$0x3F9F]  }
0x1a: {  	s8 =	sadd.s32 $0xFFFFE003, lr  }
0x1b: {  	s9 =	sadd.s32 $0xFFFFFEF7, lr;
	s5 =	simm.s32 $0xFFFFFFFF;
	p2 =	slt.u32 s8, $0xFFFFF086  }
0x1c: {  	p1 =	slt.u32 s9, $0xF7A;
	s5 =	simm.s32 @!p2 $0x0  }
0x1d: {  	s5 =	simm.s32 @p1 $0x1;
	p0 =	seq.s32 s7, s2  }
0x1e: {  	s7 =	smul.u32 @!p0 $0xF7A, s2;
	p2 =	seq.s32 @!p0 s5, $0x0  }
0x1f: {  	s9 =	smul.u32 $0xF7A, s1;
	s8 =	simm.s32 @!p0 $0x1BF5;
	p2 =	por !p2, p0  }
0x20: {  	[sflag:s8] =	ssyncset.s32 @!p0 $0xFFFFF086;
	s6 =	sadd.s32 @!p0 s3, s7;
	s7 =	simm.s32 @!p0 $0x108  }
0x21: {  	s3 =	sadd.s32 s3, s9;
	s6 =	sadd.s32 @!p0 $0x88, s6;
	s7 =	simm.s32 @p2 $0x1082  }
0x22: {  	[simem:s7], [sflag:s8] =	dma.local @!p0 [hbm:s6], $0xF7A  }
0x23: {  	s9 =	sor.u32 $0xD0000000, s2;
	s6 =	simm.s32 $0x108;
	_ =	swait.ge @!p0 [sflag:s8], $0x0  }
0x24: {  	s3 =	sadd.s32 $0x88, s3;
	s6 =	simm.s32 @!p1 $0x1082;
	[sflag:s4] =	ssyncset.s32 $0xFFFFF086  }
0x25: {  	[simem:s6], [sflag:s4] =	dma.local [hbm:s3], $0xF7A  }
0x26: {  	[smem:$0x3F9F] =	sst s1;
	(tag) =	ssettag s2;
	_ =	strace s9  }
0x27: {  	s1 =	sld [smem:$0x3FAF]  }
0x28: {  	s2 =	sld [smem:$0x3FB0]  }
0x29: {  	s4 =	sld [smem:$0x3FB2]  }
0x2a: {  	p0 =	seq.s32 s5, $0x0;
	s5 =	sld [smem:$0x3FB3]  }
0x2b: {  	s6 =	sld [smem:$0x3FB4]  }
0x2c: {  	s7 =	sld [smem:$0x3FB5]  }
0x2d: {  	s3 =	simm.s32 $0x108;
	s8 =	sld [smem:$0x3FB6]  }
0x2e: {  	s3 =	simm.s32 @!p0 $0x1082;
	s9 =	sld [smem:$0x3FB7]  }
0x2f: {  	lr =	sadd.s32 s0, s3;
	s0 =	sld [smem:$0x3FAE]  }
0x30: {  	s3 =	sld [smem:$0x3FB1]  }
0x31: {  	[smem:$0x3FBA] =	sst s10  }
0x32: {  	s10 =	sld [smem:$0x3FB8];
	_ =	sdelay $0x3  }
0x33: {  	p0 =	seq.s32 s10, $0x1;
	s10 =	sld [smem:$0x3FBA];
	_ =	sdelay $0x3  }
0x34: {  	[smem:$0x3FBA] =	sst s10  }
0x35: {  	s10 =	sld [smem:$0x3FB9];
	_ =	sdelay $0x3  }
0x36: {  	p1 =	seq.s32 s10, $0x1;
	s10 =	sld [smem:$0x3FBA];
	_ =	sdelay $0x3  }
0x37: {  	[smem:$0x3FBA] =	sst s10  }
0x38: {  	s10 =	sld [smem:$0x3FBB]  }
0x39: {  	_ = 	snop;
	(pc) =	sbr.ind lr, $3  }
0x3a: {  	_ = 	snop  }
0x3b: {  	_ = 	snop  }
0x3c: {  	p2 =	seq.s32 s10, $0x1;
	s10 =	sld [smem:$0x3FBA]  }
0x3d: {  	_ =	shalt  }
0x3e: {  	_ =	shalt  }
0x3f: {  	_ =	shalt  }
0x40: {  	_ =	shalt  }
0x41: {  	_ =	shalt  }
0x42: {  	_ =	shalt  }
0x43: {  	_ =	shalt  }
0x44: {  	_ =	shalt  }
0x45: {  	_ =	shalt  }
0x46: {  	_ =	shalt  }
0x47: {  	_ =	shalt  }
0x48: {  	_ =	shalt  }
0x49: {  	_ =	shalt  }
0x4a: {  	_ =	shalt  }
0x4b: {  	_ =	shalt  }
0x4c: {  	_ =	shalt  }
0x4d: {  	_ =	shalt  }
0x4e: {  	_ =	shalt  }
0x4f: {  	_ =	shalt  }
0x50: {  	_ =	shalt  }
0x51: {  	_ =	shalt  }
0x52: {  	_ =	shalt  }
0x53: {  	_ =	shalt  }
0x54: {  	_ =	shalt  }
0x55: {  	_ =	shalt  }
0x56: {  	_ =	shalt  }
0x57: {  	_ =	shalt  }
0x58: {  	_ =	shalt  }
0x59: {  	_ =	shalt  }
0x5a: {  	_ =	shalt  }
0x5b: {  	_ =	shalt  }
0x5c: {  	_ =	shalt  }
0x5d: {  	_ =	shalt  }
0x5e: {  	_ =	shalt  }
0x5f: {  	_ =	shalt  }
0x60: {  	_ =	shalt  }
0x61: {  	_ =	shalt  }
0x62: {  	_ =	shalt  }
0x63: {  	_ =	shalt  }
0x64: {  	_ =	shalt  }
0x65: {  	_ =	shalt  }
0x66: {  	_ =	shalt  }
0x67: {  	_ =	shalt  }
0x68: {  	_ =	shalt  }
0x69: {  	_ =	shalt  }
0x6a: {  	_ =	shalt  }
0x6b: {  	_ =	shalt  }
0x6c: {  	_ =	shalt  }
0x6d: {  	_ =	shalt  }
0x6e: {  	_ =	shalt  }
0x6f: {  	_ =	shalt  }
0x70: {  	_ =	shalt  }
0x71: {  	_ =	shalt  }
0x72: {  	_ =	shalt  }
0x73: {  	_ =	shalt  }
0x74: {  	_ =	shalt  }
0x75: {  	_ =	shalt  }
0x76: {  	_ =	shalt  }
0x77: {  	_ =	shalt  }
0x78: {  	_ =	shalt  }
0x79: {  	_ =	shalt  }
0x7a: {  	_ =	shalt  }
0x7b: {  	_ =	shalt  }
0x7c: {  	_ =	shalt  }
0x7d: {  	_ =	shalt  }
0x7e: {  	_ =	shalt  }
0x7f: {  	_ =	shalt  }
0x80: {  	_ =	shalt  }
0x81: {  	_ =	shalt  }
0x82: {  	_ =	shalt  }
0x83: {  	_ =	shalt  }
0x84: {  	_ =	shalt  }
0x85: {  	_ =	shalt  }
0x86: {  	_ =	shalt  }
0x87: {  	_ =	shalt  }
.Lfunc_end0:
.L_simem_size_0:
called_computation_lowered:
.L_overlay_start_0:
0x88: {  	s2 =	sld [smem:$0x3FD9]  }
0x89: {  	s3 =	sld [smem:$0x3FFE];
	_ =	sdelay $0x1  }
0x8a: {  	s1 =	srdreg.scid  }
0x8b: {  	s0 =	sand.u32 $0x1, s1  }
0x8c: {  	s17 =	sshll.u32 s0, $0xA;
	s2 =	sadd.s32 s3, s2  }
0x8d: {  	s2 =	sadd.s32 s2, s17  }
0x8e: {  	[smem:$0x3FC6] =	sst s2  }
0x8f: {  	_ = 	snop  }
0x90: {  	s2 =	sld [smem:$0x3FC8]  }
0x91: {  	s18 =	sld [smem:$0x3FD0];
	(tm) =	ssettm $0x1  }
0x92: {  	s4 =	sld [smem:$0x3FFB];
	_ =	sdelay $0x3  }
0x93: {  	_ =	strace s4  }
0x94: {  	s4 =	sld [smem:$0x3FFC];
	_ =	sdelay $0x3  }
0x95: {  	_ =	strace s4  }
0x96: {  	s4 =	sld [smem:$0x3FFD];
	_ =	sdelay $0x3  }
0x97: {  	_ =	strace s4  }
0x98: {  	_ =	strace $0x8FFFFFFF  }
0x99: {  	s19 =	sld [smem:$0x3FDB];
	_ =	sdelay $0x1  }
0x9a: {  	s5 =	simm.s32 $_scs_section_size  }
0x9b: {  	s6 =	simm.s32 $_size__tile_overlayer_lowered;
	s7 =	simm.s32 $_tile_overlayer_lowered  }
0x9c: {  	s22 =	simm.s32 $0x1BFF;
	s21 =	sshll.u32 s7, $0x1;
	s4 =	sadd.s32 s5, s19  }
0x9d: {  	s8 =	simm.s32 $0x0;
	s20 =	sshll.u32 s6, $0x1;
	s6 =	sadd.s32 s21, s4  }
0x9e: {  	[timem:s8], [sflag:s22] =	dma.local [hbm:s6], s20  }
0x9f: {  	_ =	swait.ge [sflag:s22], s20  }
0xa0: {  	s5 =	ssub.s32 $0x0, s20;
	[sflag:s22] =	ssyncset.done $0x0  }
0xa1: {  	[sflag:s22] =	ssyncadd.s32 s5;
	_ =	sdelay $0x1  }
0xa2: {  	s23 =	simm.s32 $0x1B8B  }
0xa3: {  	_ =	swait.ge [sflag:s23], $0x1  }
0xa4: {  	[sflag:s23] =	ssyncset.done $0x0  }
0xa5: {  	s25 =	simm.s32 $0x1B8E;
	s24 =	sld [smem:$0x3FFE];
	[sflag:s23] =	ssyncadd.s32 $0xFFFFFFFF  }
0xa6: {  	s26 =	simm.s32 $execute0_lowered;
	[smem:$0x3FD2] =	sst s25  }
0xa7: {  	s6 =	sshll.u32 s26, $0x1;
	_ =	strace $0x80000046;
	[dreg:$0x1] =	wrdreg $0xFFFFFFFF  }
0xa8: {  	s28 =	simm.s32 $_size_execute0_lowered;
	s4 =	sadd.s32 s4, s6;
	[dreg:$0x0] =	wrdreg $0x0  }
0xa9: {  	s6 =	sshll.u32 s28, $0x1;
	[dreg:$0x2] =	wrdreg s4  }
0xaa: {  	[dreg:$0x3] =	wrdreg s6  }
0xab: {  	[dreg:$0x4] =	wrdreg $0xC0  }
0xac: {  	_ =	task [dreg:s8], $0x5FFFF  }
0xad: {  	[dreg:$0x1] =	wrdreg $0xFFFFFFFF  }
0xae: {  	[dreg:$0x0] =	wrdreg $0x60  }
0xaf: {  	[dreg:$0x2] =	wrdreg s24  }
0xb0: {  	[dreg:$0x3] =	wrdreg s2  }
0xb1: {  	[dreg:$0x4] =	wrdreg s18  }
0xb2: {  	[dreg:$0x5] =	wrdreg $0x9  }
0xb3: {  	_ =	task.clear_ibuf [dreg:s8], $0x6FFFF;
	_ =	strace $0x90000046  }
0xb4: {  	s29 =	simm.s32 $0x9;
	_ =	strace $0x80000048  }
0xb5: {  	_ =	swait.ge [sflag:s29], $0x1  }
0xb6: {  	[sflag:s29] =	ssyncadd.s32 $0xFFFFFFFF  }
0xb7: {  	_ =	strace $0x90000048  }
0xb8: {  	_ =	sfence  }
0xb9: {  	s30 =	sld [smem:$0x0];
	_ =	sdelay $0x2  }
0xba: {  	s31 =	sshll.u32 s1, $0xD;
	s1 =	sshrl.u32 s1, $0x2  }
0xbb: {  	s3 =	sand.u32 $0x4000, s31;
	s1 =	sadd.s32 s1, s30  }
0xbc: {  	s0 =	sor.u32 s3, s0;
	s1 =	sshll.u32 s1, $0x11  }
0xbd: {  	s0 =	sor.u32 s1, s0  }
0xbe: {  	s0 =	sadd.s32 $0x8F2B, s0  }
0xbf: {  	[sflag:s0] =	ssyncadd.remote.s32 $0x1  }
0xc0: {  	_ =	sfence.sel $0xFFFF  }
0xc1: {  	[dreg:$0x0] =	wrdreg $0xFFFFFFFF;
	(pc) =	sbr.abs _section_cstart, $3  }
0xc2: {  	[dreg:$0x1] =	wrdreg $0xFFFFFFFF  }
0xc3: {  	_ =	task.clear_ibuf [dreg:s8], $0x2FFFF;
	_ =	strace $0x9FFFFFFF  }
0xc4: {  	(tm) =	ssettm $0x7FFFFFFF  }
0xc5: {  	_ =	shalt  }
tec
execute0_lowered:
.L_overlay_start_1:
0x0: {  	(tag) =	ssettag $0x1  }
0x1: {  	s0 =	rddreg [dreg:$0x0]  }
0x2: {  	s2 =	rddreg [dreg:$0x1]  }
0x3: {  	s3 =	rddreg [dreg:$0x2]  }
0x4: {  	s1 =	srdreg.scid;
	s5 =	stileid.u32  }
0x5: {  	s4 =	simm.s32 $0x0;
	s18 =	simm.s32 $0xA;
	s28 =	simm.s32 $0x6400  }
0x6: {  	s17 =	simm.s32 $0x2;
	s1 =	sand.u32 $0x1, s1;
	s5 =	sshll.u32 s5, $0x1  }
0x7: {  	s19 =	simm.s32 $0x1;
	s22 =	simm.s32 $0x0;
	s7 =	sor.u32 s1, s5  }
0x8: {  	[smem:$0x7FF] =	sst s4;
	s1 =	ssub.s32 $0x2, s1;
	s5 =	sshll.u32 s7, $0x5  }
0x9: {  	s12 =	sadd.s32 $0x100, s2;
	s23 =	sshrl.u32 s1, $0x1;
	s8 =	sadd.s32 s5, s0  }
0xa: {  	s5 =	sadd.s32 $0x1400, s0;
	s0 =	ssub.s32 s1, s23;
	s25 =	sadd.s32 $0x400, s8  }
0xb: {  	_ =	strace $0x80000047;
	s0 =	smax.u32 s0, $0x1;
	[dreg:$0x4] =	wrdreg s25  }
0xc: {  	s13 =	sadd.s32 $0x200, s2;
	s29 =	sadd.s32 $0x410, s8;
	[dreg:$0x7] =	wrdreg s0  }
.Ltmp0:
0xd: {  	s26 =	sadd.s32 $0x800, s8;
	[dreg:$0x8] =	wrdreg s29;
	(pc) =	sbr.rel .LBB2_1-.Ltmp0, $4  }
0xe: {  	s6 =	sshll.u32 s7, $0x8;
	s9 =	sadd.s32 $0xC00, s8;
	[dreg:$0x5] =	wrdreg s26  }
0xf: {  	v2 =	vlaneseq.u32;
	s24 =	smul.u32 $0x6000, s7;
	s30 =	sadd.s32 $0x10, s26;
	[dreg:$0x6] =	wrdreg s9  }
0x10: {  	vm0 =	vmmov $0xffff;
	v1 =	vshrl.u32 v2, $0x3;
	s14 =	sor.u32 $0x10, s6;
	s31 =	sadd.s32 $0x10, s9;
	[dreg:$0x9] =	wrdreg s30  }
0x11: {  	v0 =	vand.u32 $0x7, v2;
	v2 =	vor.u32 $0x8, v2;
	v1 =	vmul.u32 $0x8, v1;
	s10 =	sadd.s32 $0x1000, s8;
	s11 =	sadd.s32 s5, s24;
	[dreg:$0xa] =	wrdreg s31  }
.LBB2_28:
0x12: {  	s1 =	simm.s32 $0x9  }
0x13: {  	_ =	swait.ge [sflag:s1], $0x3000  }
0x14: {  	s22 =	sadd.s32 $0x1, s22;
	s0 =	rddreg [dreg:$0x7]  }
0x15: {  	p0 =	sne.s32 s22, s0  }
.Ltmp1:
0x16: {  	_ = 	snop;
	(pc) =	sbr.rel @!p0 .LBB2_29-.Ltmp1, $3  }
0x17: {  	_ =	sdelay $0x1  }
0x18: {  	[sflag:s1] =	ssyncset.done $0x0  }
0x19: {  	[sflag:s1] =	ssyncadd.s32 $0xFFFFD000  }
.LBB2_1:
0x1a: {  	s0 =	rddreg [dreg:$0x4]  }
0x1b: {  	[tilespmem:s4], [sflag:$0xA] =	stream.linear.gather [hbm4b:s0+s4], $0x80, $0x38;
	[tilespmem:$0x12400] =	vst v63  }
0x1c: {  	s9 =	rddreg [dreg:$0x8];
	s1 =	simm.s32 $0x200  }
0x1d: {  	[tilespmem:s1], [sflag:$0xA] =	stream.linear.gather [hbm4b:s9+s4], $0x80, $0x38;
	[tilespmem:$0x12400] =	vst v63  }
0x1e: {  	_ =	swait.ge [sflag:s18], $0x100  }
0x1f: {  	[sflag:s18] =	ssyncset.done $0x0  }
0x20: {  	s16 =	simm.s32 $0x80;
	s15 =	rddreg [dreg:$0x5];
	[sflag:s18] =	ssyncadd.s32 $0xFFFFFF00  }
0x21: {  	[tilespmem:s16], [sflag:$0xA] =	stream.linear.gather [hbm4b:s15+s4], $0x80, $0x38;
	[tilespmem:$0x12400] =	vst v63  }
0x22: {  	s21 =	simm.s32 $0x280;
	s20 =	rddreg [dreg:$0x9]  }
0x23: {  	[tilespmem:s21], [sflag:$0xA] =	stream.linear.gather [hbm4b:s20+s4], $0x80, $0x38;
	[tilespmem:$0x12400] =	vst v63  }
0x24: {  	_ =	swait.ge [sflag:s18], $0x100  }
0x25: {  	[sflag:s18] =	ssyncset.done $0x0  }
0x26: {  	s24 =	simm.s32 $0x100;
	s23 =	rddreg [dreg:$0x6];
	[sflag:s18] =	ssyncadd.s32 $0xFFFFFF00  }
0x27: {  	[tilespmem:s24], [sflag:$0xA] =	stream.linear.gather [hbm4b:s23+s4], $0x80, $0x38;
	[tilespmem:$0x12400] =	vst v63  }
0x28: {  	s26 =	simm.s32 $0x300;
	s25 =	rddreg [dreg:$0xa]  }
0x29: {  	[tilespmem:s26], [sflag:$0xA] =	stream.linear.gather [hbm4b:s25+s4], $0x80, $0x38;
	[tilespmem:$0x12400] =	vst v63  }
0x2a: {  	_ =	swait.ge [sflag:s18], $0x100  }
0x2b: {  	[sflag:s18] =	ssyncset.done $0x0  }
0x2c: {  	s29 =	simm.s32 $0x180;
	[sflag:s18] =	ssyncadd.s32 $0xFFFFFF00  }
0x2d: {  	[tilespmem:s29], [sflag:$0xA] =	stream.linear.gather [hbm4b:s10+s4], $0x80, $0x38;
	[tilespmem:$0x12400] =	vst v63  }
0x2e: {  	s30 =	sadd.s32 $0x10, s10;
	s31 =	simm.s32 $0x380  }
0x2f: {  	[tilespmem:s31], [sflag:$0xA] =	stream.linear.gather [hbm4b:s30+s4], $0x80, $0x38;
	[tilespmem:$0x12400] =	vst v63  }
0x30: {  	_ =	swait.ge [sflag:s18], $0x100  }
0x31: {  	s8 =	sadd.s32 $0x0, s11;
	s7 =	simm.s32 $0x500;
	[sflag:s18] =	ssyncset.done $0x0  }
0x32: {  	s0 =	simm.s32 $0x400;
	s1 =	simm.s32 $0x10;
	[sflag:s18] =	ssyncadd.s32 $0xFFFFFF00  }
.LBB2_2:
0x33: {  	[tilespmem:s0], [sflag:$0x1] =	stream.linear.gather [hbm4b:s8+s4], $0x80, $0x38;
	[tilespmem:$0x12400] =	vst v63  }
0x34: {  	s8 =	smov.u32 s1;
	s0 =	smov.u32 s7;
	p0 =	sne.s32 s1, $0x5F0  }
.Ltmp2:
0x35: {  	s1 =	sadd.s32 $0x10, s1;
	(pc) =	sbr.rel @p0 .LBB2_2-.Ltmp2, $2  }
0x36: {  	_ =	sdelay $0x2  }
0x37: {  	s7 =	sadd.s32 $0x100, s7;
	s8 =	sadd.s32 s8, s11  }
0x38: {  	[tilespmem:s0], [sflag:$0x1] =	stream.linear.gather [hbm4b:s8+s4], $0x80, $0x38;
	[tilespmem:$0x12400] =	vst v63  }
0x39: {  	v3 =	vld [tilespmem:$0x0];
	_ =	sdelay $0x4  }
0x3a: {  	v4 =	vshrl.u32 v3, $0x3  }
0x3b: {  	v4 =	vmul.u32 $0x30, v4  }
0x3c: {  	v3 =	vand.u32 $0x7, v3  }
0x3d: {  	v3 =	vor.u32 v3, v4  }
0x3e: {  	v4 =	vperm.xlane v3, v0;
	_ =	sdelay $0x1  }
0x3f: {  	v4 =	vadd.s32 v1, v4;
	_ =	sdelay $0x3  }
0x40: {  	s24 =	simm.s32 $0x0;
	v3 =	vperm.xlane v3, v2  }
0x41: {  	[tilespmem:s28], [sflag:$0x2] =	stream.indirect_vreg.gather [hbm4b:s2+s24], $0x80, v4, vm0, $0xb8;
	[tilespmem:$0x12400] =	vst v63  }
0x42: {  	s29 =	simm.s32 $0x6C00;
	v3 =	vadd.s32 v1, v3  }
0x43: {  	[tilespmem:s29], [sflag:$0x2] =	stream.indirect_vreg.gather [hbm4b:s12+s24], $0x80, v4, vm0, $0xb8;
	[tilespmem:$0x12400] =	vst v63  }
0x44: {  	s30 =	simm.s32 $0x7400  }
0x45: {  	[tilespmem:s30], [sflag:$0x2] =	stream.indirect_vreg.gather [hbm4b:s13+s24], $0x80, v4, vm0, $0xb8;
	[tilespmem:$0x12400] =	vst v63  }
0x46: {  	s31 =	simm.s32 $0x7C00  }
0x47: {  	[tilespmem:s31], [sflag:$0x2] =	stream.indirect_vreg.gather [hbm4b:s2+s24], $0x80, v3, vm0, $0xb8;
	[tilespmem:$0x12400] =	vst v63  }
0x48: {  	s1 =	simm.s32 $0x8400  }
0x49: {  	[tilespmem:s1], [sflag:$0x2] =	stream.indirect_vreg.gather [hbm4b:s12+s24], $0x80, v3, vm0, $0xb8;
	[tilespmem:$0x12400] =	vst v63  }
0x4a: {  	s7 =	simm.s32 $0x8C00  }
0x4b: {  	[tilespmem:s7], [sflag:$0x2] =	stream.indirect_vreg.gather [hbm4b:s13+s24], $0x80, v3, vm0, $0xb8;
	[tilespmem:$0x12400] =	vst v63  }
0x4c: {  	v3 =	vld [tilespmem:$0x80];
	_ =	sdelay $0x4  }
0x4d: {  	v62 =	vshrl.u32 v3, $0x3  }
0x4e: {  	v4 =	vmul.u32 $0x30, v62  }
0x4f: {  	v3 =	vand.u32 $0x7, v3  }
0x50: {  	v3 =	vor.u32 v3, v4  }
0x51: {  	v4 =	vperm.xlane v3, v0;
	_ =	sdelay $0x1  }
0x52: {  	v4 =	vadd.s32 v1, v4;
	_ =	sdelay $0x3  }
0x53: {  	s8 =	simm.s32 $0x9400;
	v3 =	vperm.xlane v3, v2  }
0x54: {  	[tilespmem:s8], [sflag:$0x3] =	stream.indirect_vreg.gather [hbm4b:s2+s24], $0x80, v4, vm0, $0xb8;
	[tilespmem:$0x12400] =	vst v63  }
0x55: {  	s9 =	simm.s32 $0x9C00;
	v3 =	vadd.s32 v1, v3  }
0x56: {  	[tilespmem:s9], [sflag:$0x3] =	stream.indirect_vreg.gather [hbm4b:s12+s24], $0x80, v4, vm0, $0xb8;
	[tilespmem:$0x12400] =	vst v63  }
0x57: {  	s15 =	simm.s32 $0xA400  }
0x58: {  	[tilespmem:s15], [sflag:$0x3] =	stream.indirect_vreg.gather [hbm4b:s13+s24], $0x80, v4, vm0, $0xb8;
	[tilespmem:$0x12400] =	vst v63  }
0x59: {  	s16 =	simm.s32 $0xAC00  }
0x5a: {  	[tilespmem:s16], [sflag:$0x3] =	stream.indirect_vreg.gather [hbm4b:s2+s24], $0x80, v3, vm0, $0xb8;
	[tilespmem:$0x12400] =	vst v63  }
0x5b: {  	s20 =	simm.s32 $0xB400  }
0x5c: {  	[tilespmem:s20], [sflag:$0x3] =	stream.indirect_vreg.gather [hbm4b:s12+s24], $0x80, v3, vm0, $0xb8;
	[tilespmem:$0x12400] =	vst v63  }
0x5d: {  	s21 =	simm.s32 $0xBC00  }
0x5e: {  	[tilespmem:s21], [sflag:$0x3] =	stream.indirect_vreg.gather [hbm4b:s13+s24], $0x80, v3, vm0, $0xb8;
	[tilespmem:$0x12400] =	vst v63  }
0x5f: {  	v3 =	vld [tilespmem:$0x100];
	_ =	sdelay $0x4  }
0x60: {  	v63 =	vshrl.u32 v3, $0x3  }
0x61: {  	v4 =	vmul.u32 $0x30, v63  }
0x62: {  	v3 =	vand.u32 $0x7, v3  }
0x63: {  	v3 =	vor.u32 v3, v4  }
0x64: {  	v4 =	vperm.xlane v3, v0;
	_ =	sdelay $0x1  }
0x65: {  	v4 =	vadd.s32 v1, v4;
	_ =	sdelay $0x3  }
0x66: {  	s23 =	simm.s32 $0xC400;
	v3 =	vperm.xlane v3, v2  }
0x67: {  	[tilespmem:s23], [sflag:$0x4] =	stream.indirect_vreg.gather [hbm4b:s2+s24], $0x80, v4, vm0, $0xb8;
	[tilespmem:$0x12400] =	vst v63  }
0x68: {  	s25 =	simm.s32 $0xCC00;
	v3 =	vadd.s32 v1, v3  }
0x69: {  	[tilespmem:s25], [sflag:$0x4] =	stream.indirect_vreg.gather [hbm4b:s12+s24], $0x80, v4, vm0, $0xb8;
	[tilespmem:$0x12400] =	vst v63  }
0x6a: {  	s26 =	simm.s32 $0xD400  }
0x6b: {  	[tilespmem:s26], [sflag:$0x4] =	stream.indirect_vreg.gather [hbm4b:s13+s24], $0x80, v4, vm0, $0xb8;
	[tilespmem:$0x12400] =	vst v63  }
0x6c: {  	s29 =	simm.s32 $0xDC00  }
0x6d: {  	[tilespmem:s29], [sflag:$0x4] =	stream.indirect_vreg.gather [hbm4b:s2+s24], $0x80, v3, vm0, $0xb8;
	[tilespmem:$0x12400] =	vst v63  }
.Ltmp3:
0x6e: {  	_ = 	snop;
	(pc) =	sbr.rel .LBB2_4-.Ltmp3, $4  }
0x6f: {  	s30 =	simm.s32 $0xE400  }
0x70: {  	[tilespmem:s30], [sflag:$0x4] =	stream.indirect_vreg.gather [hbm4b:s12+s24], $0x80, v3, vm0, $0xb8;
	[tilespmem:$0x12400] =	vst v63  }
0x71: {  	s31 =	simm.s32 $0xEC00  }
0x72: {  	[tilespmem:s31], [sflag:$0x4] =	stream.indirect_vreg.gather [hbm4b:s13+s24], $0x80, v3, vm0, $0xb8;
	[tilespmem:$0x12400] =	vst v63  }
.LBB2_27:
0x73: {  	s24 =	sadd.s32 $0x1, s24  }
0x74: {  	p0 =	sne.s32 s24, $0x40  }
.Ltmp4:
0x75: {  	_ = 	snop;
	(pc) =	sbr.rel @!p0 .LBB2_28-.Ltmp4, $1  }
0x76: {  	_ =	sdelay $0x3  }
.LBB2_4:
0x77: {  	s26 =	sand.u32 $0x3, s24  }
0x78: {  	p0 =	sgt.s32 s26, $0x1  }
.Ltmp5:
0x79: {  	_ = 	snop;
	(pc) =	sbr.rel @p0 .LBB2_18-.Ltmp5, $3  }
0x7a: {  	_ =	sdelay $0x1  }
0x7b: {  	s25 =	sshrl.u32 s24, $0x2  }
0x7c: {  	s0 =	sand.u32 $0x1, s25  }
0x7d: {  	p0 =	seq.s32 s26, $0x0  }
.Ltmp6:
0x7e: {  	_ = 	snop;
	(pc) =	sbr.rel @!p0 .LBB2_6-.Ltmp6, $1  }
0x7f: {  	_ =	sdelay $0x3  }
0x80: {  	_ =	swait.ge [sflag:s17], $0x3000;
	p0 =	sne.s32 s0, $0x0  }
.Ltmp7:
0x81: {  	[sflag:s17] =	ssyncset.done $0x0;
	(pc) =	sbr.rel @p0 .LBB2_10-.Ltmp7, $4  }
0x82: {  	[sflag:s17] =	ssyncadd.s32 $0xFFFFD000  }
0x83: {  	_ =	swait.ge [sflag:s19], $0x3000  }
0x84: {  	[sflag:s19] =	ssyncset.done $0x0  }
0x85: {  	p1 =	slt.u32 s24, $0x3C;
	[sflag:s19] =	ssyncadd.s32 $0xFFFFD000  }
.Ltmp8:
0x86: {  	(pc) =	sbr.rel @!p1 .LBB2_9-.Ltmp8, $2  }
0x87: {  	_ =	sdelay $0x2  }
0x88: {  	p0 =	por $0x0, $0x0  }
0x89: {  	s1 =	sshll.u32 s25, $0x4  }
0x8a: {  	s1 =	sor.u32 s14, s1  }
0x8b: {  	s1 =	smul.u32 $0x60, s1;
	_ =	sdelay $0x1  }
0x8c: {  	s7 =	simm.s32 $0x480;
	s1 =	sadd.s32 s5, s1  }
0x8d: {  	s8 =	simm.s32 $0x10;
	s9 =	simm.s32 $0x580;
	s15 =	sadd.s32 $0x0, s1  }
.LBB2_13:
0x8e: {  	[tilespmem:s7], [sflag:$0x1] =	stream.linear.gather [hbm4b:s15+s4], $0x80, $0x38;
	[tilespmem:$0x12400] =	vst v63  }
0x8f: {  	s15 =	smov.u32 s8;
	s7 =	smov.u32 s9;
	p1 =	seq.s32 s8, $0x5F0  }
.Ltmp9:
0x90: {  	s8 =	sadd.s32 $0x10, s8;
	(pc) =	sbr.rel @!p1 .LBB2_13-.Ltmp9, $2  }
0x91: {  	_ =	sdelay $0x2  }
0x92: {  	s9 =	sadd.s32 $0x100, s9;
	s15 =	sadd.s32 s15, s1  }
.Ltmp10:
0x93: {  	(pc) =	sbr.rel .LBB2_20-.Ltmp10, $3  }
0x94: {  	_ =	sdelay $0x1  }
0x95: {  	[tilespmem:s7], [sflag:$0x1] =	stream.linear.gather [hbm4b:s15+s4], $0x80, $0x38;
	[tilespmem:$0x12400] =	vst v63  }
0x96: {  	p2 =	por $0x0, $0x0;
	p1 =	por $0x0, $0x0  }
.LBB2_18:
.Ltmp11:
0x97: {  	(pc) =	sbr.rel .LBB2_19-.Ltmp11, $4  }
0x98: {  	p3 =	seq.s32 s26, $0x2;
	p0 =	por $0x1, $0x1  }
0x99: {  	p2 =	por $0x0, $0x0;
	p1 =	por $0x0, $0x0;
	s1 =	simm.s32 @!p3 $0x5  }
0x9a: {  	p4 =	por @!p3 $0x1, $0x1;
	p5 =	por @!p3 $0x0, $0x0;
	s1 =	simm.s32 @p3 $0x4  }
0x9b: {  	p0 =	por @!p3 p5, p5;
	p2 =	por @!p3 p5, p5;
	p1 =	por @!p3 p4, p4  }
.LBB2_6:
0x9c: {  	p2 =	por $0x1, $0x1  }
0x9d: {  	p0 =	por $0x0, $0x0;
	s1 =	simm.s32 $0x3;
	p1 =	por $0x0, $0x0  }
.LBB2_19:
0x9e: {  	_ =	swait.ge [sflag:s1], $0x3000  }
0x9f: {  	[sflag:s1] =	ssyncset.done $0x0  }
0xa0: {  	[sflag:s1] =	ssyncadd.s32 $0xFFFFD000  }
.LBB2_20:
0xa1: {  	s1 =	smul.u32 $0xC000, s26;
	s7 =	simm.s32 $0x0  }
0xa2: {  	s7 =	smul.u32 $0x6000, s7  }
0xa3: {  	s1 =	sshrl.u32 s1, $0x2  }
0xa4: {  	s23 =	simm.s32 $0x0;
	s16 =	sadd.s32 $0x6400, s1;
	s7 =	sshra.s32 s7, $0x2  }
0xa5: {  	s1 =	sand.u32 $0x380, s23;
	s7 =	sadd.s32 s7, s16  }
0xa6: {  	s29 =	sadd.s32 s1, s7  }
0xa7: {  	s0 =	sshll.u32 s0, $0x7;
	v3 =	vld [tilespmem:s29+$0x0]  }
0xa8: {  	s23 =	sor.u32 $0x700, s0  }
0xa9: {  	v4 =	vld [tilespmem:s23+$0xFFFFFD00];
	_ =	sdelay $0x2  }
0xaa: {  	v3 =	vmul.f32 $2.771281240e+01, v3;
	_ =	sdelay $0x1  }
0xab: {  	v3 =	vadd.f32 v4, v3  }
0xac: {  	v4 =	vld [tilespmem:s29+$0x10]  }
0xad: {  	[tilespmem:s29+$0x0] =	vst v3  }
0xae: {  	v3 =	vld [tilespmem:s23+$0xFFFFFD10];
	_ =	sdelay $0x2  }
0xaf: {  	v4 =	vmul.f32 $2.771281240e+01, v4;
	_ =	sdelay $0x1  }
0xb0: {  	v3 =	vadd.f32 v3, v4  }
0xb1: {  	v4 =	vld [tilespmem:s29+$0x20]  }
0xb2: {  	[tilespmem:s29+$0x10] =	vst v3  }
0xb3: {  	v3 =	vld [tilespmem:s23+$0xFFFFFD20];
	_ =	sdelay $0x2  }
0xb4: {  	v4 =	vmul.f32 $2.771281240e+01, v4;
	_ =	sdelay $0x1  }
0xb5: {  	v3 =	vadd.f32 v3, v4  }
0xb6: {  	v4 =	vld [tilespmem:s29+$0x30]  }
0xb7: {  	[tilespmem:s29+$0x20] =	vst v3  }
0xb8: {  	v3 =	vld [tilespmem:s23+$0xFFFFFD30];
	_ =	sdelay $0x2  }
0xb9: {  	v4 =	vmul.f32 $2.771281240e+01, v4;
	_ =	sdelay $0x1  }
0xba: {  	v3 =	vadd.f32 v3, v4  }
0xbb: {  	v4 =	vld [tilespmem:s29+$0x40]  }
0xbc: {  	[tilespmem:s29+$0x30] =	vst v3  }
0xbd: {  	v3 =	vld [tilespmem:s23+$0xFFFFFD40];
	_ =	sdelay $0x2  }
0xbe: {  	v4 =	vmul.f32 $2.771281240e+01, v4;
	_ =	sdelay $0x1  }
0xbf: {  	v3 =	vadd.f32 v3, v4  }
0xc0: {  	v4 =	vld [tilespmem:s29+$0x50]  }
0xc1: {  	[tilespmem:s29+$0x40] =	vst v3  }
0xc2: {  	v3 =	vld [tilespmem:s23+$0xFFFFFD50];
	_ =	sdelay $0x2  }
0xc3: {  	v4 =	vmul.f32 $2.771281240e+01, v4;
	_ =	sdelay $0x1  }
0xc4: {  	v3 =	vadd.f32 v3, v4  }
0xc5: {  	v4 =	vld [tilespmem:s29+$0x60]  }
0xc6: {  	[tilespmem:s29+$0x50] =	vst v3  }
0xc7: {  	v3 =	vld [tilespmem:s23+$0xFFFFFD60];
	_ =	sdelay $0x2  }
0xc8: {  	v4 =	vmul.f32 $2.771281240e+01, v4;
	_ =	sdelay $0x1  }
0xc9: {  	v3 =	vadd.f32 v3, v4  }
0xca: {  	v4 =	vld [tilespmem:s29+$0x70]  }
0xcb: {  	[tilespmem:s29+$0x60] =	vst v3  }
0xcc: {  	v3 =	vld [tilespmem:s23+$0xFFFFFD70];
	_ =	sdelay $0x2  }
0xcd: {  	v4 =	vmul.f32 $2.771281240e+01, v4;
	_ =	sdelay $0x1  }
0xce: {  	v3 =	vadd.f32 v3, v4  }
0xcf: {  	v4 =	vld [tilespmem:s29+$0x400]  }
0xd0: {  	[tilespmem:s29+$0x70] =	vst v3  }
0xd1: {  	v3 =	vld [tilespmem:s23+$0xFFFFFE00];
	_ =	sdelay $0x2  }
0xd2: {  	v4 =	vmul.f32 $2.771281240e+01, v4;
	_ =	sdelay $0x1  }
0xd3: {  	v3 =	vadd.f32 v3, v4  }
0xd4: {  	v4 =	vld [tilespmem:s29+$0x410]  }
0xd5: {  	[tilespmem:s29+$0x400] =	vst v3  }
0xd6: {  	v3 =	vld [tilespmem:s23+$0xFFFFFE10];
	_ =	sdelay $0x2  }
0xd7: {  	v4 =	vmul.f32 $2.771281240e+01, v4;
	_ =	sdelay $0x1  }
0xd8: {  	v3 =	vadd.f32 v3, v4  }
0xd9: {  	v4 =	vld [tilespmem:s29+$0x420]  }
0xda: {  	[tilespmem:s29+$0x410] =	vst v3  }
0xdb: {  	v3 =	vld [tilespmem:s23+$0xFFFFFE20];
	_ =	sdelay $0x2  }
0xdc: {  	v4 =	vmul.f32 $2.771281240e+01, v4;
	_ =	sdelay $0x1  }
0xdd: {  	v3 =	vadd.f32 v3, v4  }
0xde: {  	v4 =	vld [tilespmem:s29+$0x430]  }
0xdf: {  	s7 =	simm.s32 $0x0;
	[tilespmem:s29+$0x420] =	vst v3  }
0xe0: {  	s0 =	smul.u32 $0x6000, s7;
	v3 =	vld [tilespmem:s23+$0xFFFFFE30];
	_ =	sdelay $0x1  }
0xe1: {  	s8 =	simm.s32 $0x80;
	s0 =	sshra.s32 s0, $0x2  }
0xe2: {  	s1 =	sand.u32 $0x380, s8;
	s0 =	sadd.s32 s0, s16;
	v4 =	vmul.f32 $2.771281240e+01, v4  }
0xe3: {  	s30 =	sadd.s32 s1, s0  }
0xe4: {  	v3 =	vadd.f32 v3, v4;
	v4 =	vld [tilespmem:s30+$0x0]  }
0xe5: {  	s31 =	sadd.s32 $0x600, s23  }
0xe6: {  	v5 =	vld [tilespmem:s31+$0xFFFFFD00]  }
0xe7: {  	[tilespmem:s29+$0x430] =	vst v3;
	v3 =	vld [tilespmem:s29+$0x440];
	_ =	sdelay $0x1  }
0xe8: {  	v6 =	vld [tilespmem:s23+$0xFFFFFE40];
	v4 =	vmul.f32 $2.771281240e+01, v4;
	_ =	sdelay $0x1  }
0xe9: {  	v4 =	vadd.f32 v5, v4  }
0xea: {  	v3 =	vmul.f32 $2.771281240e+01, v3;
	v5 =	vld [tilespmem:s30+$0x10]  }
0xeb: {  	[tilespmem:s30+$0x0] =	vst v4  }
0xec: {  	v3 =	vadd.f32 v6, v3;
	v4 =	vld [tilespmem:s31+$0xFFFFFD10]  }
0xed: {  	v6 =	vld [tilespmem:s29+$0x450]  }
0xee: {  	[tilespmem:s29+$0x440] =	vst v3  }
0xef: {  	v3 =	vld [tilespmem:s23+$0xFFFFFE50];
	v5 =	vmul.f32 $2.771281240e+01, v5;
	_ =	sdelay $0x1  }
0xf0: {  	v4 =	vadd.f32 v4, v5  }
0xf1: {  	v5 =	vmul.f32 $2.771281240e+01, v6;
	v6 =	vld [tilespmem:s30+$0x20]  }
0xf2: {  	[tilespmem:s30+$0x10] =	vst v4  }
0xf3: {  	v3 =	vadd.f32 v3, v5;
	v4 =	vld [tilespmem:s31+$0xFFFFFD20]  }
0xf4: {  	v5 =	vld [tilespmem:s29+$0x460]  }
0xf5: {  	[tilespmem:s29+$0x450] =	vst v3  }
0xf6: {  	v3 =	vld [tilespmem:s23+$0xFFFFFE60];
	v6 =	vmul.f32 $2.771281240e+01, v6;
	_ =	sdelay $0x1  }
0xf7: {  	v4 =	vadd.f32 v4, v6  }
0xf8: {  	v5 =	vmul.f32 $2.771281240e+01, v5;
	v6 =	vld [tilespmem:s30+$0x30]  }
0xf9: {  	[tilespmem:s30+$0x20] =	vst v4  }
0xfa: {  	v3 =	vadd.f32 v3, v5;
	v4 =	vld [tilespmem:s31+$0xFFFFFD30]  }
0xfb: {  	v5 =	vld [tilespmem:s29+$0x470]  }
0xfc: {  	[tilespmem:s29+$0x460] =	vst v3  }
0xfd: {  	v3 =	vld [tilespmem:s23+$0xFFFFFE70];
	v6 =	vmul.f32 $2.771281240e+01, v6;
	_ =	sdelay $0x1  }
0xfe: {  	v4 =	vadd.f32 v4, v6  }
0xff: {  	v5 =	vmul.f32 $2.771281240e+01, v5;
	v6 =	vld [tilespmem:s30+$0x40]  }
0x100: {  	[tilespmem:s30+$0x30] =	vst v4  }
0x101: {  	v3 =	vadd.f32 v3, v5;
	v4 =	vld [tilespmem:s31+$0xFFFFFD40]  }
0x102: {  	v5 =	vld [tilespmem:s29+$0x800]  }
0x103: {  	[tilespmem:s29+$0x470] =	vst v3  }
0x104: {  	v3 =	vld [tilespmem:s23+$0xFFFFFF00];
	v6 =	vmul.f32 $2.771281240e+01, v6;
	_ =	sdelay $0x1  }
0x105: {  	v4 =	vadd.f32 v4, v6  }
0x106: {  	v5 =	vmul.f32 $2.771281240e+01, v5;
	v6 =	vld [tilespmem:s30+$0x50]  }
0x107: {  	[tilespmem:s30+$0x40] =	vst v4  }
0x108: {  	v3 =	vadd.f32 v3, v5;
	v4 =	vld [tilespmem:s31+$0xFFFFFD50]  }
0x109: {  	v5 =	vld [tilespmem:s29+$0x810]  }
0x10a: {  	[tilespmem:s29+$0x800] =	vst v3  }
0x10b: {  	v3 =	vld [tilespmem:s23+$0xFFFFFF10];
	v6 =	vmul.f32 $2.771281240e+01, v6;
	_ =	sdelay $0x1  }
0x10c: {  	v4 =	vadd.f32 v4, v6  }
0x10d: {  	v5 =	vmul.f32 $2.771281240e+01, v5;
	v6 =	vld [tilespmem:s30+$0x60]  }
0x10e: {  	[tilespmem:s30+$0x50] =	vst v4  }
0x10f: {  	v3 =	vadd.f32 v3, v5;
	v4 =	vld [tilespmem:s31+$0xFFFFFD60]  }
0x110: {  	v5 =	vld [tilespmem:s29+$0x820]  }
0x111: {  	[tilespmem:s29+$0x810] =	vst v3  }
0x112: {  	v3 =	vld [tilespmem:s23+$0xFFFFFF20];
	v6 =	vmul.f32 $2.771281240e+01, v6;
	_ =	sdelay $0x1  }
0x113: {  	v4 =	vadd.f32 v4, v6  }
0x114: {  	v5 =	vmul.f32 $2.771281240e+01, v5;
	v6 =	vld [tilespmem:s30+$0x70]  }
0x115: {  	[tilespmem:s30+$0x60] =	vst v4  }
0x116: {  	v3 =	vadd.f32 v3, v5;
	v4 =	vld [tilespmem:s31+$0xFFFFFD70]  }
0x117: {  	v5 =	vld [tilespmem:s29+$0x830]  }
0x118: {  	[tilespmem:s29+$0x820] =	vst v3  }
0x119: {  	v3 =	vld [tilespmem:s23+$0xFFFFFF30];
	v6 =	vmul.f32 $2.771281240e+01, v6;
	_ =	sdelay $0x1  }
0x11a: {  	v4 =	vadd.f32 v4, v6  }
0x11b: {  	v5 =	vmul.f32 $2.771281240e+01, v5;
	v6 =	vld [tilespmem:s30+$0x400]  }
0x11c: {  	[tilespmem:s30+$0x70] =	vst v4  }
0x11d: {  	v3 =	vadd.f32 v3, v5;
	v4 =	vld [tilespmem:s31+$0xFFFFFE00]  }
0x11e: {  	v5 =	vld [tilespmem:s29+$0x840]  }
0x11f: {  	[tilespmem:s29+$0x830] =	vst v3  }
0x120: {  	v3 =	vld [tilespmem:s23+$0xFFFFFF40];
	v6 =	vmul.f32 $2.771281240e+01, v6;
	_ =	sdelay $0x1  }
0x121: {  	v4 =	vadd.f32 v4, v6  }
0x122: {  	v5 =	vmul.f32 $2.771281240e+01, v5;
	v6 =	vld [tilespmem:s30+$0x410]  }
0x123: {  	[tilespmem:s30+$0x400] =	vst v4  }
0x124: {  	v3 =	vadd.f32 v3, v5;
	v4 =	vld [tilespmem:s31+$0xFFFFFE10]  }
0x125: {  	v5 =	vld [tilespmem:s29+$0x850]  }
0x126: {  	[tilespmem:s29+$0x840] =	vst v3  }
0x127: {  	v3 =	vld [tilespmem:s23+$0xFFFFFF50];
	v6 =	vmul.f32 $2.771281240e+01, v6;
	_ =	sdelay $0x1  }
0x128: {  	v4 =	vadd.f32 v4, v6  }
0x129: {  	v5 =	vmul.f32 $2.771281240e+01, v5;
	v6 =	vld [tilespmem:s30+$0x420]  }
0x12a: {  	[tilespmem:s30+$0x410] =	vst v4  }
0x12b: {  	v3 =	vadd.f32 v3, v5;
	v4 =	vld [tilespmem:s31+$0xFFFFFE20]  }
0x12c: {  	v5 =	vld [tilespmem:s29+$0x860]  }
0x12d: {  	[tilespmem:s29+$0x850] =	vst v3  }
0x12e: {  	v3 =	vld [tilespmem:s23+$0xFFFFFF60];
	v6 =	vmul.f32 $2.771281240e+01, v6;
	_ =	sdelay $0x1  }
0x12f: {  	v4 =	vadd.f32 v4, v6  }
0x130: {  	v5 =	vmul.f32 $2.771281240e+01, v5;
	v6 =	vld [tilespmem:s30+$0x430]  }
0x131: {  	[tilespmem:s30+$0x420] =	vst v4  }
0x132: {  	s9 =	simm.s32 $0x0;
	v3 =	vadd.f32 v3, v5;
	v4 =	vld [tilespmem:s31+$0xFFFFFE30]  }
0x133: {  	s0 =	smul.u32 $0x6000, s9;
	v5 =	vld [tilespmem:s29+$0x870]  }
0x134: {  	[tilespmem:s29+$0x860] =	vst v3  }
0x135: {  	s15 =	simm.s32 $0x100;
	s0 =	sshra.s32 s0, $0x2;
	v3 =	vld [tilespmem:s23+$0xFFFFFF70];
	v6 =	vmul.f32 $2.771281240e+01, v6  }
0x136: {  	s1 =	sand.u32 $0x380, s15;
	s0 =	sadd.s32 s0, s16  }
0x137: {  	s0 =	sadd.s32 s1, s0;
	v4 =	vadd.f32 v4, v6  }
0x138: {  	v5 =	vmul.f32 $2.771281240e+01, v5;
	v6 =	vld [tilespmem:s0+$0x0]  }
0x139: {  	s1 =	sadd.s32 $0x600, s31;
	[tilespmem:s30+$0x430] =	vst v4;
	v4 =	vld [tilespmem:s30+$0x440]  }
0x13a: {  	v3 =	vadd.f32 v3, v5;
	v5 =	vld [tilespmem:s1+$0xFFFFFD00]  }
0x13b: {  	v7 =	vld [tilespmem:s29+$0xC00]  }
0x13c: {  	[tilespmem:s29+$0x870] =	vst v3;
	v3 =	vld [tilespmem:s31+$0xFFFFFE40]  }
0x13d: {  	v6 =	vmul.f32 $2.771281240e+01, v6  }
0x13e: {  	v8 =	vld [tilespmem:s23+$0x0]  }
0x13f: {  	v4 =	vmul.f32 $2.771281240e+01, v4;
	v5 =	vadd.f32 v5, v6  }
0x140: {  	v6 =	vld [tilespmem:s0+$0x10]  }
0x141: {  	v3 =	vadd.f32 v3, v4;
	v4 =	vmul.f32 $2.771281240e+01, v7;
	[tilespmem:s0+$0x0] =	vst v5;
	v5 =	vld [tilespmem:s30+$0x450]  }
0x142: {  	v7 =	vld [tilespmem:s1+$0xFFFFFD10]  }
0x143: {  	[tilespmem:s30+$0x440] =	vst v3;
	v3 =	vadd.f32 v8, v4;
	v8 =	vld [tilespmem:s29+$0xC10]  }
0x144: {  	v4 =	vld [tilespmem:s31+$0xFFFFFE50]  }
0x145: {  	[tilespmem:s29+$0xC00] =	vst v3;
	v3 =	vmul.f32 $2.771281240e+01, v6  }
0x146: {  	v6 =	vld [tilespmem:s23+$0x10]  }
0x147: {  	v5 =	vmul.f32 $2.771281240e+01, v5;
	v3 =	vadd.f32 v7, v3  }
0x148: {  	v7 =	vld [tilespmem:s0+$0x20]  }
0x149: {  	v4 =	vadd.f32 v4, v5;
	v5 =	vmul.f32 $2.771281240e+01, v8;
	[tilespmem:s0+$0x10] =	vst v3;
	v3 =	vld [tilespmem:s30+$0x460]  }
0x14a: {  	v8 =	vld [tilespmem:s1+$0xFFFFFD20]  }
0x14b: {  	[tilespmem:s30+$0x450] =	vst v4;
	v4 =	vadd.f32 v6, v5;
	v6 =	vld [tilespmem:s29+$0xC20]  }
0x14c: {  	v5 =	vld [tilespmem:s31+$0xFFFFFE60]  }
0x14d: {  	[tilespmem:s29+$0xC10] =	vst v4;
	v4 =	vmul.f32 $2.771281240e+01, v7  }
0x14e: {  	v7 =	vld [tilespmem:s23+$0x20]  }
0x14f: {  	v3 =	vmul.f32 $2.771281240e+01, v3;
	v4 =	vadd.f32 v8, v4  }
0x150: {  	v8 =	vld [tilespmem:s0+$0x30]  }
0x151: {  	v3 =	vadd.f32 v5, v3;
	v5 =	vmul.f32 $2.771281240e+01, v6;
	[tilespmem:s0+$0x20] =	vst v4;
	v4 =	vld [tilespmem:s30+$0x470]  }
0x152: {  	v6 =	vld [tilespmem:s1+$0xFFFFFD30]  }
0x153: {  	[tilespmem:s30+$0x460] =	vst v3;
	v3 =	vadd.f32 v7, v5;
	v7 =	vld [tilespmem:s29+$0xC30]  }
0x154: {  	v5 =	vld [tilespmem:s31+$0xFFFFFE70]  }
0x155: {  	[tilespmem:s29+$0xC20] =	vst v3;
	v3 =	vmul.f32 $2.771281240e+01, v8  }
0x156: {  	v8 =	vld [tilespmem:s23+$0x30]  }
0x157: {  	v4 =	vmul.f32 $2.771281240e+01, v4;
	v3 =	vadd.f32 v6, v3  }
0x158: {  	v6 =	vld [tilespmem:s0+$0x40]  }
0x159: {  	v4 =	vadd.f32 v5, v4;
	v5 =	vmul.f32 $2.771281240e+01, v7;
	[tilespmem:s0+$0x30] =	vst v3;
	v3 =	vld [tilespmem:s30+$0x800]  }
0x15a: {  	v7 =	vld [tilespmem:s1+$0xFFFFFD40]  }
0x15b: {  	[tilespmem:s30+$0x470] =	vst v4;
	v4 =	vadd.f32 v8, v5;
	v8 =	vld [tilespmem:s29+$0xC40]  }
0x15c: {  	v5 =	vld [tilespmem:s31+$0xFFFFFF00]  }
0x15d: {  	[tilespmem:s29+$0xC30] =	vst v4;
	v4 =	vmul.f32 $2.771281240e+01, v6  }
0x15e: {  	v6 =	vld [tilespmem:s23+$0x40]  }
0x15f: {  	v3 =	vmul.f32 $2.771281240e+01, v3;
	v4 =	vadd.f32 v7, v4  }
0x160: {  	v7 =	vld [tilespmem:s0+$0x50]  }
0x161: {  	v3 =	vadd.f32 v5, v3;
	v5 =	vmul.f32 $2.771281240e+01, v8;
	[tilespmem:s0+$0x40] =	vst v4;
	v4 =	vld [tilespmem:s30+$0x810]  }
0x162: {  	v8 =	vld [tilespmem:s1+$0xFFFFFD50]  }
0x163: {  	[tilespmem:s30+$0x800] =	vst v3;
	v3 =	vadd.f32 v6, v5;
	v6 =	vld [tilespmem:s29+$0xC50]  }
0x164: {  	v5 =	vld [tilespmem:s31+$0xFFFFFF10]  }
0x165: {  	[tilespmem:s29+$0xC40] =	vst v3;
	v3 =	vmul.f32 $2.771281240e+01, v7  }
0x166: {  	v7 =	vld [tilespmem:s23+$0x50]  }
0x167: {  	v4 =	vmul.f32 $2.771281240e+01, v4;
	v3 =	vadd.f32 v8, v3  }
0x168: {  	v8 =	vld [tilespmem:s0+$0x60]  }
0x169: {  	v4 =	vadd.f32 v5, v4;
	v5 =	vmul.f32 $2.771281240e+01, v6;
	[tilespmem:s0+$0x50] =	vst v3;
	v3 =	vld [tilespmem:s30+$0x820]  }
0x16a: {  	v6 =	vld [tilespmem:s1+$0xFFFFFD60]  }
0x16b: {  	[tilespmem:s30+$0x810] =	vst v4;
	v4 =	vadd.f32 v7, v5;
	v7 =	vld [tilespmem:s29+$0xC60]  }
0x16c: {  	v5 =	vld [tilespmem:s31+$0xFFFFFF20]  }
0x16d: {  	[tilespmem:s29+$0xC50] =	vst v4;
	v4 =	vmul.f32 $2.771281240e+01, v8  }
0x16e: {  	v8 =	vld [tilespmem:s23+$0x60]  }
0x16f: {  	v3 =	vmul.f32 $2.771281240e+01, v3;
	v4 =	vadd.f32 v6, v4  }
0x170: {  	v6 =	vld [tilespmem:s0+$0x70]  }
0x171: {  	v3 =	vadd.f32 v5, v3;
	v5 =	vmul.f32 $2.771281240e+01, v7;
	[tilespmem:s0+$0x60] =	vst v4;
	v4 =	vld [tilespmem:s30+$0x830]  }
0x172: {  	v7 =	vld [tilespmem:s1+$0xFFFFFD70]  }
0x173: {  	[tilespmem:s30+$0x820] =	vst v3;
	v3 =	vadd.f32 v8, v5;
	v8 =	vld [tilespmem:s29+$0xC70]  }
0x174: {  	v5 =	vld [tilespmem:s31+$0xFFFFFF30]  }
0x175: {  	[tilespmem:s29+$0xC60] =	vst v3;
	v3 =	vmul.f32 $2.771281240e+01, v6  }
0x176: {  	v6 =	vld [tilespmem:s23+$0x70]  }
0x177: {  	v4 =	vmul.f32 $2.771281240e+01, v4;
	v3 =	vadd.f32 v7, v3  }
0x178: {  	v7 =	vld [tilespmem:s0+$0x400]  }
0x179: {  	v4 =	vadd.f32 v5, v4;
	v5 =	vmul.f32 $2.771281240e+01, v8;
	[tilespmem:s0+$0x70] =	vst v3;
	v3 =	vld [tilespmem:s30+$0x840]  }
0x17a: {  	v8 =	vld [tilespmem:s1+$0xFFFFFE00]  }
0x17b: {  	[tilespmem:s30+$0x830] =	vst v4;
	v4 =	vadd.f32 v6, v5;
	v6 =	vld [tilespmem:s29+$0x1000]  }
0x17c: {  	v5 =	vld [tilespmem:s31+$0xFFFFFF40]  }
0x17d: {  	[tilespmem:s29+$0xC70] =	vst v4;
	v4 =	vmul.f32 $2.771281240e+01, v7  }
0x17e: {  	v7 =	vld [tilespmem:s23+$0x100]  }
0x17f: {  	v3 =	vmul.f32 $2.771281240e+01, v3;
	v4 =	vadd.f32 v8, v4  }
0x180: {  	v8 =	vld [tilespmem:s0+$0x410]  }
0x181: {  	v3 =	vadd.f32 v5, v3;
	v5 =	vmul.f32 $2.771281240e+01, v6;
	[tilespmem:s0+$0x400] =	vst v4;
	v4 =	vld [tilespmem:s30+$0x850]  }
0x182: {  	v6 =	vld [tilespmem:s1+$0xFFFFFE10]  }
0x183: {  	[tilespmem:s30+$0x840] =	vst v3;
	v3 =	vadd.f32 v7, v5;
	v7 =	vld [tilespmem:s29+$0x1010]  }
0x184: {  	v5 =	vld [tilespmem:s31+$0xFFFFFF50]  }
0x185: {  	[tilespmem:s29+$0x1000] =	vst v3;
	v3 =	vmul.f32 $2.771281240e+01, v8  }
0x186: {  	v8 =	vld [tilespmem:s23+$0x110]  }
0x187: {  	v4 =	vmul.f32 $2.771281240e+01, v4;
	v3 =	vadd.f32 v6, v3  }
0x188: {  	v6 =	vld [tilespmem:s0+$0x420]  }
0x189: {  	v4 =	vadd.f32 v5, v4;
	v5 =	vmul.f32 $2.771281240e+01, v7;
	[tilespmem:s0+$0x410] =	vst v3;
	v3 =	vld [tilespmem:s30+$0x860]  }
0x18a: {  	v7 =	vld [tilespmem:s1+$0xFFFFFE20]  }
0x18b: {  	[tilespmem:s30+$0x850] =	vst v4;
	v4 =	vadd.f32 v8, v5;
	v8 =	vld [tilespmem:s29+$0x1020]  }
0x18c: {  	v5 =	vld [tilespmem:s31+$0xFFFFFF60]  }
0x18d: {  	[tilespmem:s29+$0x1010] =	vst v4;
	v4 =	vmul.f32 $2.771281240e+01, v6  }
0x18e: {  	v6 =	vld [tilespmem:s23+$0x120]  }
0x18f: {  	v3 =	vmul.f32 $2.771281240e+01, v3;
	v4 =	vadd.f32 v7, v4  }
0x190: {  	v7 =	vld [tilespmem:s0+$0x430]  }
0x191: {  	v3 =	vadd.f32 v5, v3;
	v5 =	vmul.f32 $2.771281240e+01, v8;
	[tilespmem:s0+$0x420] =	vst v4;
	v4 =	vld [tilespmem:s30+$0x870]  }
0x192: {  	v8 =	vld [tilespmem:s1+$0xFFFFFE30]  }
0x193: {  	s20 =	simm.s32 $0x0;
	[tilespmem:s30+$0x860] =	vst v3;
	v3 =	vadd.f32 v6, v5;
	v6 =	vld [tilespmem:s29+$0x1030]  }
0x194: {  	s7 =	smul.u32 $0x6000, s20;
	v5 =	vld [tilespmem:s31+$0xFFFFFF70]  }
0x195: {  	[tilespmem:s29+$0x1020] =	vst v3  }
0x196: {  	s8 =	simm.s32 $0x180;
	s7 =	sshra.s32 s7, $0x2;
	s15 =	sadd.s32 $0x600, s1;
	v3 =	vmul.f32 $2.771281240e+01, v7;
	v7 =	vld [tilespmem:s23+$0x130]  }
0x197: {  	s8 =	sand.u32 $0x380, s8;
	s7 =	sadd.s32 s7, s16;
	v9 =	vld [tilespmem:s15+$0xFFFFFD00];
	v4 =	vmul.f32 $2.771281240e+01, v4  }
0x198: {  	s7 =	sadd.s32 s8, s7;
	v3 =	vadd.f32 v8, v3;
	v8 =	vld [tilespmem:s29+$0x1040]  }
0x199: {  	v4 =	vadd.f32 v5, v4;
	v5 =	vmul.f32 $2.771281240e+01, v6;
	v6 =	vld [tilespmem:s7+$0x0]  }
0x19a: {  	[tilespmem:s0+$0x430] =	vst v3;
	v3 =	vld [tilespmem:s0+$0x440]  }
0x19b: {  	[tilespmem:s30+$0x870] =	vst v4;
	v4 =	vadd.f32 v7, v5;
	v5 =	vld [tilespmem:s30+$0xC00]  }
0x19c: {  	v7 =	vld [tilespmem:s1+$0xFFFFFE40]  }
0x19d: {  	[tilespmem:s29+$0x1030] =	vst v4;
	v4 =	vld [tilespmem:s31+$0x0]  }
0x19e: {  	v6 =	vmul.f32 $2.771281240e+01, v6;
	v10 =	vld [tilespmem:s23+$0x140]  }
0x19f: {  	v12 =	vld [tilespmem:s7+$0x10];
	v3 =	vmul.f32 $2.771281240e+01, v3  }
0x1a0: {  	v11 =	vld [tilespmem:s29+$0x1050];
	v6 =	vadd.f32 v9, v6;
	v5 =	vmul.f32 $2.771281240e+01, v5  }
0x1a1: {  	v9 =	vld [tilespmem:s30+$0xC10];
	v3 =	vadd.f32 v7, v3;
	v7 =	vmul.f32 $2.771281240e+01, v8  }
0x1a2: {  	[tilespmem:s7+$0x0] =	vst v6;
	v6 =	vld [tilespmem:s0+$0x450];
	v4 =	vadd.f32 v4, v5  }
0x1a3: {  	[tilespmem:s0+$0x440] =	vst v3;
	v5 =	vld [tilespmem:s15+$0xFFFFFD10];
	v3 =	vadd.f32 v10, v7  }
0x1a4: {  	v7 =	vld [tilespmem:s1+$0xFFFFFE50];
	[tilespmem:s30+$0xC00] =	vst v4  }
0x1a5: {  	v4 =	vld [tilespmem:s31+$0x10];
	[tilespmem:s29+$0x1040] =	vst v3  }
0x1a6: {  	v3 =	vmul.f32 $2.771281240e+01, v12;
	v8 =	vld [tilespmem:s23+$0x150]  }
0x1a7: {  	v54 =	vld [tilespmem:s7+$0x20];
	v6 =	vmul.f32 $2.771281240e+01, v6  }
0x1a8: {  	v10 =	vld [tilespmem:s29+$0x1060];
	v3 =	vadd.f32 v5, v3;
	v5 =	vmul.f32 $2.771281240e+01, v9  }
0x1a9: {  	v9 =	vld [tilespmem:s30+$0xC20];
	v6 =	vadd.f32 v7, v6;
	v7 =	vmul.f32 $2.771281240e+01, v11  }
0x1aa: {  	[tilespmem:s7+$0x10] =	vst v3;
	v3 =	vld [tilespmem:s0+$0x460];
	v4 =	vadd.f32 v4, v5  }
0x1ab: {  	v5 =	vld [tilespmem:s15+$0xFFFFFD20];
	[tilespmem:s0+$0x450] =	vst v6;
	v6 =	vadd.f32 v8, v7  }
0x1ac: {  	v7 =	vld [tilespmem:s1+$0xFFFFFE60];
	[tilespmem:s30+$0xC10] =	vst v4  }
0x1ad: {  	v4 =	vld [tilespmem:s31+$0x20];
	[tilespmem:s29+$0x1050] =	vst v6  }
0x1ae: {  	v6 =	vmul.f32 $2.771281240e+01, v54;
	v8 =	vld [tilespmem:s23+$0x160]  }
0x1af: {  	v55 =	vld [tilespmem:s7+$0x30];
	v3 =	vmul.f32 $2.771281240e+01, v3  }
0x1b0: {  	v11 =	vld [tilespmem:s29+$0x1070];
	v5 =	vadd.f32 v5, v6;
	v6 =	vmul.f32 $2.771281240e+01, v9  }
0x1b1: {  	v9 =	vld [tilespmem:s30+$0xC30];
	v3 =	vadd.f32 v7, v3;
	v7 =	vmul.f32 $2.771281240e+01, v10  }
0x1b2: {  	[tilespmem:s7+$0x20] =	vst v5;
	v5 =	vld [tilespmem:s0+$0x470];
	v4 =	vadd.f32 v4, v6  }
0x1b3: {  	v6 =	vld [tilespmem:s15+$0xFFFFFD30];
	[tilespmem:s0+$0x460] =	vst v3;
	v3 =	vadd.f32 v8, v7  }
0x1b4: {  	v7 =	vld [tilespmem:s1+$0xFFFFFE70];
	[tilespmem:s30+$0xC20] =	vst v4  }
0x1b5: {  	v4 =	vld [tilespmem:s31+$0x30];
	[tilespmem:s29+$0x1060] =	vst v3  }
0x1b6: {  	v3 =	vmul.f32 $2.771281240e+01, v55;
	v8 =	vld [tilespmem:s23+$0x170]  }
0x1b7: {  	v56 =	vld [tilespmem:s7+$0x40];
	v5 =	vmul.f32 $2.771281240e+01, v5  }
0x1b8: {  	v10 =	vld [tilespmem:s29+$0x1400];
	v3 =	vadd.f32 v6, v3;
	v6 =	vmul.f32 $2.771281240e+01, v9  }
0x1b9: {  	v9 =	vld [tilespmem:s30+$0xC40];
	v5 =	vadd.f32 v7, v5;
	v7 =	vmul.f32 $2.771281240e+01, v11  }
0x1ba: {  	[tilespmem:s7+$0x30] =	vst v3;
	v3 =	vld [tilespmem:s0+$0x800];
	v4 =	vadd.f32 v4, v6  }
0x1bb: {  	v6 =	vld [tilespmem:s15+$0xFFFFFD40];
	[tilespmem:s0+$0x470] =	vst v5;
	v5 =	vadd.f32 v8, v7  }
0x1bc: {  	v7 =	vld [tilespmem:s1+$0xFFFFFF00];
	[tilespmem:s30+$0xC30] =	vst v4  }
0x1bd: {  	v4 =	vld [tilespmem:s31+$0x40];
	[tilespmem:s29+$0x1070] =	vst v5  }
0x1be: {  	v5 =	vmul.f32 $2.771281240e+01, v56;
	v8 =	vld [tilespmem:s23+$0x200]  }
0x1bf: {  	v57 =	vld [tilespmem:s7+$0x50];
	v3 =	vmul.f32 $2.771281240e+01, v3  }
0x1c0: {  	v11 =	vld [tilespmem:s29+$0x1410];
	v5 =	vadd.f32 v6, v5;
	v6 =	vmul.f32 $2.771281240e+01, v9  }
0x1c1: {  	v9 =	vld [tilespmem:s30+$0xC50];
	v3 =	vadd.f32 v7, v3;
	v7 =	vmul.f32 $2.771281240e+01, v10  }
0x1c2: {  	[tilespmem:s7+$0x40] =	vst v5;
	v5 =	vld [tilespmem:s0+$0x810];
	v4 =	vadd.f32 v4, v6  }
0x1c3: {  	v6 =	vld [tilespmem:s15+$0xFFFFFD50];
	[tilespmem:s0+$0x800] =	vst v3;
	v3 =	vadd.f32 v8, v7  }
0x1c4: {  	v7 =	vld [tilespmem:s1+$0xFFFFFF10];
	[tilespmem:s30+$0xC40] =	vst v4  }
0x1c5: {  	v4 =	vld [tilespmem:s31+$0x50];
	[tilespmem:s29+$0x1400] =	vst v3  }
0x1c6: {  	v3 =	vmul.f32 $2.771281240e+01, v57;
	v8 =	vld [tilespmem:s23+$0x210]  }
0x1c7: {  	v58 =	vld [tilespmem:s7+$0x60];
	v5 =	vmul.f32 $2.771281240e+01, v5  }
0x1c8: {  	v10 =	vld [tilespmem:s29+$0x1420];
	v3 =	vadd.f32 v6, v3;
	v6 =	vmul.f32 $2.771281240e+01, v9  }
0x1c9: {  	v9 =	vld [tilespmem:s30+$0xC60];
	v5 =	vadd.f32 v7, v5;
	v7 =	vmul.f32 $2.771281240e+01, v11  }
0x1ca: {  	[tilespmem:s7+$0x50] =	vst v3;
	v3 =	vld [tilespmem:s0+$0x820];
	v4 =	vadd.f32 v4, v6  }
0x1cb: {  	v6 =	vld [tilespmem:s15+$0xFFFFFD60];
	[tilespmem:s0+$0x810] =	vst v5;
	v5 =	vadd.f32 v8, v7  }
0x1cc: {  	v7 =	vld [tilespmem:s1+$0xFFFFFF20];
	[tilespmem:s30+$0xC50] =	vst v4  }
0x1cd: {  	v4 =	vld [tilespmem:s31+$0x60];
	[tilespmem:s29+$0x1410] =	vst v5  }
0x1ce: {  	v5 =	vmul.f32 $2.771281240e+01, v58;
	v8 =	vld [tilespmem:s23+$0x220]  }
0x1cf: {  	v59 =	vld [tilespmem:s7+$0x70];
	v3 =	vmul.f32 $2.771281240e+01, v3  }
0x1d0: {  	v11 =	vld [tilespmem:s29+$0x1430];
	v5 =	vadd.f32 v6, v5;
	v6 =	vmul.f32 $2.771281240e+01, v9  }
0x1d1: {  	v9 =	vld [tilespmem:s30+$0xC70];
	v3 =	vadd.f32 v7, v3;
	v7 =	vmul.f32 $2.771281240e+01, v10  }
0x1d2: {  	[tilespmem:s7+$0x60] =	vst v5;
	v5 =	vld [tilespmem:s0+$0x830];
	v4 =	vadd.f32 v4, v6  }
0x1d3: {  	v6 =	vld [tilespmem:s15+$0xFFFFFD70];
	[tilespmem:s0+$0x820] =	vst v3;
	v3 =	vadd.f32 v8, v7  }
0x1d4: {  	v7 =	vld [tilespmem:s1+$0xFFFFFF30];
	[tilespmem:s30+$0xC60] =	vst v4  }
0x1d5: {  	v4 =	vld [tilespmem:s31+$0x70];
	[tilespmem:s29+$0x1420] =	vst v3  }
0x1d6: {  	v3 =	vmul.f32 $2.771281240e+01, v59;
	v8 =	vld [tilespmem:s23+$0x230]  }
0x1d7: {  	v60 =	vld [tilespmem:s7+$0x400];
	v5 =	vmul.f32 $2.771281240e+01, v5  }
0x1d8: {  	v10 =	vld [tilespmem:s29+$0x1440];
	v3 =	vadd.f32 v6, v3;
	v6 =	vmul.f32 $2.771281240e+01, v9  }
0x1d9: {  	v9 =	vld [tilespmem:s30+$0x1000];
	v5 =	vadd.f32 v7, v5;
	v7 =	vmul.f32 $2.771281240e+01, v11  }
0x1da: {  	[tilespmem:s7+$0x70] =	vst v3;
	v3 =	vld [tilespmem:s0+$0x840];
	v4 =	vadd.f32 v4, v6  }
0x1db: {  	v6 =	vld [tilespmem:s15+$0xFFFFFE00];
	[tilespmem:s0+$0x830] =	vst v5;
	v5 =	vadd.f32 v8, v7  }
0x1dc: {  	v7 =	vld [tilespmem:s1+$0xFFFFFF40];
	[tilespmem:s30+$0xC70] =	vst v4  }
0x1dd: {  	v4 =	vld [tilespmem:s31+$0x100];
	[tilespmem:s29+$0x1430] =	vst v5  }
0x1de: {  	v5 =	vmul.f32 $2.771281240e+01, v60;
	v8 =	vld [tilespmem:s23+$0x240]  }
0x1df: {  	v61 =	vld [tilespmem:s7+$0x410];
	v3 =	vmul.f32 $2.771281240e+01, v3  }
0x1e0: {  	v11 =	vld [tilespmem:s29+$0x1450];
	v5 =	vadd.f32 v6, v5;
	v6 =	vmul.f32 $2.771281240e+01, v9  }
0x1e1: {  	v9 =	vld [tilespmem:s30+$0x1010];
	v3 =	vadd.f32 v7, v3;
	v7 =	vmul.f32 $2.771281240e+01, v10  }
0x1e2: {  	[tilespmem:s7+$0x400] =	vst v5;
	v5 =	vld [tilespmem:s0+$0x850];
	v4 =	vadd.f32 v4, v6  }
0x1e3: {  	v6 =	vld [tilespmem:s15+$0xFFFFFE10];
	[tilespmem:s0+$0x840] =	vst v3;
	v3 =	vadd.f32 v8, v7  }
0x1e4: {  	v7 =	vld [tilespmem:s1+$0xFFFFFF50];
	[tilespmem:s30+$0x1000] =	vst v4  }
0x1e5: {  	v4 =	vld [tilespmem:s31+$0x110];
	[tilespmem:s29+$0x1440] =	vst v3  }
0x1e6: {  	v3 =	vmul.f32 $2.771281240e+01, v61;
	v8 =	vld [tilespmem:s23+$0x250]  }
0x1e7: {  	v62 =	vld [tilespmem:s7+$0x420];
	v5 =	vmul.f32 $2.771281240e+01, v5  }
0x1e8: {  	v10 =	vld [tilespmem:s29+$0x1460];
	v3 =	vadd.f32 v6, v3;
	v6 =	vmul.f32 $2.771281240e+01, v9  }
0x1e9: {  	v9 =	vld [tilespmem:s30+$0x1020];
	v5 =	vadd.f32 v7, v5;
	v7 =	vmul.f32 $2.771281240e+01, v11  }
0x1ea: {  	[tilespmem:s7+$0x410] =	vst v3;
	v3 =	vld [tilespmem:s0+$0x860];
	v4 =	vadd.f32 v4, v6  }
0x1eb: {  	v6 =	vld [tilespmem:s15+$0xFFFFFE20];
	[tilespmem:s0+$0x850] =	vst v5;
	v5 =	vadd.f32 v8, v7  }
0x1ec: {  	v7 =	vld [tilespmem:s1+$0xFFFFFF60];
	[tilespmem:s30+$0x1010] =	vst v4  }
0x1ed: {  	v4 =	vld [tilespmem:s31+$0x120];
	[tilespmem:s29+$0x1450] =	vst v5  }
0x1ee: {  	v5 =	vmul.f32 $2.771281240e+01, v62;
	v8 =	vld [tilespmem:s23+$0x260]  }
0x1ef: {  	v63 =	vld [tilespmem:s7+$0x430];
	v11 =	vmul.f32 $2.771281240e+01, v3  }
0x1f0: {  	v9 =	vmul.f32 $2.771281240e+01, v9;
	v3 =	vld [tilespmem:s29+$0x1470];
	v6 =	vadd.f32 v6, v5  }
0x1f1: {  	v10 =	vmul.f32 $2.771281240e+01, v10;
	v5 =	vld [tilespmem:s30+$0x1030];
	v11 =	vadd.f32 v7, v11  }
0x1f2: {  	v7 =	vld [tilespmem:s0+$0x870];
	[tilespmem:s7+$0x420] =	vst v6;
	v4 =	vadd.f32 v4, v9  }
0x1f3: {  	s21 =	simm.s32 $0x0;
	v9 =	vld [tilespmem:s15+$0xFFFFFE30];
	[tilespmem:s0+$0x860] =	vst v11;
	v10 =	vadd.f32 v8, v10  }
0x1f4: {  	s9 =	smul.u32 $0x6000, s21;
	v8 =	vld [tilespmem:s1+$0xFFFFFF70];
	[tilespmem:s30+$0x1020] =	vst v4  }
0x1f5: {  	s8 =	simm.s32 $0x200;
	v6 =	vld [tilespmem:s31+$0x130];
	[tilespmem:s29+$0x1460] =	vst v10  }
0x1f6: {  	s21 =	sshra.s32 s9, $0x2;
	s9 =	simm.s32 $0x5;
	s20 =	sadd.s32 $0x600, s15;
	v10 =	vmul.f32 $2.771281240e+01, v63;
	v4 =	vld [tilespmem:s23+$0x270]  }
.LBB2_21:
0x1f7: {  	p3 =	sne.s32 s9, $0xF;
	s23 =	sand.u32 $0x380, s8;
	s21 =	sadd.s32 s21, s16;
	v11 =	vld [tilespmem:s20+$0xFFFFFD00];
	v7 =	vmul.f32 $2.771281240e+01, v7  }
0x1f8: {  	v5 =	vmul.f32 $2.771281240e+01, v5;
	s21 =	sadd.s32 s23, s21;
	v9 =	vadd.f32 v9, v10;
	v10 =	vld [tilespmem:s30+$0x1040];
	s23 =	smov.u32 s31;
	s31 =	smov.u32 s1  }
0x1f9: {  	v3 =	vmul.f32 $2.771281240e+01, v3;
	s1 =	smov.u32 s15;
	s15 =	smov.u32 s20;
	v12 =	vld [tilespmem:s21+$0x0];
	v7 =	vadd.f32 v8, v7  }
0x1fa: {  	[tilespmem:s7+$0x430] =	vst v9;
	v8 =	vld [tilespmem:s7+$0x440];
	v5 =	vadd.f32 v6, v5  }
0x1fb: {  	[tilespmem:s0+$0x870] =	vst v7;
	v6 =	vld [tilespmem:s0+$0xC00];
	v3 =	vadd.f32 v4, v3  }
0x1fc: {  	v4 =	vld [tilespmem:s1+$0xFFFFFE40];
	[tilespmem:s30+$0x1030] =	vst v5  }
0x1fd: {  	v5 =	vld [tilespmem:s31+$0x0];
	[tilespmem:s29+$0x1470] =	vst v3;
	s29 =	smov.u32 s30;
	s30 =	smov.u32 s0;
	s0 =	smov.u32 s7  }
0x1fe: {  	s7 =	smov.u32 s21;
	v3 =	vmul.f32 $2.771281240e+01, v12;
	v7 =	vld [tilespmem:s23+$0x140]  }
0x1ff: {  	v8 =	vmul.f32 $2.771281240e+01, v8;
	v9 =	vld [tilespmem:s29+$0x1050]  }
0x200: {  	v3 =	vadd.f32 v11, v3;
	v6 =	vmul.f32 $2.771281240e+01, v6;
	v11 =	vld [tilespmem:s30+$0xC10]  }
0x201: {  	v12 =	vld [tilespmem:s7+$0x10];
	v4 =	vadd.f32 v4, v8;
	v8 =	vmul.f32 $2.771281240e+01, v10  }
0x202: {  	[tilespmem:s7+$0x0] =	vst v3;
	v3 =	vld [tilespmem:s0+$0x450];
	v5 =	vadd.f32 v5, v6  }
0x203: {  	v6 =	vld [tilespmem:s20+$0xFFFFFD10];
	[tilespmem:s0+$0x440] =	vst v4;
	v4 =	vadd.f32 v7, v8  }
0x204: {  	v7 =	vld [tilespmem:s1+$0xFFFFFE50];
	[tilespmem:s30+$0xC00] =	vst v5  }
0x205: {  	v5 =	vld [tilespmem:s31+$0x10];
	[tilespmem:s29+$0x1040] =	vst v4  }
0x206: {  	v4 =	vmul.f32 $2.771281240e+01, v12;
	v8 =	vld [tilespmem:s23+$0x150]  }
0x207: {  	v3 =	vmul.f32 $2.771281240e+01, v3;
	v10 =	vld [tilespmem:s29+$0x1060]  }
0x208: {  	v4 =	vadd.f32 v6, v4;
	v6 =	vmul.f32 $2.771281240e+01, v11;
	v11 =	vld [tilespmem:s30+$0xC20]  }
0x209: {  	v12 =	vld [tilespmem:s7+$0x20];
	v3 =	vadd.f32 v7, v3;
	v7 =	vmul.f32 $2.771281240e+01, v9  }
0x20a: {  	[tilespmem:s7+$0x10] =	vst v4;
	v4 =	vld [tilespmem:s0+$0x460];
	v5 =	vadd.f32 v5, v6  }
0x20b: {  	v6 =	vld [tilespmem:s20+$0xFFFFFD20];
	[tilespmem:s0+$0x450] =	vst v3;
	v3 =	vadd.f32 v8, v7  }
0x20c: {  	v7 =	vld [tilespmem:s1+$0xFFFFFE60];
	[tilespmem:s30+$0xC10] =	vst v5  }
0x20d: {  	v5 =	vld [tilespmem:s31+$0x20];
	[tilespmem:s29+$0x1050] =	vst v3  }
0x20e: {  	v3 =	vmul.f32 $2.771281240e+01, v12;
	v8 =	vld [tilespmem:s23+$0x160]  }
0x20f: {  	v4 =	vmul.f32 $2.771281240e+01, v4;
	v9 =	vld [tilespmem:s29+$0x1070]  }
0x210: {  	v3 =	vadd.f32 v6, v3;
	v6 =	vmul.f32 $2.771281240e+01, v11;
	v11 =	vld [tilespmem:s30+$0xC30]  }
0x211: {  	v12 =	vld [tilespmem:s7+$0x30];
	v4 =	vadd.f32 v7, v4;
	v7 =	vmul.f32 $2.771281240e+01, v10  }
0x212: {  	[tilespmem:s7+$0x20] =	vst v3;
	v3 =	vld [tilespmem:s0+$0x470];
	v5 =	vadd.f32 v5, v6  }
0x213: {  	v6 =	vld [tilespmem:s20+$0xFFFFFD30];
	[tilespmem:s0+$0x460] =	vst v4;
	v4 =	vadd.f32 v8, v7  }
0x214: {  	v7 =	vld [tilespmem:s1+$0xFFFFFE70];
	[tilespmem:s30+$0xC20] =	vst v5  }
0x215: {  	v5 =	vld [tilespmem:s31+$0x30];
	[tilespmem:s29+$0x1060] =	vst v4  }
0x216: {  	v4 =	vmul.f32 $2.771281240e+01, v12;
	v8 =	vld [tilespmem:s23+$0x170]  }
0x217: {  	v3 =	vmul.f32 $2.771281240e+01, v3;
	v10 =	vld [tilespmem:s29+$0x1400]  }
0x218: {  	v4 =	vadd.f32 v6, v4;
	v6 =	vmul.f32 $2.771281240e+01, v11;
	v11 =	vld [tilespmem:s30+$0xC40]  }
0x219: {  	v12 =	vld [tilespmem:s7+$0x40];
	v3 =	vadd.f32 v7, v3;
	v7 =	vmul.f32 $2.771281240e+01, v9  }
0x21a: {  	[tilespmem:s7+$0x30] =	vst v4;
	v4 =	vld [tilespmem:s0+$0x800];
	v5 =	vadd.f32 v5, v6  }
0x21b: {  	v6 =	vld [tilespmem:s20+$0xFFFFFD40];
	[tilespmem:s0+$0x470] =	vst v3;
	v3 =	vadd.f32 v8, v7  }
0x21c: {  	v7 =	vld [tilespmem:s1+$0xFFFFFF00];
	[tilespmem:s30+$0xC30] =	vst v5  }
0x21d: {  	v5 =	vld [tilespmem:s31+$0x40];
	[tilespmem:s29+$0x1070] =	vst v3  }
0x21e: {  	v3 =	vmul.f32 $2.771281240e+01, v12;
	v8 =	vld [tilespmem:s23+$0x200]  }
0x21f: {  	v4 =	vmul.f32 $2.771281240e+01, v4;
	v9 =	vld [tilespmem:s29+$0x1410]  }
0x220: {  	v3 =	vadd.f32 v6, v3;
	v6 =	vmul.f32 $2.771281240e+01, v11;
	v11 =	vld [tilespmem:s30+$0xC50]  }
0x221: {  	v12 =	vld [tilespmem:s7+$0x50];
	v4 =	vadd.f32 v7, v4;
	v7 =	vmul.f32 $2.771281240e+01, v10  }
0x222: {  	[tilespmem:s7+$0x40] =	vst v3;
	v3 =	vld [tilespmem:s0+$0x810];
	v5 =	vadd.f32 v5, v6  }
0x223: {  	v6 =	vld [tilespmem:s20+$0xFFFFFD50];
	[tilespmem:s0+$0x800] =	vst v4;
	v4 =	vadd.f32 v8, v7  }
0x224: {  	v7 =	vld [tilespmem:s1+$0xFFFFFF10];
	[tilespmem:s30+$0xC40] =	vst v5  }
0x225: {  	v5 =	vld [tilespmem:s31+$0x50];
	[tilespmem:s29+$0x1400] =	vst v4  }
0x226: {  	v4 =	vmul.f32 $2.771281240e+01, v12;
	v8 =	vld [tilespmem:s23+$0x210]  }
0x227: {  	v3 =	vmul.f32 $2.771281240e+01, v3;
	v10 =	vld [tilespmem:s29+$0x1420]  }
0x228: {  	v4 =	vadd.f32 v6, v4;
	v6 =	vmul.f32 $2.771281240e+01, v11;
	v11 =	vld [tilespmem:s30+$0xC60]  }
0x229: {  	v12 =	vld [tilespmem:s7+$0x60];
	v3 =	vadd.f32 v7, v3;
	v7 =	vmul.f32 $2.771281240e+01, v9  }
0x22a: {  	[tilespmem:s7+$0x50] =	vst v4;
	v4 =	vld [tilespmem:s0+$0x820];
	v5 =	vadd.f32 v5, v6  }
0x22b: {  	v6 =	vld [tilespmem:s20+$0xFFFFFD60];
	[tilespmem:s0+$0x810] =	vst v3;
	v3 =	vadd.f32 v8, v7  }
0x22c: {  	v7 =	vld [tilespmem:s1+$0xFFFFFF20];
	[tilespmem:s30+$0xC50] =	vst v5  }
0x22d: {  	v5 =	vld [tilespmem:s31+$0x60];
	[tilespmem:s29+$0x1410] =	vst v3  }
0x22e: {  	v3 =	vmul.f32 $2.771281240e+01, v12;
	v8 =	vld [tilespmem:s23+$0x220]  }
0x22f: {  	v4 =	vmul.f32 $2.771281240e+01, v4;
	v9 =	vld [tilespmem:s29+$0x1430]  }
0x230: {  	v3 =	vadd.f32 v6, v3;
	v6 =	vmul.f32 $2.771281240e+01, v11;
	v11 =	vld [tilespmem:s30+$0xC70]  }
0x231: {  	v12 =	vld [tilespmem:s7+$0x70];
	v4 =	vadd.f32 v7, v4;
	v7 =	vmul.f32 $2.771281240e+01, v10  }
0x232: {  	[tilespmem:s7+$0x60] =	vst v3;
	v3 =	vld [tilespmem:s0+$0x830];
	v5 =	vadd.f32 v5, v6  }
0x233: {  	v6 =	vld [tilespmem:s20+$0xFFFFFD70];
	[tilespmem:s0+$0x820] =	vst v4;
	v4 =	vadd.f32 v8, v7  }
0x234: {  	v7 =	vld [tilespmem:s1+$0xFFFFFF30];
	[tilespmem:s30+$0xC60] =	vst v5  }
0x235: {  	v5 =	vld [tilespmem:s31+$0x70];
	[tilespmem:s29+$0x1420] =	vst v4  }
0x236: {  	v4 =	vmul.f32 $2.771281240e+01, v12;
	v8 =	vld [tilespmem:s23+$0x230]  }
0x237: {  	v3 =	vmul.f32 $2.771281240e+01, v3;
	v10 =	vld [tilespmem:s29+$0x1440]  }
0x238: {  	v4 =	vadd.f32 v6, v4;
	v6 =	vmul.f32 $2.771281240e+01, v11;
	v11 =	vld [tilespmem:s30+$0x1000]  }
0x239: {  	v12 =	vld [tilespmem:s7+$0x400];
	v3 =	vadd.f32 v7, v3;
	v7 =	vmul.f32 $2.771281240e+01, v9  }
0x23a: {  	[tilespmem:s7+$0x70] =	vst v4;
	v4 =	vld [tilespmem:s0+$0x840];
	v5 =	vadd.f32 v5, v6  }
0x23b: {  	v6 =	vld [tilespmem:s20+$0xFFFFFE00];
	[tilespmem:s0+$0x830] =	vst v3;
	v3 =	vadd.f32 v8, v7  }
0x23c: {  	v7 =	vld [tilespmem:s1+$0xFFFFFF40];
	[tilespmem:s30+$0xC70] =	vst v5  }
0x23d: {  	v5 =	vld [tilespmem:s31+$0x100];
	[tilespmem:s29+$0x1430] =	vst v3  }
0x23e: {  	v3 =	vmul.f32 $2.771281240e+01, v12;
	v8 =	vld [tilespmem:s23+$0x240]  }
0x23f: {  	v4 =	vmul.f32 $2.771281240e+01, v4;
	v9 =	vld [tilespmem:s29+$0x1450]  }
0x240: {  	v3 =	vadd.f32 v6, v3;
	v6 =	vmul.f32 $2.771281240e+01, v11;
	v11 =	vld [tilespmem:s30+$0x1010]  }
0x241: {  	v12 =	vld [tilespmem:s7+$0x410];
	v4 =	vadd.f32 v7, v4;
	v7 =	vmul.f32 $2.771281240e+01, v10  }
0x242: {  	[tilespmem:s7+$0x400] =	vst v3;
	v3 =	vld [tilespmem:s0+$0x850];
	v5 =	vadd.f32 v5, v6  }
0x243: {  	v6 =	vld [tilespmem:s20+$0xFFFFFE10];
	[tilespmem:s0+$0x840] =	vst v4;
	v4 =	vadd.f32 v8, v7  }
0x244: {  	v7 =	vld [tilespmem:s1+$0xFFFFFF50];
	[tilespmem:s30+$0x1000] =	vst v5  }
0x245: {  	v5 =	vld [tilespmem:s31+$0x110];
	[tilespmem:s29+$0x1440] =	vst v4  }
0x246: {  	v4 =	vmul.f32 $2.771281240e+01, v12;
	v8 =	vld [tilespmem:s23+$0x250]  }
0x247: {  	v3 =	vmul.f32 $2.771281240e+01, v3;
	v10 =	vld [tilespmem:s29+$0x1460]  }
0x248: {  	v4 =	vadd.f32 v6, v4;
	v6 =	vmul.f32 $2.771281240e+01, v11;
	v11 =	vld [tilespmem:s30+$0x1020]  }
0x249: {  	v12 =	vld [tilespmem:s7+$0x420];
	v3 =	vadd.f32 v7, v3;
	v7 =	vmul.f32 $2.771281240e+01, v9  }
0x24a: {  	[tilespmem:s7+$0x410] =	vst v4;
	v4 =	vld [tilespmem:s0+$0x860];
	v5 =	vadd.f32 v5, v6  }
0x24b: {  	v6 =	vld [tilespmem:s20+$0xFFFFFE20];
	[tilespmem:s0+$0x850] =	vst v3;
	v3 =	vadd.f32 v8, v7  }
0x24c: {  	v7 =	vld [tilespmem:s1+$0xFFFFFF60];
	[tilespmem:s30+$0x1010] =	vst v5  }
0x24d: {  	v8 =	vld [tilespmem:s31+$0x120];
	[tilespmem:s29+$0x1450] =	vst v3  }
0x24e: {  	v5 =	vmul.f32 $2.771281240e+01, v12;
	v12 =	vld [tilespmem:s23+$0x260]  }
0x24f: {  	v4 =	vmul.f32 $2.771281240e+01, v4;
	v3 =	vld [tilespmem:s29+$0x1470]  }
0x250: {  	v9 =	vmul.f32 $2.771281240e+01, v11;
	v6 =	vadd.f32 v6, v5;
	v5 =	vld [tilespmem:s30+$0x1030]  }
0x251: {  	v10 =	vmul.f32 $2.771281240e+01, v10;
	v11 =	vld [tilespmem:s7+$0x430];
	v4 =	vadd.f32 v7, v4  }
.Ltmp12:
0x252: {  	[tilespmem:s7+$0x420] =	vst v6;
	v7 =	vld [tilespmem:s0+$0x870];
	v6 =	vadd.f32 v8, v9;
	(pc) =	sbr.rel @p3 .LBB2_21-.Ltmp12, $4  }
0x253: {  	s21 =	sshrl.u32 s9, $0x3;
	v9 =	vld [tilespmem:s20+$0xFFFFFE30];
	[tilespmem:s0+$0x860] =	vst v4;
	v4 =	vadd.f32 v12, v10  }
0x254: {  	s21 =	smul.u32 $0x6000, s21;
	v8 =	vld [tilespmem:s1+$0xFFFFFF70];
	[tilespmem:s30+$0x1020] =	vst v6  }
0x255: {  	s8 =	sadd.s32 $0x80, s8;
	v6 =	vld [tilespmem:s31+$0x130];
	[tilespmem:s29+$0x1460] =	vst v4  }
0x256: {  	s9 =	sadd.s32 $0x1, s9;
	s21 =	sshra.s32 s21, $0x2;
	s20 =	sadd.s32 $0x600, s20;
	v10 =	vmul.f32 $2.771281240e+01, v11;
	v4 =	vld [tilespmem:s23+$0x270]  }
0x257: {  	s8 =	sand.u32 $0x380, s8;
	s9 =	sadd.s32 s21, s16  }
0x258: {  	s16 =	sadd.s32 s8, s9  }
0x259: {  	v11 =	vld [tilespmem:s16+$0x0];
	_ =	sdelay $0x1  }
0x25a: {  	v12 =	vld [tilespmem:s20+$0xFFFFFD00];
	_ =	sdelay $0x2  }
0x25b: {  	v11 =	vmul.f32 $2.771281240e+01, v11;
	_ =	sdelay $0x1  }
0x25c: {  	v11 =	vadd.f32 v12, v11  }
0x25d: {  	v29 =	vld [tilespmem:s16+$0x10]  }
0x25e: {  	[tilespmem:s16+$0x0] =	vst v11  }
0x25f: {  	v11 =	vld [tilespmem:s20+$0xFFFFFD10];
	_ =	sdelay $0x2  }
0x260: {  	v12 =	vmul.f32 $2.771281240e+01, v29;
	_ =	sdelay $0x1  }
0x261: {  	v11 =	vadd.f32 v11, v12  }
0x262: {  	v30 =	vld [tilespmem:s16+$0x20]  }
0x263: {  	[tilespmem:s16+$0x10] =	vst v11  }
0x264: {  	v11 =	vld [tilespmem:s20+$0xFFFFFD20];
	_ =	sdelay $0x2  }
0x265: {  	v12 =	vmul.f32 $2.771281240e+01, v30;
	_ =	sdelay $0x1  }
0x266: {  	v11 =	vadd.f32 v11, v12  }
0x267: {  	v31 =	vld [tilespmem:s16+$0x30]  }
0x268: {  	[tilespmem:s16+$0x20] =	vst v11  }
0x269: {  	v11 =	vld [tilespmem:s20+$0xFFFFFD30];
	_ =	sdelay $0x2  }
0x26a: {  	v12 =	vmul.f32 $2.771281240e+01, v31;
	_ =	sdelay $0x1  }
0x26b: {  	v11 =	vadd.f32 v11, v12  }
0x26c: {  	v32 =	vld [tilespmem:s16+$0x40]  }
0x26d: {  	[tilespmem:s16+$0x30] =	vst v11  }
0x26e: {  	v11 =	vld [tilespmem:s20+$0xFFFFFD40];
	_ =	sdelay $0x2  }
0x26f: {  	v12 =	vmul.f32 $2.771281240e+01, v32;
	_ =	sdelay $0x1  }
0x270: {  	v11 =	vadd.f32 v11, v12  }
0x271: {  	v33 =	vld [tilespmem:s16+$0x50]  }
0x272: {  	[tilespmem:s16+$0x40] =	vst v11  }
0x273: {  	v11 =	vld [tilespmem:s20+$0xFFFFFD50];
	_ =	sdelay $0x2  }
0x274: {  	v12 =	vmul.f32 $2.771281240e+01, v33;
	_ =	sdelay $0x1  }
0x275: {  	v11 =	vadd.f32 v11, v12  }
0x276: {  	v34 =	vld [tilespmem:s16+$0x60]  }
0x277: {  	[tilespmem:s16+$0x50] =	vst v11  }
0x278: {  	v11 =	vld [tilespmem:s20+$0xFFFFFD60];
	_ =	sdelay $0x2  }
0x279: {  	v12 =	vmul.f32 $2.771281240e+01, v34;
	_ =	sdelay $0x1  }
0x27a: {  	v11 =	vadd.f32 v11, v12  }
0x27b: {  	v35 =	vld [tilespmem:s16+$0x70]  }
0x27c: {  	[tilespmem:s16+$0x60] =	vst v11  }
0x27d: {  	v11 =	vld [tilespmem:s20+$0xFFFFFD70];
	_ =	sdelay $0x2  }
0x27e: {  	v12 =	vmul.f32 $2.771281240e+01, v35;
	_ =	sdelay $0x1  }
0x27f: {  	v11 =	vadd.f32 v11, v12  }
0x280: {  	v36 =	vld [tilespmem:s16+$0x400]  }
0x281: {  	[tilespmem:s16+$0x70] =	vst v11  }
0x282: {  	v11 =	vld [tilespmem:s20+$0xFFFFFE00];
	_ =	sdelay $0x2  }
0x283: {  	v12 =	vmul.f32 $2.771281240e+01, v36;
	_ =	sdelay $0x1  }
0x284: {  	v11 =	vadd.f32 v11, v12  }
0x285: {  	v37 =	vld [tilespmem:s16+$0x410]  }
0x286: {  	[tilespmem:s16+$0x400] =	vst v11  }
0x287: {  	v11 =	vld [tilespmem:s20+$0xFFFFFE10];
	_ =	sdelay $0x2  }
0x288: {  	v12 =	vmul.f32 $2.771281240e+01, v37;
	_ =	sdelay $0x1  }
0x289: {  	v11 =	vadd.f32 v11, v12  }
0x28a: {  	v38 =	vld [tilespmem:s16+$0x420]  }
0x28b: {  	[tilespmem:s16+$0x410] =	vst v11  }
0x28c: {  	v11 =	vld [tilespmem:s20+$0xFFFFFE20];
	_ =	sdelay $0x2  }
0x28d: {  	v12 =	vmul.f32 $2.771281240e+01, v38;
	_ =	sdelay $0x1  }
0x28e: {  	v11 =	vadd.f32 v11, v12  }
0x28f: {  	v39 =	vld [tilespmem:s16+$0x430]  }
0x290: {  	[tilespmem:s16+$0x420] =	vst v11  }
0x291: {  	v40 =	vld [tilespmem:s20+$0xFFFFFE30];
	_ =	sdelay $0x2  }
0x292: {  	v9 =	vadd.f32 v9, v10;
	v42 =	vmul.f32 $2.771281240e+01, v39  }
0x293: {  	v41 =	vld [tilespmem:s7+$0x440]  }
0x294: {  	v44 =	vld [tilespmem:s16+$0x440];
	[tilespmem:s7+$0x430] =	vst v9;
	v10 =	vadd.f32 v40, v42  }
0x295: {  	v43 =	vld [tilespmem:s15+$0xFFFFFE40]  }
0x296: {  	[tilespmem:s16+$0x430] =	vst v10  }
0x297: {  	v10 =	vld [tilespmem:s20+$0xFFFFFE40]  }
0x298: {  	v9 =	vmul.f32 $2.771281240e+01, v41;
	_ =	sdelay $0x1  }
0x299: {  	v9 =	vadd.f32 v43, v9;
	v11 =	vmul.f32 $2.771281240e+01, v44  }
0x29a: {  	v45 =	vld [tilespmem:s7+$0x450]  }
0x29b: {  	v46 =	vld [tilespmem:s16+$0x450];
	[tilespmem:s7+$0x440] =	vst v9;
	v10 =	vadd.f32 v10, v11  }
0x29c: {  	v9 =	vld [tilespmem:s15+$0xFFFFFE50]  }
0x29d: {  	[tilespmem:s16+$0x440] =	vst v10  }
0x29e: {  	v48 =	vld [tilespmem:s20+$0xFFFFFE50]  }
0x29f: {  	v47 =	vmul.f32 $2.771281240e+01, v45;
	_ =	sdelay $0x1  }
0x2a0: {  	v9 =	vadd.f32 v9, v47;
	v11 =	vmul.f32 $2.771281240e+01, v46  }
0x2a1: {  	v49 =	vld [tilespmem:s7+$0x460]  }
0x2a2: {  	v50 =	vld [tilespmem:s16+$0x460];
	[tilespmem:s7+$0x450] =	vst v9;
	v11 =	vadd.f32 v48, v11  }
0x2a3: {  	v9 =	vld [tilespmem:s15+$0xFFFFFE60]  }
0x2a4: {  	[tilespmem:s16+$0x450] =	vst v11  }
0x2a5: {  	v11 =	vld [tilespmem:s20+$0xFFFFFE60]  }
0x2a6: {  	v10 =	vmul.f32 $2.771281240e+01, v49;
	_ =	sdelay $0x1  }
0x2a7: {  	v12 =	vmul.f32 $2.771281240e+01, v50;
	v9 =	vadd.f32 v9, v10  }
0x2a8: {  	v51 =	vld [tilespmem:s7+$0x470]  }
0x2a9: {  	v52 =	vld [tilespmem:s16+$0x470];
	[tilespmem:s7+$0x460] =	vst v9;
	v11 =	vadd.f32 v11, v12  }
0x2aa: {  	v9 =	vld [tilespmem:s15+$0xFFFFFE70]  }
0x2ab: {  	[tilespmem:s16+$0x460] =	vst v11  }
0x2ac: {  	v11 =	vld [tilespmem:s20+$0xFFFFFE70]  }
0x2ad: {  	v10 =	vmul.f32 $2.771281240e+01, v51;
	_ =	sdelay $0x1  }
0x2ae: {  	v9 =	vadd.f32 v9, v10;
	v12 =	vmul.f32 $2.771281240e+01, v52  }
0x2af: {  	v53 =	vld [tilespmem:s7+$0x800]  }
0x2b0: {  	v54 =	vld [tilespmem:s16+$0x800];
	[tilespmem:s7+$0x470] =	vst v9;
	v11 =	vadd.f32 v11, v12  }
0x2b1: {  	v9 =	vld [tilespmem:s15+$0xFFFFFF00]  }
0x2b2: {  	[tilespmem:s16+$0x470] =	vst v11  }
0x2b3: {  	v11 =	vld [tilespmem:s20+$0xFFFFFF00]  }
0x2b4: {  	v10 =	vmul.f32 $2.771281240e+01, v53;
	_ =	sdelay $0x1  }
0x2b5: {  	v9 =	vadd.f32 v9, v10;
	v12 =	vmul.f32 $2.771281240e+01, v54  }
0x2b6: {  	v55 =	vld [tilespmem:s7+$0x810]  }
0x2b7: {  	v56 =	vld [tilespmem:s16+$0x810];
	[tilespmem:s7+$0x800] =	vst v9;
	v11 =	vadd.f32 v11, v12  }
0x2b8: {  	v9 =	vld [tilespmem:s15+$0xFFFFFF10]  }
0x2b9: {  	[tilespmem:s16+$0x800] =	vst v11  }
0x2ba: {  	v11 =	vld [tilespmem:s20+$0xFFFFFF10]  }
0x2bb: {  	v10 =	vmul.f32 $2.771281240e+01, v55;
	_ =	sdelay $0x1  }
0x2bc: {  	v9 =	vadd.f32 v9, v10;
	v12 =	vmul.f32 $2.771281240e+01, v56  }
0x2bd: {  	v57 =	vld [tilespmem:s7+$0x820]  }
0x2be: {  	v58 =	vld [tilespmem:s16+$0x820];
	[tilespmem:s7+$0x810] =	vst v9;
	v11 =	vadd.f32 v11, v12  }
0x2bf: {  	v9 =	vld [tilespmem:s15+$0xFFFFFF20]  }
0x2c0: {  	[tilespmem:s16+$0x810] =	vst v11  }
0x2c1: {  	v11 =	vld [tilespmem:s20+$0xFFFFFF20]  }
0x2c2: {  	v10 =	vmul.f32 $2.771281240e+01, v57;
	_ =	sdelay $0x1  }
0x2c3: {  	v9 =	vadd.f32 v9, v10;
	v12 =	vmul.f32 $2.771281240e+01, v58  }
0x2c4: {  	v59 =	vld [tilespmem:s7+$0x830]  }
0x2c5: {  	v60 =	vld [tilespmem:s16+$0x830];
	[tilespmem:s7+$0x820] =	vst v9;
	v11 =	vadd.f32 v11, v12  }
0x2c6: {  	v9 =	vld [tilespmem:s15+$0xFFFFFF30]  }
0x2c7: {  	[tilespmem:s16+$0x820] =	vst v11  }
0x2c8: {  	v11 =	vld [tilespmem:s20+$0xFFFFFF30]  }
0x2c9: {  	v10 =	vmul.f32 $2.771281240e+01, v59;
	_ =	sdelay $0x1  }
0x2ca: {  	v9 =	vadd.f32 v9, v10;
	v12 =	vmul.f32 $2.771281240e+01, v60  }
0x2cb: {  	v61 =	vld [tilespmem:s7+$0x840]  }
0x2cc: {  	v62 =	vld [tilespmem:s16+$0x840];
	[tilespmem:s7+$0x830] =	vst v9;
	v11 =	vadd.f32 v11, v12  }
0x2cd: {  	v9 =	vld [tilespmem:s15+$0xFFFFFF40]  }
0x2ce: {  	[tilespmem:s16+$0x830] =	vst v11  }
0x2cf: {  	v11 =	vld [tilespmem:s20+$0xFFFFFF40]  }
0x2d0: {  	v10 =	vmul.f32 $2.771281240e+01, v61;
	_ =	sdelay $0x1  }
0x2d1: {  	v9 =	vadd.f32 v9, v10;
	v12 =	vmul.f32 $2.771281240e+01, v62  }
0x2d2: {  	v63 =	vld [tilespmem:s7+$0x850]  }
0x2d3: {  	v16 =	vld [tilespmem:s16+$0x850];
	[tilespmem:s7+$0x840] =	vst v9;
	v11 =	vadd.f32 v11, v12  }
0x2d4: {  	v9 =	vld [tilespmem:s15+$0xFFFFFF50]  }
0x2d5: {  	[tilespmem:s16+$0x840] =	vst v11  }
0x2d6: {  	v11 =	vld [tilespmem:s20+$0xFFFFFF50]  }
0x2d7: {  	v10 =	vmul.f32 $2.771281240e+01, v63;
	_ =	sdelay $0x1  }
0x2d8: {  	v9 =	vadd.f32 v9, v10;
	v12 =	vmul.f32 $2.771281240e+01, v16  }
0x2d9: {  	v17 =	vld [tilespmem:s7+$0x860]  }
0x2da: {  	v18 =	vld [tilespmem:s16+$0x860];
	[tilespmem:s7+$0x850] =	vst v9;
	v11 =	vadd.f32 v11, v12  }
0x2db: {  	v9 =	vld [tilespmem:s15+$0xFFFFFF60]  }
0x2dc: {  	[tilespmem:s16+$0x850] =	vst v11  }
0x2dd: {  	v11 =	vld [tilespmem:s20+$0xFFFFFF60]  }
0x2de: {  	v10 =	vmul.f32 $2.771281240e+01, v17;
	_ =	sdelay $0x1  }
0x2df: {  	v9 =	vadd.f32 v9, v10;
	v12 =	vmul.f32 $2.771281240e+01, v18  }
0x2e0: {  	v19 =	vld [tilespmem:s7+$0x870]  }
0x2e1: {  	v20 =	vld [tilespmem:s16+$0x870];
	[tilespmem:s7+$0x860] =	vst v9;
	v11 =	vadd.f32 v11, v12  }
0x2e2: {  	v7 =	vmul.f32 $2.771281240e+01, v7;
	v9 =	vld [tilespmem:s15+$0xFFFFFF70]  }
0x2e3: {  	[tilespmem:s16+$0x860] =	vst v11  }
0x2e4: {  	v7 =	vadd.f32 v8, v7;
	v22 =	vld [tilespmem:s20+$0xFFFFFF70]  }
0x2e5: {  	v23 =	vld [tilespmem:s0+$0xC00];
	v21 =	vmul.f32 $2.771281240e+01, v19  }
0x2e6: {  	[tilespmem:s0+$0x870] =	vst v7  }
0x2e7: {  	v25 =	vld [tilespmem:s1+$0x0];
	v24 =	vmul.f32 $2.771281240e+01, v20;
	v8 =	vadd.f32 v9, v21  }
0x2e8: {  	v26 =	vld [tilespmem:s7+$0xC00]  }
0x2e9: {  	v27 =	vld [tilespmem:s16+$0xC00];
	[tilespmem:s7+$0x870] =	vst v8;
	v9 =	vadd.f32 v22, v24  }
0x2ea: {  	v7 =	vmul.f32 $2.771281240e+01, v23;
	v28 =	vld [tilespmem:s15+$0x0]  }
0x2eb: {  	[tilespmem:s16+$0x870] =	vst v9  }
0x2ec: {  	v7 =	vadd.f32 v25, v7;
	v9 =	vld [tilespmem:s20+$0x0]  }
0x2ed: {  	v8 =	vmul.f32 $2.771281240e+01, v26  }
0x2ee: {  	v29 =	vld [tilespmem:s0+$0xC10];
	[tilespmem:s0+$0xC00] =	vst v7  }
0x2ef: {  	v30 =	vmul.f32 $2.771281240e+01, v27;
	v31 =	vld [tilespmem:s1+$0x10];
	v8 =	vadd.f32 v28, v8  }
0x2f0: {  	v32 =	vld [tilespmem:s7+$0xC10]  }
0x2f1: {  	v33 =	vld [tilespmem:s16+$0xC10];
	[tilespmem:s7+$0xC00] =	vst v8;
	v7 =	vadd.f32 v9, v30  }
0x2f2: {  	v35 =	vld [tilespmem:s15+$0x10]  }
0x2f3: {  	[tilespmem:s16+$0xC00] =	vst v7  }
0x2f4: {  	v34 =	vmul.f32 $2.771281240e+01, v29;
	v7 =	vld [tilespmem:s20+$0x10]  }
0x2f5: {  	v12 =	vmul.f32 $2.771281240e+01, v32  }
0x2f6: {  	v36 =	vld [tilespmem:s0+$0xC20];
	v9 =	vadd.f32 v31, v34  }
0x2f7: {  	v37 =	vld [tilespmem:s7+$0xC20];
	v8 =	vmul.f32 $2.771281240e+01, v33;
	v11 =	vadd.f32 v35, v12  }
0x2f8: {  	v38 =	vld [tilespmem:s16+$0xC20];
	[tilespmem:s0+$0xC10] =	vst v9  }
0x2f9: {  	[tilespmem:s7+$0xC10] =	vst v11;
	v9 =	vld [tilespmem:s1+$0x20];
	v7 =	vadd.f32 v7, v8  }
0x2fa: {  	v11 =	vld [tilespmem:s15+$0x20]  }
0x2fb: {  	[tilespmem:s16+$0xC10] =	vst v7  }
0x2fc: {  	v10 =	vmul.f32 $2.771281240e+01, v36;
	v7 =	vld [tilespmem:s20+$0x20]  }
0x2fd: {  	v12 =	vmul.f32 $2.771281240e+01, v37  }
0x2fe: {  	v41 =	vld [tilespmem:s16+$0xC30];
	v9 =	vadd.f32 v9, v10  }
0x2ff: {  	v39 =	vld [tilespmem:s0+$0xC30];
	v11 =	vadd.f32 v11, v12;
	v8 =	vmul.f32 $2.771281240e+01, v38  }
0x300: {  	v40 =	vld [tilespmem:s7+$0xC30];
	[tilespmem:s0+$0xC20] =	vst v9  }
0x301: {  	[tilespmem:s7+$0xC20] =	vst v11;
	v9 =	vld [tilespmem:s1+$0x30];
	v7 =	vadd.f32 v7, v8  }
0x302: {  	v11 =	vld [tilespmem:s15+$0x30]  }
0x303: {  	[tilespmem:s16+$0xC20] =	vst v7  }
0x304: {  	v10 =	vmul.f32 $2.771281240e+01, v39;
	v7 =	vld [tilespmem:s20+$0x30]  }
0x305: {  	v12 =	vmul.f32 $2.771281240e+01, v40  }
0x306: {  	v43 =	vld [tilespmem:s7+$0xC40];
	v9 =	vadd.f32 v9, v10  }
0x307: {  	v42 =	vld [tilespmem:s0+$0xC40];
	v11 =	vadd.f32 v11, v12;
	v8 =	vmul.f32 $2.771281240e+01, v41  }
0x308: {  	v44 =	vld [tilespmem:s16+$0xC40];
	[tilespmem:s0+$0xC30] =	vst v9  }
0x309: {  	[tilespmem:s7+$0xC30] =	vst v11;
	v9 =	vld [tilespmem:s1+$0x40];
	v7 =	vadd.f32 v7, v8  }
0x30a: {  	v11 =	vld [tilespmem:s15+$0x40]  }
0x30b: {  	[tilespmem:s16+$0xC30] =	vst v7  }
0x30c: {  	v10 =	vmul.f32 $2.771281240e+01, v42;
	v7 =	vld [tilespmem:s20+$0x40]  }
0x30d: {  	v12 =	vmul.f32 $2.771281240e+01, v43  }
0x30e: {  	v45 =	vld [tilespmem:s0+$0xC50];
	v9 =	vadd.f32 v9, v10  }
0x30f: {  	v47 =	vld [tilespmem:s16+$0xC50];
	v11 =	vadd.f32 v11, v12;
	v8 =	vmul.f32 $2.771281240e+01, v44  }
0x310: {  	v46 =	vld [tilespmem:s7+$0xC50];
	[tilespmem:s0+$0xC40] =	vst v9  }
0x311: {  	[tilespmem:s7+$0xC40] =	vst v11;
	v9 =	vld [tilespmem:s1+$0x50];
	v7 =	vadd.f32 v7, v8  }
0x312: {  	v11 =	vld [tilespmem:s15+$0x50]  }
0x313: {  	[tilespmem:s16+$0xC40] =	vst v7  }
0x314: {  	v10 =	vmul.f32 $2.771281240e+01, v45;
	v7 =	vld [tilespmem:s20+$0x50]  }
0x315: {  	v12 =	vmul.f32 $2.771281240e+01, v46  }
0x316: {  	v50 =	vld [tilespmem:s16+$0xC60];
	v9 =	vadd.f32 v9, v10  }
0x317: {  	v48 =	vld [tilespmem:s0+$0xC60];
	v11 =	vadd.f32 v11, v12;
	v8 =	vmul.f32 $2.771281240e+01, v47  }
0x318: {  	v49 =	vld [tilespmem:s7+$0xC60];
	[tilespmem:s0+$0xC50] =	vst v9  }
0x319: {  	[tilespmem:s7+$0xC50] =	vst v11;
	v9 =	vld [tilespmem:s1+$0x60];
	v7 =	vadd.f32 v7, v8  }
0x31a: {  	v11 =	vld [tilespmem:s15+$0x60]  }
0x31b: {  	[tilespmem:s16+$0xC50] =	vst v7  }
0x31c: {  	v10 =	vmul.f32 $2.771281240e+01, v48;
	v7 =	vld [tilespmem:s20+$0x60]  }
0x31d: {  	v12 =	vmul.f32 $2.771281240e+01, v49  }
0x31e: {  	v51 =	vld [tilespmem:s0+$0xC70];
	v9 =	vadd.f32 v9, v10  }
0x31f: {  	v53 =	vld [tilespmem:s16+$0xC70];
	v11 =	vadd.f32 v11, v12;
	v8 =	vmul.f32 $2.771281240e+01, v50  }
0x320: {  	v52 =	vld [tilespmem:s7+$0xC70];
	[tilespmem:s0+$0xC60] =	vst v9  }
0x321: {  	[tilespmem:s7+$0xC60] =	vst v11;
	v9 =	vld [tilespmem:s1+$0x70];
	v7 =	vadd.f32 v7, v8  }
0x322: {  	v11 =	vld [tilespmem:s15+$0x70]  }
0x323: {  	[tilespmem:s16+$0xC60] =	vst v7  }
0x324: {  	v10 =	vmul.f32 $2.771281240e+01, v51;
	v7 =	vld [tilespmem:s20+$0x70]  }
0x325: {  	v12 =	vmul.f32 $2.771281240e+01, v52  }
0x326: {  	v55 =	vld [tilespmem:s7+$0x1000];
	v9 =	vadd.f32 v9, v10  }
0x327: {  	v54 =	vld [tilespmem:s0+$0x1000];
	v11 =	vadd.f32 v11, v12;
	v8 =	vmul.f32 $2.771281240e+01, v53  }
0x328: {  	v56 =	vld [tilespmem:s16+$0x1000];
	[tilespmem:s0+$0xC70] =	vst v9  }
0x329: {  	[tilespmem:s7+$0xC70] =	vst v11;
	v9 =	vld [tilespmem:s1+$0x100];
	v7 =	vadd.f32 v7, v8  }
0x32a: {  	v11 =	vld [tilespmem:s15+$0x100]  }
0x32b: {  	[tilespmem:s16+$0xC70] =	vst v7  }
0x32c: {  	v10 =	vmul.f32 $2.771281240e+01, v54;
	v7 =	vld [tilespmem:s20+$0x100]  }
0x32d: {  	v12 =	vmul.f32 $2.771281240e+01, v55  }
0x32e: {  	v57 =	vld [tilespmem:s0+$0x1010];
	v9 =	vadd.f32 v9, v10  }
0x32f: {  	v59 =	vld [tilespmem:s16+$0x1010];
	v11 =	vadd.f32 v11, v12;
	v8 =	vmul.f32 $2.771281240e+01, v56  }
0x330: {  	v58 =	vld [tilespmem:s7+$0x1010];
	[tilespmem:s0+$0x1000] =	vst v9  }
0x331: {  	[tilespmem:s7+$0x1000] =	vst v11;
	v9 =	vld [tilespmem:s1+$0x110];
	v7 =	vadd.f32 v7, v8  }
0x332: {  	v11 =	vld [tilespmem:s15+$0x110]  }
0x333: {  	[tilespmem:s16+$0x1000] =	vst v7  }
0x334: {  	v10 =	vmul.f32 $2.771281240e+01, v57;
	v7 =	vld [tilespmem:s20+$0x110]  }
0x335: {  	v12 =	vmul.f32 $2.771281240e+01, v58  }
0x336: {  	v61 =	vld [tilespmem:s7+$0x1020];
	v9 =	vadd.f32 v9, v10  }
0x337: {  	v60 =	vld [tilespmem:s0+$0x1020];
	v11 =	vadd.f32 v11, v12;
	v8 =	vmul.f32 $2.771281240e+01, v59  }
0x338: {  	v62 =	vld [tilespmem:s16+$0x1020];
	[tilespmem:s0+$0x1010] =	vst v9  }
0x339: {  	[tilespmem:s7+$0x1010] =	vst v11;
	v9 =	vld [tilespmem:s1+$0x120];
	v7 =	vadd.f32 v7, v8  }
0x33a: {  	v11 =	vld [tilespmem:s15+$0x120]  }
0x33b: {  	[tilespmem:s16+$0x1010] =	vst v7  }
0x33c: {  	v10 =	vmul.f32 $2.771281240e+01, v60;
	v7 =	vld [tilespmem:s20+$0x120]  }
0x33d: {  	v12 =	vmul.f32 $2.771281240e+01, v61  }
0x33e: {  	v63 =	vld [tilespmem:s0+$0x1030];
	v9 =	vadd.f32 v9, v10  }
0x33f: {  	v17 =	vld [tilespmem:s16+$0x1030];
	v11 =	vadd.f32 v11, v12;
	v8 =	vmul.f32 $2.771281240e+01, v62  }
0x340: {  	v16 =	vld [tilespmem:s7+$0x1030];
	[tilespmem:s0+$0x1020] =	vst v9  }
0x341: {  	[tilespmem:s7+$0x1020] =	vst v11;
	v9 =	vld [tilespmem:s1+$0x130];
	v7 =	vadd.f32 v7, v8  }
0x342: {  	v11 =	vld [tilespmem:s15+$0x130]  }
0x343: {  	[tilespmem:s16+$0x1020] =	vst v7  }
0x344: {  	v10 =	vmul.f32 $2.771281240e+01, v63;
	v18 =	vld [tilespmem:s20+$0x130]  }
0x345: {  	v19 =	vld [tilespmem:s30+$0x1040];
	v21 =	vmul.f32 $2.771281240e+01, v16  }
0x346: {  	v5 =	vmul.f32 $2.771281240e+01, v5;
	v20 =	vld [tilespmem:s0+$0x1040];
	v9 =	vadd.f32 v9, v10  }
0x347: {  	v23 =	vld [tilespmem:s7+$0x1040];
	v8 =	vmul.f32 $2.771281240e+01, v17;
	v10 =	vadd.f32 v11, v21  }
0x348: {  	v5 =	vadd.f32 v6, v5;
	v24 =	vld [tilespmem:s16+$0x1040];
	[tilespmem:s0+$0x1030] =	vst v9  }
0x349: {  	[tilespmem:s7+$0x1030] =	vst v10;
	v9 =	vld [tilespmem:s1+$0x140];
	v6 =	vadd.f32 v18, v8  }
0x34a: {  	[tilespmem:s30+$0x1030] =	vst v5;
	v10 =	vld [tilespmem:s15+$0x140]  }
0x34b: {  	v22 =	vld [tilespmem:s31+$0x140];
	[tilespmem:s16+$0x1030] =	vst v6  }
0x34c: {  	v5 =	vmul.f32 $2.771281240e+01, v20;
	v26 =	vld [tilespmem:s20+$0x140]  }
0x34d: {  	v27 =	vld [tilespmem:s30+$0x1050];
	v29 =	vmul.f32 $2.771281240e+01, v23  }
0x34e: {  	v28 =	vld [tilespmem:s0+$0x1050];
	v7 =	vmul.f32 $2.771281240e+01, v19;
	v5 =	vadd.f32 v9, v5  }
0x34f: {  	v33 =	vld [tilespmem:s7+$0x1050];
	v31 =	vmul.f32 $2.771281240e+01, v24;
	v9 =	vadd.f32 v10, v29  }
0x350: {  	v35 =	vld [tilespmem:s16+$0x1050];
	v25 =	vadd.f32 v22, v7;
	[tilespmem:s0+$0x1040] =	vst v5  }
0x351: {  	[tilespmem:s7+$0x1040] =	vst v9;
	v32 =	vld [tilespmem:s1+$0x150];
	v5 =	vadd.f32 v26, v31  }
0x352: {  	[tilespmem:s30+$0x1040] =	vst v25;
	v36 =	vld [tilespmem:s15+$0x150]  }
0x353: {  	v30 =	vld [tilespmem:s31+$0x150];
	[tilespmem:s16+$0x1040] =	vst v5  }
0x354: {  	v6 =	vmul.f32 $2.771281240e+01, v28;
	v38 =	vld [tilespmem:s20+$0x150]  }
0x355: {  	v40 =	vld [tilespmem:s0+$0x1060];
	v41 =	vmul.f32 $2.771281240e+01, v33  }
0x356: {  	v34 =	vmul.f32 $2.771281240e+01, v27;
	v39 =	vld [tilespmem:s30+$0x1060];
	v6 =	vadd.f32 v32, v6  }
0x357: {  	v43 =	vmul.f32 $2.771281240e+01, v35;
	v45 =	vld [tilespmem:s7+$0x1060];
	v8 =	vadd.f32 v36, v41  }
0x358: {  	v47 =	vld [tilespmem:s16+$0x1060];
	v37 =	vadd.f32 v30, v34;
	[tilespmem:s0+$0x1050] =	vst v6  }
0x359: {  	[tilespmem:s7+$0x1050] =	vst v8;
	v44 =	vld [tilespmem:s1+$0x160];
	v6 =	vadd.f32 v38, v43  }
0x35a: {  	[tilespmem:s30+$0x1050] =	vst v37;
	v48 =	vld [tilespmem:s15+$0x160]  }
0x35b: {  	v42 =	vld [tilespmem:s31+$0x160];
	[tilespmem:s16+$0x1050] =	vst v6  }
0x35c: {  	v5 =	vmul.f32 $2.771281240e+01, v40;
	v50 =	vld [tilespmem:s20+$0x160]  }
0x35d: {  	v52 =	vld [tilespmem:s0+$0x1070];
	v53 =	vmul.f32 $2.771281240e+01, v45  }
0x35e: {  	v46 =	vmul.f32 $2.771281240e+01, v39;
	v51 =	vld [tilespmem:s30+$0x1070];
	v5 =	vadd.f32 v44, v5  }
0x35f: {  	v55 =	vmul.f32 $2.771281240e+01, v47;
	v57 =	vld [tilespmem:s7+$0x1070];
	v9 =	vadd.f32 v48, v53  }
0x360: {  	v59 =	vld [tilespmem:s16+$0x1070];
	v49 =	vadd.f32 v42, v46;
	[tilespmem:s0+$0x1060] =	vst v5  }
0x361: {  	[tilespmem:s7+$0x1060] =	vst v9;
	v56 =	vld [tilespmem:s1+$0x170];
	v5 =	vadd.f32 v50, v55  }
0x362: {  	[tilespmem:s30+$0x1060] =	vst v49;
	v60 =	vld [tilespmem:s15+$0x170]  }
0x363: {  	v54 =	vld [tilespmem:s31+$0x170];
	[tilespmem:s16+$0x1060] =	vst v5  }
0x364: {  	v6 =	vmul.f32 $2.771281240e+01, v52;
	v62 =	vld [tilespmem:s20+$0x170]  }
0x365: {  	v15 =	vld [tilespmem:s0+$0x1400];
	v16 =	vmul.f32 $2.771281240e+01, v57  }
0x366: {  	v20 =	vld [tilespmem:s7+$0x1400];
	v58 =	vmul.f32 $2.771281240e+01, v51;
	v6 =	vadd.f32 v56, v6  }
0x367: {  	v63 =	vld [tilespmem:s30+$0x1400];
	v18 =	vmul.f32 $2.771281240e+01, v59;
	v8 =	vadd.f32 v60, v16  }
0x368: {  	v22 =	vld [tilespmem:s16+$0x1400];
	v61 =	vadd.f32 v54, v58;
	[tilespmem:s0+$0x1070] =	vst v6  }
0x369: {  	[tilespmem:s7+$0x1070] =	vst v8;
	v19 =	vld [tilespmem:s1+$0x200];
	v6 =	vadd.f32 v62, v18  }
0x36a: {  	[tilespmem:s30+$0x1070] =	vst v61;
	v23 =	vld [tilespmem:s15+$0x200]  }
0x36b: {  	v17 =	vld [tilespmem:s31+$0x200];
	[tilespmem:s16+$0x1070] =	vst v6  }
0x36c: {  	v5 =	vmul.f32 $2.771281240e+01, v15;
	v25 =	vld [tilespmem:s20+$0x200]  }
0x36d: {  	v27 =	vld [tilespmem:s0+$0x1410];
	v28 =	vmul.f32 $2.771281240e+01, v20  }
0x36e: {  	v21 =	vmul.f32 $2.771281240e+01, v63;
	v34 =	vld [tilespmem:s16+$0x1410];
	v5 =	vadd.f32 v19, v5  }
0x36f: {  	v30 =	vmul.f32 $2.771281240e+01, v22;
	v26 =	vld [tilespmem:s30+$0x1410];
	v9 =	vadd.f32 v23, v28  }
0x370: {  	v32 =	vld [tilespmem:s7+$0x1410];
	v24 =	vadd.f32 v17, v21;
	[tilespmem:s0+$0x1400] =	vst v5  }
0x371: {  	[tilespmem:s7+$0x1400] =	vst v9;
	v31 =	vld [tilespmem:s1+$0x210];
	v5 =	vadd.f32 v25, v30  }
0x372: {  	[tilespmem:s30+$0x1400] =	vst v24;
	v35 =	vld [tilespmem:s15+$0x210]  }
0x373: {  	v29 =	vld [tilespmem:s31+$0x210];
	[tilespmem:s16+$0x1400] =	vst v5  }
0x374: {  	v6 =	vmul.f32 $2.771281240e+01, v27;
	v37 =	vld [tilespmem:s20+$0x210]  }
0x375: {  	v39 =	vld [tilespmem:s0+$0x1420];
	v40 =	vmul.f32 $2.771281240e+01, v32  }
0x376: {  	v46 =	vld [tilespmem:s16+$0x1420];
	v33 =	vmul.f32 $2.771281240e+01, v26;
	v6 =	vadd.f32 v31, v6  }
0x377: {  	v42 =	vmul.f32 $2.771281240e+01, v34;
	v38 =	vld [tilespmem:s30+$0x1420];
	v8 =	vadd.f32 v35, v40  }
0x378: {  	v44 =	vld [tilespmem:s7+$0x1420];
	v36 =	vadd.f32 v29, v33;
	[tilespmem:s0+$0x1410] =	vst v6  }
0x379: {  	[tilespmem:s7+$0x1410] =	vst v8;
	v43 =	vld [tilespmem:s1+$0x220];
	v6 =	vadd.f32 v37, v42  }
0x37a: {  	[tilespmem:s30+$0x1410] =	vst v36;
	v47 =	vld [tilespmem:s15+$0x220]  }
0x37b: {  	v41 =	vld [tilespmem:s31+$0x220];
	[tilespmem:s16+$0x1410] =	vst v6  }
0x37c: {  	v5 =	vmul.f32 $2.771281240e+01, v39;
	v49 =	vld [tilespmem:s20+$0x220]  }
0x37d: {  	v51 =	vld [tilespmem:s0+$0x1430];
	v52 =	vmul.f32 $2.771281240e+01, v44  }
0x37e: {  	v58 =	vld [tilespmem:s16+$0x1430];
	v45 =	vmul.f32 $2.771281240e+01, v38;
	v5 =	vadd.f32 v43, v5  }
0x37f: {  	v54 =	vmul.f32 $2.771281240e+01, v46;
	v50 =	vld [tilespmem:s30+$0x1430];
	v9 =	vadd.f32 v47, v52  }
0x380: {  	v56 =	vld [tilespmem:s7+$0x1430];
	v48 =	vadd.f32 v41, v45;
	[tilespmem:s0+$0x1420] =	vst v5  }
0x381: {  	[tilespmem:s7+$0x1420] =	vst v9;
	v55 =	vld [tilespmem:s1+$0x230];
	v5 =	vadd.f32 v49, v54  }
0x382: {  	[tilespmem:s30+$0x1420] =	vst v48;
	v59 =	vld [tilespmem:s15+$0x230]  }
0x383: {  	v53 =	vld [tilespmem:s31+$0x230];
	[tilespmem:s16+$0x1420] =	vst v5  }
0x384: {  	v6 =	vmul.f32 $2.771281240e+01, v51;
	v61 =	vld [tilespmem:s20+$0x230]  }
0x385: {  	v63 =	vld [tilespmem:s0+$0x1440];
	v16 =	vmul.f32 $2.771281240e+01, v56  }
0x386: {  	v20 =	vld [tilespmem:s7+$0x1440];
	v57 =	vmul.f32 $2.771281240e+01, v50;
	v6 =	vadd.f32 v55, v6  }
0x387: {  	v22 =	vld [tilespmem:s16+$0x1440];
	v18 =	vmul.f32 $2.771281240e+01, v58;
	v8 =	vadd.f32 v59, v16  }
0x388: {  	v62 =	vld [tilespmem:s30+$0x1440];
	v60 =	vadd.f32 v53, v57;
	[tilespmem:s0+$0x1430] =	vst v6  }
0x389: {  	[tilespmem:s7+$0x1430] =	vst v8;
	v19 =	vld [tilespmem:s1+$0x240];
	v6 =	vadd.f32 v61, v18  }
0x38a: {  	[tilespmem:s30+$0x1430] =	vst v60;
	v23 =	vld [tilespmem:s15+$0x240]  }
0x38b: {  	v17 =	vld [tilespmem:s31+$0x240];
	[tilespmem:s16+$0x1430] =	vst v6  }
0x38c: {  	v5 =	vmul.f32 $2.771281240e+01, v63;
	v25 =	vld [tilespmem:s20+$0x240]  }
0x38d: {  	v34 =	vld [tilespmem:s16+$0x1450];
	v28 =	vmul.f32 $2.771281240e+01, v20  }
0x38e: {  	v26 =	vld [tilespmem:s30+$0x1450];
	v21 =	vmul.f32 $2.771281240e+01, v62;
	v5 =	vadd.f32 v19, v5  }
0x38f: {  	v27 =	vld [tilespmem:s0+$0x1450];
	v30 =	vmul.f32 $2.771281240e+01, v22;
	v9 =	vadd.f32 v23, v28  }
0x390: {  	v32 =	vld [tilespmem:s7+$0x1450];
	v24 =	vadd.f32 v17, v21;
	[tilespmem:s0+$0x1440] =	vst v5  }
0x391: {  	[tilespmem:s7+$0x1440] =	vst v9;
	v31 =	vld [tilespmem:s1+$0x250];
	v5 =	vadd.f32 v25, v30  }
0x392: {  	[tilespmem:s30+$0x1440] =	vst v24;
	v35 =	vld [tilespmem:s15+$0x250]  }
0x393: {  	v29 =	vld [tilespmem:s31+$0x250];
	[tilespmem:s16+$0x1440] =	vst v5  }
0x394: {  	v6 =	vmul.f32 $2.771281240e+01, v27;
	v37 =	vld [tilespmem:s20+$0x250]  }
0x395: {  	v46 =	vld [tilespmem:s16+$0x1460];
	v40 =	vmul.f32 $2.771281240e+01, v32  }
0x396: {  	v38 =	vld [tilespmem:s30+$0x1460];
	v33 =	vmul.f32 $2.771281240e+01, v26;
	v6 =	vadd.f32 v31, v6  }
0x397: {  	v39 =	vld [tilespmem:s0+$0x1460];
	v42 =	vmul.f32 $2.771281240e+01, v34;
	v8 =	vadd.f32 v35, v40  }
0x398: {  	v44 =	vld [tilespmem:s7+$0x1460];
	v36 =	vadd.f32 v29, v33;
	[tilespmem:s0+$0x1450] =	vst v6  }
0x399: {  	[tilespmem:s7+$0x1450] =	vst v8;
	v43 =	vld [tilespmem:s1+$0x260];
	v6 =	vadd.f32 v37, v42  }
0x39a: {  	[tilespmem:s30+$0x1450] =	vst v36;
	v47 =	vld [tilespmem:s15+$0x260]  }
0x39b: {  	v41 =	vld [tilespmem:s31+$0x260];
	[tilespmem:s16+$0x1450] =	vst v6  }
0x39c: {  	v5 =	vmul.f32 $2.771281240e+01, v39;
	v49 =	vld [tilespmem:s20+$0x260]  }
0x39d: {  	v50 =	vld [tilespmem:s30+$0x1470];
	v52 =	vmul.f32 $2.771281240e+01, v44  }
0x39e: {  	v56 =	vld [tilespmem:s7+$0x1470];
	v45 =	vmul.f32 $2.771281240e+01, v38;
	v5 =	vadd.f32 v43, v5  }
0x39f: {  	v51 =	vld [tilespmem:s0+$0x1470];
	v54 =	vmul.f32 $2.771281240e+01, v46;
	v9 =	vadd.f32 v47, v52  }
0x3a0: {  	v57 =	vld [tilespmem:s16+$0x1470];
	v48 =	vadd.f32 v41, v45;
	[tilespmem:s0+$0x1460] =	vst v5  }
0x3a1: {  	[tilespmem:s7+$0x1460] =	vst v9;
	v55 =	vld [tilespmem:s1+$0x270];
	v5 =	vadd.f32 v49, v54  }
0x3a2: {  	v3 =	vmul.f32 $2.771281240e+01, v3;
	[tilespmem:s30+$0x1460] =	vst v48;
	v9 =	vld [tilespmem:s15+$0x270]  }
0x3a3: {  	v53 =	vld [tilespmem:s31+$0x270];
	[tilespmem:s16+$0x1460] =	vst v5  }
0x3a4: {  	v3 =	vadd.f32 v4, v3;
	v60 =	vmul.f32 $2.771281240e+01, v51;
	v59 =	vld [tilespmem:s20+$0x270]  }
0x3a5: {  	v61 =	vmul.f32 $2.771281240e+01, v56  }
0x3a6: {  	p3 =	seq.s32 s24, $0x0;
	[tilespmem:s29+$0x1470] =	vst v3;
	v58 =	vmul.f32 $2.771281240e+01, v50;
	v3 =	vadd.f32 v55, v60  }
.Ltmp13:
0x3a7: {  	v62 =	vmul.f32 $2.771281240e+01, v57;
	v63 =	vadd.f32 v9, v61;
	(pc) =	sbr.rel @p3 .LBB2_24-.Ltmp13, $4  }
0x3a8: {  	v5 =	vadd.f32 v53, v58;
	[tilespmem:s0+$0x1470] =	vst v3  }
0x3a9: {  	[tilespmem:s7+$0x1470] =	vst v63;
	v3 =	vadd.f32 v59, v62  }
0x3aa: {  	[tilespmem:s30+$0x1470] =	vst v5  }
0x3ab: {  	[tilespmem:s16+$0x1470] =	vst v3  }
0x3ac: {  	s0 =	sadd.s32 $0xFFFFFFFF, s24  }
0x3ad: {  	s0 =	sand.u32 $0x3, s0  }
0x3ae: {  	p3 =	sgt.s32 s0, $0x1  }
0x3af: {  	p4 =	seq.s32 @p3 s0, $0x2  }
0x3b0: {  	p5 =	seq.s32 @!p3 s0, $0x0;
	p4 =	por !p4, !p3  }
0x3b1: {  	s0 =	simm.s32 $0x6;
	p5 =	por !p5, p3;
	s1 =	simm.s32 @!p4 $0x8  }
0x3b2: {  	s0 =	simm.s32 @p5 $0x7;
	s1 =	simm.s32 @p4 $0x9  }
0x3b3: {  	s0 =	smov.u32 @p3 s1;
	p3 =	sne.s32 s26, $0x0  }
.Ltmp14:
0x3b4: {  	_ = 	snop;
	(pc) =	sbr.rel @p3 .LBB2_25-.Ltmp14, $4  }
0x3b5: {  	_ = 	snop  }
0x3b6: {  	_ =	swait.ge [sflag:s0], $0x3000  }
0x3b7: {  	[sflag:s0] =	ssyncset.done $0x0  }
0x3b8: {  	[sflag:s0] =	ssyncadd.s32 $0xFFFFD000  }
.LBB2_24:
0x3b9: {  	s0 =	sshll.u32 s25, $0x4  }
0x3ba: {  	s0 =	sadd.s32 s6, s0  }
0x3bb: {  	s0 =	sshrl.u32 s0, $0x3  }
0x3bc: {  	s0 =	smul.u32 $0x300, s0;
	_ =	sdelay $0x1  }
0x3bd: {  	s0 =	sadd.s32 s3, s0  }
0x3be: {  	[hbm4b:s0+s4] =	stream.linear.scatter [tilespmem:s28], [sflag:$0x6], $0x3000, $0x38;
	[tilespmem:$0x12400] =	vst v63  }
.LBB2_25:
0x3bf: {  	s0 =	sshll.u32 @p2 s25, $0x4  }
0x3c0: {  	s0 =	sadd.s32 @p2 s6, s0  }
0x3c1: {  	s0 =	sshrl.u32 @p2 s0, $0x3  }
0x3c2: {  	s0 =	sor.u32 @p2 $0x400, s0  }
0x3c3: {  	s0 =	smul.u32 @p2 $0x300, s0;
	_ =	sdelay $0x1  }
0x3c4: {  	s1 =	simm.s32 @p2 $0x0;
	s7 =	simm.s32 @p2 $0x9400;
	s0 =	sadd.s32 @p2 s3, s0  }
0x3c5: {  	[hbm4b:s0+s1] =	stream.linear.scatter @p2 [tilespmem:s7], [sflag:$0x7], $0x3000, $0x38;
	[tilespmem:$0x12400] =	vst v63  }
0x3c6: {  	s0 =	sshll.u32 @p0 s25, $0x4  }
0x3c7: {  	s0 =	sadd.s32 @p0 s6, s0  }
0x3c8: {  	s0 =	sshrl.u32 @p0 s0, $0x3  }
0x3c9: {  	s0 =	sor.u32 @p0 $0x800, s0  }
0x3ca: {  	s0 =	smul.u32 @p0 $0x300, s0  }
0x3cb: {  	s8 =	simm.s32 @p0 $0xC400;
	s1 =	sshll.u32 @p1 s25, $0x4  }
0x3cc: {  	s7 =	simm.s32 @p0 $0x0;
	s1 =	sadd.s32 @p1 s6, s1;
	s0 =	sadd.s32 @p0 s3, s0  }
0x3cd: {  	[hbm4b:s0+s7] =	stream.linear.scatter @p0 [tilespmem:s8], [sflag:$0x8], $0x3000, $0x38;
	[tilespmem:$0x12400] =	vst v63  }
0x3ce: {  	s1 =	sshrl.u32 @p1 s1, $0x3;
	p0 =	sgt.u32 s24, $0x3C  }
.Ltmp15:
0x3cf: {  	s1 =	sor.u32 @p1 $0xC00, s1;
	(pc) =	sbr.rel @p0 .LBB2_27-.Ltmp15, $3  }
0x3d0: {  	s1 =	smul.u32 @p1 $0x300, s1;
	_ =	sdelay $0x1  }
0x3d1: {  	s0 =	sadd.s32 @p1 s3, s1;
	s1 =	simm.s32 @p1 $0x0;
	s7 =	simm.s32 @p1 $0xF400  }
0x3d2: {  	[hbm4b:s0+s1] =	stream.linear.scatter @p1 [tilespmem:s7], [sflag:$0x9], $0x3000, $0x38;
	[tilespmem:$0x12400] =	vst v63  }
0x3d3: {  	s0 =	sadd.s32 $0x3, s24  }
0x3d4: {  	s7 =	sand.u32 $0x3, s0  }
0x3d5: {  	p0 =	sgt.s32 s7, $0x1  }
0x3d6: {  	s1 =	sshll.u32 s0, $0x2;
	s8 =	sshll.u32 s0, $0x4;
	p1 =	seq.s32 @p0 s7, $0x2  }
0x3d7: {  	s0 =	sand.u32 $0x70, s1;
	s1 =	sand.u32 $0x600, s8;
	p2 =	por !p1, !p0  }
0x3d8: {  	s8 =	sadd.s32 @!p2 s0, s1  }
0x3d9: {  	v3 =	vld @!p2 [tilespmem:s8+$0x100];
	_ =	sdelay $0x4  }
0x3da: {  	v4 =	vshrl.u32 @!p2 v3, $0x3  }
0x3db: {  	v4 =	vmul.u32 @!p2 $0x30, v4  }
0x3dc: {  	v5 =	vlaneseq.u32 @!p2;
	v3 =	vand.u32 @!p2 $0x7, v3  }
0x3dd: {  	v6 =	vshrl.u32 @!p2 v5, $0x3;
	v3 =	vor.u32 @!p2 v3, v4;
	v4 =	vand.u32 @!p2 $0x7, v5  }
0x3de: {  	v6 =	vmul.u32 @!p2 $0x8, v6;
	v4 =	vperm.xlane @!p2 v3, v4;
	_ =	sdelay $0x1  }
0x3df: {  	v4 =	vadd.s32 @!p2 v6, v4;
	_ =	sdelay $0x2  }
0x3e0: {  	v5 =	vor.u32 @!p2 $0x8, v5  }
0x3e1: {  	vm1 =	vmmov @!p2 $0xffff;
	s9 =	simm.s32 @!p2 $0xC400;
	s8 =	simm.s32 @!p2 $0x0;
	v3 =	vperm.xlane @!p2 v3, v5  }
0x3e2: {  	[tilespmem:s9], [sflag:$0x4] =	stream.indirect_vreg.gather @!p2 [hbm4b:s2+s8], $0x80, v4, vm1, $0xb8;
	[tilespmem:$0x12400] =	vst v63  }
0x3e3: {  	v3 =	vadd.s32 @!p2 v6, v3;
	s9 =	simm.s32 @!p2 $0xCC00  }
0x3e4: {  	[tilespmem:s9], [sflag:$0x4] =	stream.indirect_vreg.gather @!p2 [hbm4b:s12+s8], $0x80, v4, vm1, $0xb8;
	[tilespmem:$0x12400] =	vst v63  }
0x3e5: {  	s9 =	simm.s32 @!p2 $0xD400  }
0x3e6: {  	[tilespmem:s9], [sflag:$0x4] =	stream.indirect_vreg.gather @!p2 [hbm4b:s13+s8], $0x80, v4, vm1, $0xb8;
	[tilespmem:$0x12400] =	vst v63  }
0x3e7: {  	s9 =	simm.s32 @!p2 $0xDC00  }
0x3e8: {  	[tilespmem:s9], [sflag:$0x4] =	stream.indirect_vreg.gather @!p2 [hbm4b:s2+s8], $0x80, v3, vm1, $0xb8;
	[tilespmem:$0x12400] =	vst v63  }
0x3e9: {  	s9 =	simm.s32 @!p2 $0xE400  }
0x3ea: {  	[tilespmem:s9], [sflag:$0x4] =	stream.indirect_vreg.gather @!p2 [hbm4b:s12+s8], $0x80, v3, vm1, $0xb8;
	[tilespmem:$0x12400] =	vst v63  }
0x3eb: {  	p1 =	por p1, !p0;
	s9 =	simm.s32 @!p2 $0xEC00  }
0x3ec: {  	[tilespmem:s9], [sflag:$0x4] =	stream.indirect_vreg.gather @!p2 [hbm4b:s13+s8], $0x80, v3, vm1, $0xb8;
	[tilespmem:$0x12400] =	vst v63  }
0x3ed: {  	s8 =	sadd.s32 @!p1 s0, s1  }
0x3ee: {  	v3 =	vld @!p1 [tilespmem:s8+$0x180];
	_ =	sdelay $0x4  }
0x3ef: {  	v4 =	vshrl.u32 @!p1 v3, $0x3  }
0x3f0: {  	v4 =	vmul.u32 @!p1 $0x30, v4  }
0x3f1: {  	v5 =	vlaneseq.u32 @!p1;
	v3 =	vand.u32 @!p1 $0x7, v3  }
0x3f2: {  	v6 =	vshrl.u32 @!p1 v5, $0x3;
	v3 =	vor.u32 @!p1 v3, v4;
	v4 =	vand.u32 @!p1 $0x7, v5  }
0x3f3: {  	v6 =	vmul.u32 @!p1 $0x8, v6;
	v4 =	vperm.xlane @!p1 v3, v4;
	_ =	sdelay $0x1  }
0x3f4: {  	v4 =	vadd.s32 @!p1 v6, v4;
	_ =	sdelay $0x2  }
0x3f5: {  	v5 =	vor.u32 @!p1 $0x8, v5  }
0x3f6: {  	vm1 =	vmmov @!p1 $0xffff;
	s9 =	simm.s32 @!p1 $0xF400;
	s8 =	simm.s32 @!p1 $0x0;
	v3 =	vperm.xlane @!p1 v3, v5  }
0x3f7: {  	[tilespmem:s9], [sflag:$0x5] =	stream.indirect_vreg.gather @!p1 [hbm4b:s2+s8], $0x80, v4, vm1, $0xb8;
	[tilespmem:$0x12400] =	vst v63  }
0x3f8: {  	v3 =	vadd.s32 @!p1 v6, v3;
	s9 =	simm.s32 @!p1 $0xFC00  }
0x3f9: {  	[tilespmem:s9], [sflag:$0x5] =	stream.indirect_vreg.gather @!p1 [hbm4b:s12+s8], $0x80, v4, vm1, $0xb8;
	[tilespmem:$0x12400] =	vst v63  }
0x3fa: {  	s9 =	simm.s32 @!p1 $0x10400  }
0x3fb: {  	[tilespmem:s9], [sflag:$0x5] =	stream.indirect_vreg.gather @!p1 [hbm4b:s13+s8], $0x80, v4, vm1, $0xb8;
	[tilespmem:$0x12400] =	vst v63  }
0x3fc: {  	s9 =	simm.s32 @!p1 $0x10C00  }
0x3fd: {  	[tilespmem:s9], [sflag:$0x5] =	stream.indirect_vreg.gather @!p1 [hbm4b:s2+s8], $0x80, v3, vm1, $0xb8;
	[tilespmem:$0x12400] =	vst v63  }
0x3fe: {  	s9 =	simm.s32 @!p1 $0x11400  }
0x3ff: {  	[tilespmem:s9], [sflag:$0x5] =	stream.indirect_vreg.gather @!p1 [hbm4b:s12+s8], $0x80, v3, vm1, $0xb8;
	[tilespmem:$0x12400] =	vst v63  }
0x400: {  	s9 =	simm.s32 @!p1 $0x11C00  }
0x401: {  	[tilespmem:s9], [sflag:$0x5] =	stream.indirect_vreg.gather @!p1 [hbm4b:s13+s8], $0x80, v3, vm1, $0xb8;
	[tilespmem:$0x12400] =	vst v63  }
0x402: {  	p1 =	seq.s32 @!p0 s7, $0x0  }
0x403: {  	p2 =	por !p1, p0  }
0x404: {  	s7 =	sadd.s32 @!p2 s0, s1  }
0x405: {  	v3 =	vld @!p2 [tilespmem:s7+$0x0];
	_ =	sdelay $0x4  }
0x406: {  	v4 =	vshrl.u32 @!p2 v3, $0x3  }
0x407: {  	v4 =	vmul.u32 @!p2 $0x30, v4  }
0x408: {  	v5 =	vlaneseq.u32 @!p2;
	v3 =	vand.u32 @!p2 $0x7, v3  }
0x409: {  	v6 =	vshrl.u32 @!p2 v5, $0x3;
	v3 =	vor.u32 @!p2 v3, v4;
	v4 =	vand.u32 @!p2 $0x7, v5  }
0x40a: {  	v6 =	vmul.u32 @!p2 $0x8, v6;
	v4 =	vperm.xlane @!p2 v3, v4;
	_ =	sdelay $0x1  }
0x40b: {  	v4 =	vadd.s32 @!p2 v6, v4;
	_ =	sdelay $0x2  }
0x40c: {  	v5 =	vor.u32 @!p2 $0x8, v5  }
0x40d: {  	vm1 =	vmmov @!p2 $0xffff;
	s8 =	simm.s32 @!p2 $0x6400;
	s7 =	simm.s32 @!p2 $0x0;
	v3 =	vperm.xlane @!p2 v3, v5  }
0x40e: {  	[tilespmem:s8], [sflag:$0x2] =	stream.indirect_vreg.gather @!p2 [hbm4b:s2+s7], $0x80, v4, vm1, $0xb8;
	[tilespmem:$0x12400] =	vst v63  }
0x40f: {  	v3 =	vadd.s32 @!p2 v6, v3;
	s8 =	simm.s32 @!p2 $0x6C00  }
0x410: {  	[tilespmem:s8], [sflag:$0x2] =	stream.indirect_vreg.gather @!p2 [hbm4b:s12+s7], $0x80, v4, vm1, $0xb8;
	[tilespmem:$0x12400] =	vst v63  }
0x411: {  	s8 =	simm.s32 @!p2 $0x7400  }
0x412: {  	[tilespmem:s8], [sflag:$0x2] =	stream.indirect_vreg.gather @!p2 [hbm4b:s13+s7], $0x80, v4, vm1, $0xb8;
	[tilespmem:$0x12400] =	vst v63  }
0x413: {  	s8 =	simm.s32 @!p2 $0x7C00  }
0x414: {  	[tilespmem:s8], [sflag:$0x2] =	stream.indirect_vreg.gather @!p2 [hbm4b:s2+s7], $0x80, v3, vm1, $0xb8;
	[tilespmem:$0x12400] =	vst v63  }
0x415: {  	p0 =	por p1, p0;
	s8 =	simm.s32 @!p2 $0x8400  }
0x416: {  	[tilespmem:s8], [sflag:$0x2] =	stream.indirect_vreg.gather @!p2 [hbm4b:s12+s7], $0x80, v3, vm1, $0xb8;
	[tilespmem:$0x12400] =	vst v63  }
0x417: {  	s0 =	sadd.s32 @!p0 s0, s1;
	s8 =	simm.s32 @!p2 $0x8C00  }
0x418: {  	[tilespmem:s8], [sflag:$0x2] =	stream.indirect_vreg.gather @!p2 [hbm4b:s13+s7], $0x80, v3, vm1, $0xb8;
	[tilespmem:$0x12400] =	vst v63  }
0x419: {  	v3 =	vld @!p0 [tilespmem:s0+$0x80];
	_ =	sdelay $0x4  }
0x41a: {  	v4 =	vshrl.u32 @!p0 v3, $0x3  }
0x41b: {  	v4 =	vmul.u32 @!p0 $0x30, v4  }
0x41c: {  	v5 =	vlaneseq.u32 @!p0;
	v3 =	vand.u32 @!p0 $0x7, v3  }
0x41d: {  	v6 =	vshrl.u32 @!p0 v5, $0x3;
	v3 =	vor.u32 @!p0 v3, v4;
	v4 =	vand.u32 @!p0 $0x7, v5  }
0x41e: {  	v6 =	vmul.u32 @!p0 $0x8, v6;
	v4 =	vperm.xlane @!p0 v3, v4;
	_ =	sdelay $0x1  }
0x41f: {  	v4 =	vadd.s32 @!p0 v6, v4;
	_ =	sdelay $0x2  }
0x420: {  	v5 =	vor.u32 @!p0 $0x8, v5  }
0x421: {  	s1 =	simm.s32 @!p0 $0x9400;
	vm1 =	vmmov @!p0 $0xffff;
	s0 =	simm.s32 @!p0 $0x0;
	v3 =	vperm.xlane @!p0 v3, v5  }
0x422: {  	[tilespmem:s1], [sflag:$0x3] =	stream.indirect_vreg.gather @!p0 [hbm4b:s2+s0], $0x80, v4, vm1, $0xb8;
	[tilespmem:$0x12400] =	vst v63  }
0x423: {  	v3 =	vadd.s32 @!p0 v6, v3;
	s1 =	simm.s32 @!p0 $0x9C00  }
0x424: {  	[tilespmem:s1], [sflag:$0x3] =	stream.indirect_vreg.gather @!p0 [hbm4b:s12+s0], $0x80, v4, vm1, $0xb8;
	[tilespmem:$0x12400] =	vst v63  }
0x425: {  	s1 =	simm.s32 @!p0 $0xA400  }
0x426: {  	[tilespmem:s1], [sflag:$0x3] =	stream.indirect_vreg.gather @!p0 [hbm4b:s13+s0], $0x80, v4, vm1, $0xb8;
	[tilespmem:$0x12400] =	vst v63  }
0x427: {  	s1 =	simm.s32 @!p0 $0xAC00  }
0x428: {  	[tilespmem:s1], [sflag:$0x3] =	stream.indirect_vreg.gather @!p0 [hbm4b:s2+s0], $0x80, v3, vm1, $0xb8;
	[tilespmem:$0x12400] =	vst v63  }
.Ltmp16:
0x429: {  	_ = 	snop;
	(pc) =	sbr.rel .LBB2_27-.Ltmp16, $4  }
0x42a: {  	s1 =	simm.s32 @!p0 $0xB400  }
0x42b: {  	[tilespmem:s1], [sflag:$0x3] =	stream.indirect_vreg.gather @!p0 [hbm4b:s12+s0], $0x80, v3, vm1, $0xb8;
	[tilespmem:$0x12400] =	vst v63  }
0x42c: {  	s1 =	simm.s32 @!p0 $0xBC00  }
0x42d: {  	[tilespmem:s1], [sflag:$0x3] =	stream.indirect_vreg.gather @!p0 [hbm4b:s13+s0], $0x80, v3, vm1, $0xb8;
	[tilespmem:$0x12400] =	vst v63  }
.LBB2_10:
.Ltmp17:
0x42e: {  	(pc) =	sbr.rel @!p1 .LBB2_11-.Ltmp17, $2  }
0x42f: {  	_ =	sdelay $0x2  }
0x430: {  	p0 =	por $0x0, $0x0  }
0x431: {  	s1 =	sshll.u32 s25, $0x4  }
0x432: {  	s1 =	sadd.s32 s1, s14  }
0x433: {  	s1 =	smul.u32 $0x60, s1;
	_ =	sdelay $0x1  }
0x434: {  	s7 =	simm.s32 $0x400;
	s1 =	sadd.s32 s5, s1  }
0x435: {  	s8 =	simm.s32 $0x10;
	s9 =	simm.s32 $0x500;
	s15 =	sadd.s32 $0x0, s1  }
.LBB2_16:
0x436: {  	[tilespmem:s7], [sflag:$0x1] =	stream.linear.gather [hbm4b:s15+s4], $0x80, $0x38;
	[tilespmem:$0x12400] =	vst v63  }
0x437: {  	s15 =	smov.u32 s8;
	s7 =	smov.u32 s9;
	p1 =	seq.s32 s8, $0x5F0  }
.Ltmp18:
0x438: {  	s8 =	sadd.s32 $0x10, s8;
	(pc) =	sbr.rel @!p1 .LBB2_16-.Ltmp18, $2  }
0x439: {  	_ =	sdelay $0x2  }
0x43a: {  	s9 =	sadd.s32 $0x100, s9;
	s15 =	sadd.s32 s15, s1  }
.Ltmp19:
0x43b: {  	(pc) =	sbr.rel .LBB2_20-.Ltmp19, $3  }
0x43c: {  	_ =	sdelay $0x1  }
0x43d: {  	[tilespmem:s7], [sflag:$0x1] =	stream.linear.gather [hbm4b:s15+s4], $0x80, $0x38;
	[tilespmem:$0x12400] =	vst v63  }
0x43e: {  	p2 =	por $0x0, $0x0;
	p1 =	por $0x0, $0x0  }
.LBB2_9:
.Ltmp20:
0x43f: {  	(pc) =	sbr.rel .LBB2_20-.Ltmp20, $2  }
0x440: {  	_ =	sdelay $0x2  }
0x441: {  	p2 =	por $0x0, $0x0;
	p1 =	por $0x0, $0x0  }
.LBB2_11:
.Ltmp21:
0x442: {  	(pc) =	sbr.rel .LBB2_20-.Ltmp21, $2  }
0x443: {  	_ =	sdelay $0x2  }
0x444: {  	p2 =	por $0x0, $0x0;
	p1 =	por $0x0, $0x0  }
.LBB2_29:
0x445: {  	_ =	sfence.sel $0x180000  }
0x446: {  	[bflag:$0x0] =	sbarrier.arrive $0xFFFF  }
0x447: {  	_ =	strace $0x90000047  }
0x448: {  	s0 =	stileid.u32;
	[bflag:$0x2] =	sbarrier.arrive $0xFFFF  }
0x449: {  	p0 =	sne.s32 s0, $0x0;
	s0 =	rddreg [dreg:$0x3]  }
0x44a: {  	s0 =	sadd.s32 @!p0 $0x100000, s0  }
0x44b: {  	[sflag:s0] =	ssyncadd.tile.s32 @!p0 $0x1;
	_ =	shalt  }
.Lfunc_end2:
_tile_overlayer_lowered:
.L_overlay_start_2:
0x44c: {  	(tag) =	ssettag $0x2  }
0x44d: {  	s0 =	rddreg [dreg:$0x0];
	s2 =	stileid.u32  }
0x44e: {  	s1 =	rddreg [dreg:$0x1];
	p0 =	sne.s32 s2, $0x0  }
0x44f: {  	s3 =	rddreg [dreg:$0x2];
	[bflag:$0x3] =	sbarrier.arrive $0xFFFF;
	s2 =	simm.s32 @!p0 $0x1C0A  }
0x450: {  	[timem:s3], [sflag:s2] =	dma.local @!p0 [hbm:s0], s1  }
0x451: {  	s0 =	simm.s32 @!p0 $0xA  }
0x452: {  	_ =	swait.ge @!p0 [sflag:s0], s1  }
0x453: {  	s1 =	ssub.s32 @!p0 $0x0, s1;
	[sflag:s0] =	ssyncset.done @!p0 $0x0  }
0x454: {  	[sflag:s0] =	ssyncadd.s32 @!p0 s1  }
0x455: {  	[bflag:$0x3] =	sbarrier.arrive $0xFFFF  }
0x456: {  	_ =	shalt  }

</sc_bundles>
